<compile_context>
chip_gen: v7x
topology: tpu7x:2x2x1
jax: 0.10.2.dev20260603
libtpu: 0.0.44.dev20260713+nightly
codegen_flags: <defaults>
</compile_context>

<pallas_src>
import functools

import jax
import jax.numpy as jnp
from jax import lax
from jax.experimental import pallas as pl
from jax.experimental.pallas import tpu as pltpu
from jax.experimental.pallas import tpu_sc as plsc

NN = 100000
EE = 1600000
NC = 2
NS = 16
NPAD = 100352
RPT = NPAD // NS
CHUNK = 512
SUP = 4
NW = NC * NS
JCP = 3200
EPAD = JCP * CHUNK
SPT32 = JCP // (NS * SUP)
SPT1 = JCP // (NW * SUP)
F32 = jnp.float32


@functools.cache
def _mesh():
    return plsc.VectorSubcoreMesh(core_axis_name="c", subcore_axis_name="s",
                                  num_cores=NC, num_subcores=NS)


def _span(w, total, nw):
    lo = total // nw
    extra = total - lo * nw
    t0 = w * lo + jnp.minimum(w, extra)
    cnt = lo + jnp.where(w < extra, 1, 0)
    return t0, cnt


@functools.cache
def _flags_deg_k():
    return pl.kernel(
        _flags_deg_body,
        out_type=jax.ShapeDtypeStruct((4, NPAD, 1), F32),
        mesh=_mesh(),
        compiler_params=pltpu.CompilerParams(use_tc_tiling_on_sc=False),
        scratch_types=(
            pltpu.VMEM_SHARED((NPAD, 1), F32),
            pltpu.VMEM_SHARED((NPAD, 1), F32),
            pltpu.VMEM_SHARED((NPAD, 1), F32),
            pltpu.VMEM((CHUNK, 1), F32),
            pltpu.VMEM((400, 1), F32),
            pltpu.VMEM((CHUNK,), jnp.int32),
            pltpu.VMEM((400,), jnp.int32),
        ),
    )


def _flags_deg_body(dst, bidx, iidx, z1, ones, f_out,
                    wb_acc, wi_acc, dg_acc, onec, one400, ibc, ib400):
    c = lax.axis_index("c")
    s = lax.axis_index("s")
    w = c * NS + s
    base = s * RPT
    pltpu.sync_copy(z1.at[pl.ds(base, RPT), :], dg_acc.at[pl.ds(base, RPT), :])
    pltpu.sync_copy(ones.at[pl.ds(0, CHUNK), :], onec)
    pltpu.sync_copy(ones.at[pl.ds(0, 400), :], one400)

    @pl.when(c == 0)
    def _zero_flags():
        pltpu.sync_copy(z1.at[pl.ds(base, RPT), :], wb_acc.at[pl.ds(base, RPT), :])
        pltpu.sync_copy(z1.at[pl.ds(base, RPT), :], wi_acc.at[pl.ds(base, RPT), :])

    plsc.subcore_barrier()

    t0 = w * (SPT1 * SUP)

    def deg_step(i, carry):
        j = t0 + i
        pltpu.sync_copy(dst.at[pl.ds(j * CHUNK, CHUNK)], ibc)
        pltpu.sync_copy(onec, dg_acc.at[ibc], add=True)
        return carry

    lax.fori_loop(0, SPT1 * SUP, deg_step, 0)

    @pl.when(c == 0)
    def _flags():
        b0, bcnt = _span(s, 25, NS)

        def b_step(i, carry):
            pltpu.sync_copy(bidx.at[pl.ds((b0 + i) * 400, 400)], ib400)
            pltpu.sync_copy(one400, wb_acc.at[ib400], add=True)
            return carry

        lax.fori_loop(0, bcnt, b_step, 0)
        i0, icnt = _span(s, 225, NS)

        def i_step(i, carry):
            pltpu.sync_copy(iidx.at[pl.ds((i0 + i) * 400, 400)], ib400)
            pltpu.sync_copy(one400, wi_acc.at[ib400], add=True)
            return carry

        lax.fori_loop(0, icnt, i_step, 0)

    plsc.subcore_barrier()

    @pl.when(c == 0)
    def _out_dg0():
        pltpu.sync_copy(dg_acc.at[pl.ds(base, RPT), :],
                        f_out.at[2, pl.ds(base, RPT), :])

    @pl.when(c == 1)
    def _out_dg1():
        pltpu.sync_copy(dg_acc.at[pl.ds(base, RPT), :],
                        f_out.at[3, pl.ds(base, RPT), :])

    @pl.when(c == 0)
    def _out_flags():
        pltpu.sync_copy(wb_acc.at[pl.ds(base, RPT), :],
                        f_out.at[0, pl.ds(base, RPT), :])
        pltpu.sync_copy(wi_acc.at[pl.ds(base, RPT), :],
                        f_out.at[1, pl.ds(base, RPT), :])


def _make_spmm_split(width):

    def body(srcR, dstR, table, zeros, out, acc, sidx, didx, rows0, rows1,
             g0, g1):
        c = lax.axis_index("c")
        s = lax.axis_index("s")
        base = s * RPT
        pltpu.sync_copy(zeros.at[pl.ds(base, RPT), :], acc.at[pl.ds(base, RPT), :])
        plsc.subcore_barrier()

        t0 = (c * NS + s) * (SPT1 * SUP)
        rows = (rows0, rows1)
        gs = (g0, g1)

        def outer(r, carry):
            j = t0 + r * SUP
            pltpu.sync_copy(srcR.at[pl.ds(j, SUP), :], sidx)
            pltpu.sync_copy(dstR.at[pl.ds(j, SUP), :], didx)
            cps = [None] * SUP
            cps[0] = pltpu.async_copy(table.at[sidx.at[0]], rows0, g0)
            for k in range(SUP):
                if k + 1 < SUP:
                    cps[k + 1] = pltpu.async_copy(
                        table.at[sidx.at[k + 1]], rows[(k + 1) % 2],
                        gs[(k + 1) % 2])
                cps[k].wait()
                pltpu.sync_copy(rows[k % 2], acc.at[didx.at[k]], add=True)
            return carry

        lax.fori_loop(0, SPT1, outer, 0)
        plsc.subcore_barrier()
        pltpu.sync_copy(acc.at[pl.ds(base, RPT), :],
                        out.at[c, pl.ds(base, RPT), :])

    return pl.kernel(
        body,
        out_type=jax.ShapeDtypeStruct((NC, NPAD, width), F32),
        mesh=_mesh(),
        compiler_params=pltpu.CompilerParams(use_tc_tiling_on_sc=False),
        scratch_types=(
            pltpu.VMEM_SHARED((NPAD, width), F32),
            pltpu.VMEM((SUP, CHUNK), jnp.int32),
            pltpu.VMEM((SUP, CHUNK), jnp.int32),
            pltpu.VMEM((CHUNK, width), F32),
            pltpu.VMEM((CHUNK, width), F32),
            pltpu.SemaphoreType.DMA,
            pltpu.SemaphoreType.DMA,
        ),
    )


@functools.cache
def _spmm16_k():
    return _make_spmm_split(16)


@functools.cache
def _spmm1_k():
    return _make_spmm_split(1)


@functools.cache
def _spmm32_k():
    return pl.kernel(
        _spmm32_body,
        out_type=jax.ShapeDtypeStruct((NC, NPAD, 16), F32),
        mesh=_mesh(),
        compiler_params=pltpu.CompilerParams(use_tc_tiling_on_sc=False),
        scratch_types=(
            pltpu.VMEM_SHARED((NPAD, 16), F32),
            pltpu.VMEM((SUP, CHUNK), jnp.int32),
            pltpu.VMEM((SUP, CHUNK), jnp.int32),
            pltpu.VMEM((CHUNK, 16), F32),
            pltpu.VMEM((CHUNK, 16), F32),
            pltpu.SemaphoreType.DMA,
            pltpu.SemaphoreType.DMA,
        ),
    )


def _spmm32_body(srcR, dstR, y2, z16, out, acc, sidx, didx, rows0, rows1,
                 g0, g1):
    c = lax.axis_index("c")
    s = lax.axis_index("s")
    base = s * RPT
    pltpu.sync_copy(z16.at[pl.ds(base, RPT), :], acc.at[pl.ds(base, RPT), :])
    plsc.subcore_barrier()

    t0 = s * (SPT32 * SUP)
    rows = (rows0, rows1)
    gs = (g0, g1)
    sjc = c * JCP

    def outer(r, carry):
        j = t0 + r * SUP
        pltpu.sync_copy(srcR.at[pl.ds(sjc + j, SUP), :], sidx)
        pltpu.sync_copy(dstR.at[pl.ds(j, SUP), :], didx)
        cps = [None] * SUP
        cps[0] = pltpu.async_copy(y2.at[sidx.at[0]], rows0, g0)
        for k in range(SUP):
            if k + 1 < SUP:
                cps[k + 1] = pltpu.async_copy(
                    y2.at[sidx.at[k + 1]], rows[(k + 1) % 2], gs[(k + 1) % 2])
            cps[k].wait()
            pltpu.sync_copy(rows[k % 2], acc.at[didx.at[k]], add=True)
        return carry

    lax.fori_loop(0, SPT32, outer, 0)
    plsc.subcore_barrier()
    pltpu.sync_copy(acc.at[pl.ds(base, RPT), :], out.at[c, pl.ds(base, RPT), :])


BM = 4000
_GRID = NN // BM


def _w(shape):
    return pl.BlockSpec(shape, lambda i: (0,) * len(shape))


def _stage2_body(x_ref, f_ref,
                 wb1, bb1, wb2, bb2, wi1, bi1, wi2, bi2,
                 z_ref, dinv_ref):
    xb = x_ref[...]
    mb = jnp.maximum(
        jnp.dot(xb, wb1[...], preferred_element_type=F32) + bb1[...], 0.0)
    mb = jnp.dot(mb, wb2[...], preferred_element_type=F32) + bb2[...]
    mi = jnp.maximum(
        jnp.dot(xb[:, :2], wi1[...], preferred_element_type=F32) + bi1[...], 0.0)
    mi = jnp.dot(mi, wi2[...], preferred_element_type=F32) + bi2[...]
    h = jnp.where(f_ref[1] > 0.5, mi, jnp.where(f_ref[0] > 0.5, mb, 0.0))
    h = jnp.maximum(h, 0.0)
    deg = f_ref[2] + f_ref[3] + 1.0
    dinv = lax.rsqrt(deg)
    z_ref[...] = h * dinv
    dinv_ref[...] = dinv


def _stage2(x, f4, W_b1, b_b1, W_b2, b_b2, W_i1, b_i1, W_i2, b_i2):
    return pl.pallas_call(
        _stage2_body,
        grid=(_GRID,),
        in_specs=[
            pl.BlockSpec((BM, 3), lambda i: (i, 0)),
            pl.BlockSpec((4, BM, 1), lambda i: (0, i, 0)),
            _w((3, 16)), _w((1, 16)), _w((16, 16)), _w((1, 16)),
            _w((2, 16)), _w((1, 16)), _w((16, 16)), _w((1, 16)),
        ],
        out_specs=[
            pl.BlockSpec((BM, 16), lambda i: (i, 0)),
            pl.BlockSpec((BM, 1), lambda i: (i, 0)),
        ],
        out_shape=[
            jax.ShapeDtypeStruct((NN, 16), F32),
            jax.ShapeDtypeStruct((NN, 1), F32),
        ],
    )(x, f4, W_b1, b_b1, W_b2, b_b2, W_i1, b_i1, W_i2, b_i2)


def _gcn1_body(agg_ref, z_ref, dinv_ref, w1_ref, b1_ref, w2_ref, o_ref):
    dinv = dinv_ref[...]
    u = dinv * (agg_ref[0] + agg_ref[1] + z_ref[...])
    h2 = jnp.maximum(
        jnp.dot(u, w1_ref[...], preferred_element_type=F32) + b1_ref[...], 0.0)
    y = jnp.dot(h2, w2_ref[...], preferred_element_type=F32) * dinv
    o_ref[0] = y[:, :16]
    o_ref[1] = y[:, 16:]


def _gcn1(agg1, z, dinv, W_c1, b_c1, W_c2):
    return pl.pallas_call(
        _gcn1_body,
        grid=(_GRID,),
        in_specs=[
            pl.BlockSpec((NC, BM, 16), lambda i: (0, i, 0)),
            pl.BlockSpec((BM, 16), lambda i: (i, 0)),
            pl.BlockSpec((BM, 1), lambda i: (i, 0)),
            _w((16, 32)), _w((1, 32)), _w((32, 32)),
        ],
        out_specs=pl.BlockSpec((NC, BM, 16), lambda i: (0, i, 0)),
        out_shape=jax.ShapeDtypeStruct((NC, NN, 16), F32),
    )(agg1, z, dinv, W_c1, b_c1, W_c2)


def _mid_body(acc_ref, y_ref, dinv_ref, w_ref, b_ref, o_ref):
    a = jnp.concatenate([acc_ref[0], acc_ref[1]], axis=1)
    yv = jnp.concatenate([y_ref[0], y_ref[1]], axis=1)
    dinv = dinv_ref[...]
    h = jnp.maximum(dinv * (a + yv) + b_ref[...], 0.0)
    o_ref[...] = jnp.dot(h, w_ref[...], preferred_element_type=F32) * dinv


def _mid(acc, y, dinv, W, b):
    fo = W.shape[1]
    return pl.pallas_call(
        _mid_body,
        grid=(_GRID,),
        in_specs=[
            pl.BlockSpec((NC, BM, 16), lambda i: (0, i, 0)),
            pl.BlockSpec((NC, BM, 16), lambda i: (0, i, 0)),
            pl.BlockSpec((BM, 1), lambda i: (i, 0)),
            _w((32, fo)), _w((1, 32)),
        ],
        out_specs=pl.BlockSpec((BM, fo), lambda i: (i, 0)),
        out_shape=jax.ShapeDtypeStruct((NN, fo), F32),
    )(acc, y, dinv, W, b)


def _final_body(acc_ref, y_ref, dinv_ref, b_ref, o_ref):
    a = acc_ref[0] + acc_ref[1] + y_ref[...]
    o_ref[...] = dinv_ref[...] * a + b_ref[...]


def _final(acc3, y3, dinv, b):
    return pl.pallas_call(
        _final_body,
        grid=(_GRID,),
        in_specs=[
            pl.BlockSpec((NC, BM, 1), lambda i: (0, i, 0)),
            pl.BlockSpec((BM, 1), lambda i: (i, 0)),
            pl.BlockSpec((BM, 1), lambda i: (i, 0)),
            _w((1, 1)),
        ],
        out_specs=pl.BlockSpec((BM, 1), lambda i: (i, 0)),
        out_shape=jax.ShapeDtypeStruct((NN, 1), F32),
    )(acc3, y3, dinv, b)


def kernel(x, edge_index, boundary_index, interior_index,
           W_b1, b_b1, W_b2, b_b2, W_i1, b_i1, W_i2, b_i2,
           W_c1, b_c1, W_c2, b_c2, W_c3, b_c3):
    src = edge_index[0]
    dst = edge_index[1]
    z1 = jnp.zeros((NPAD, 1), F32)
    z16 = jnp.zeros((NPAD, 16), F32)
    ones = jnp.ones((CHUNK, 1), F32)

    pad = EPAD - EE
    src_p = jnp.concatenate([src, jnp.zeros((pad,), jnp.int32)])
    srcR = src_p.reshape(JCP, CHUNK)
    src2R = jnp.concatenate([src_p, src_p + NN]).reshape(2 * JCP, CHUNK)
    dstR = jnp.concatenate([dst, jnp.full((pad,), NN, jnp.int32)]).reshape(JCP, CHUNK)

    f4 = _flags_deg_k()(dstR.reshape(EPAD), boundary_index, interior_index,
                        z1, ones)
    z, dinv = _stage2(x, f4,
                      W_b1, b_b1.reshape(1, 16), W_b2, b_b2.reshape(1, 16),
                      W_i1, b_i1.reshape(1, 16), W_i2, b_i2.reshape(1, 16))
    agg1 = _spmm16_k()(srcR, dstR, z, z16)
    y2 = _gcn1(agg1, z, dinv, W_c1, b_c1.reshape(1, 32), W_c2)
    acc2 = _spmm32_k()(src2R, dstR, y2.reshape(NC * NN, 16), z16)
    y3 = _mid(acc2, y2, dinv, W_c3, b_c2.reshape(1, 32))
    acc3 = _spmm1_k()(srcR, dstR, y3, z1)
    out = _final(acc3, y3, dinv, b_c3.reshape(1, 1))
    return out

# --- scband reference (transcript-rebuilt; emitter-appended) ---
"""Pipeline reference for scband-net-separate-11390253269712 (READ-ONLY COPY).

The authoritative reference and input builder live on the scoring server;
editing this copy changes nothing except your own understanding.
"""

import jax, jax.numpy as jnp
import numpy as np

N = 100000
E = 1600000


def _gcn(x, edge_index, W, b):
    n = x.shape[0]
    loop = jnp.arange(n, dtype=edge_index.dtype)
    src = jnp.concatenate([edge_index[0], loop])
    dst = jnp.concatenate([edge_index[1], loop])
    deg = jnp.zeros((n,), x.dtype).at[dst].add(1.0)
    dinv = jax.lax.rsqrt(jnp.maximum(deg, 1e-12))
    norm = dinv[src] * dinv[dst]
    xw = x @ W
    out = jnp.zeros((n, W.shape[1]), x.dtype).at[dst].add(xw[src] * norm[:, None])
    return out + b


def _lin_init(k, fi, fo):
    k1, k2 = jax.random.split(k)
    s = 1.0 / np.sqrt(fi)
    W = jax.random.uniform(k1, (fi, fo), jnp.float32, -s, s)
    b = jax.random.uniform(k2, (fo,), jnp.float32, -s, s)
    return W, b


def setup_inputs(seed: int = 0):
    key = jax.random.key(seed)
    ks = jax.random.split(key, 12)
    x = jax.random.normal(ks[0], (N, 3), jnp.float32)
    edge_index = jax.random.randint(ks[1], (2, E), 0, N, dtype=jnp.int32)
    boundary_index = jax.random.randint(ks[2], (10000,), 0, N, dtype=jnp.int32)
    interior_index = jax.random.randint(ks[3], (90000,), 0, N, dtype=jnp.int32)
    W_b1, b_b1 = _lin_init(ks[4], 3, 16)
    W_b2, b_b2 = _lin_init(ks[5], 16, 16)
    W_i1, b_i1 = _lin_init(ks[6], 2, 16)
    W_i2, b_i2 = _lin_init(ks[7], 16, 16)
    W_c1, b_c1 = _lin_init(ks[8], 16, 32)
    W_c2, b_c2 = _lin_init(ks[9], 32, 32)
    W_c3, b_c3 = _lin_init(ks[10], 32, 1)
    return {"x": x, "edge_index": edge_index, "boundary_index": boundary_index,
            "interior_index": interior_index,
            "W_b1": W_b1, "b_b1": b_b1, "W_b2": W_b2, "b_b2": b_b2,
            "W_i1": W_i1, "b_i1": b_i1, "W_i2": W_i2, "b_i2": b_i2,
            "W_c1": W_c1, "b_c1": b_c1, "W_c2": W_c2, "b_c2": b_c2,
            "W_c3": W_c3, "b_c3": b_c3}


def reference(x, edge_index, boundary_index, interior_index,
              W_b1, b_b1, W_b2, b_b2, W_i1, b_i1, W_i2, b_i2,
              W_c1, b_c1, W_c2, b_c2, W_c3, b_c3):
    xb = x[boundary_index]
    xb = jax.nn.relu(xb @ W_b1 + b_b1)
    xb = xb @ W_b2 + b_b2
    xi = x[interior_index, :2]
    xi = jax.nn.relu(xi @ W_i1 + b_i1)
    xi = xi @ W_i2 + b_i2
    h = jnp.zeros((x.shape[0], xb.shape[1]), x.dtype)
    h = h.at[boundary_index].set(xb)
    h = h.at[interior_index].set(xi)
    h = jax.nn.relu(h)
    h = jax.nn.relu(_gcn(h, edge_index, W_c1, b_c1))
    h = jax.nn.relu(_gcn(h, edge_index, W_c2, b_c2))
    out = _gcn(h, edge_index, W_c3, b_c3)
    return out

if __name__ == "__main__":
    import jax
    _d = setup_inputs()
    print(jax.jit(kernel)(*tuple(_d.values())))

</pallas_src>

<mosaic_0001>
#map = affine_map<(d0, d1) -> (0, 0)>
#map1 = affine_map<(d0, d1) -> (0, 0, 0)>
module attributes {stable_mosaic.version = 14 : i64} {
  func.func @body(%arg0: i32, %arg1: i32, %arg2: memref<3200x512xi32, #tpu.memory_space<hbm>>, %arg3: memref<3200x512xi32, #tpu.memory_space<hbm>>, %arg4: memref<100000x1xf32, #tpu.memory_space<hbm>>, %arg5: memref<100352x1xf32, #tpu.memory_space<hbm>>, %arg6: memref<2x100352x1xf32, #tpu.memory_space<hbm>>, %arg7: memref<100352x1xf32, #tpu.memory_space<vmem_shared>>, %arg8: memref<4x512xi32, #tpu.memory_space<vmem>>, %arg9: memref<4x512xi32, #tpu.memory_space<vmem>>, %arg10: memref<512x1xf32, #tpu.memory_space<vmem>>, %arg11: memref<512x1xf32, #tpu.memory_space<vmem>>, %arg12: memref<!tpu.dma_semaphore, #tpu.memory_space<semaphore_mem>>, %arg13: memref<!tpu.dma_semaphore, #tpu.memory_space<semaphore_mem>>) attributes {dimension_semantics = [#tpu.dimension_semantics<core_parallel>, #tpu.dimension_semantics<subcore_parallel>], iteration_bounds = array<i64: 2, 16>, scalar_prefetch = 0 : i64, scratch_operands = 7 : i64, tpu.core_type = #tpu.core_type<sc_vector_subcore>, window_params = [{transform_indices = #map}, {transform_indices = #map}, {transform_indices = #map}, {transform_indices = #map}, {transform_indices = #map1}]} {
    %mul3A = arith.constant 6272 : i32
    %mul3A_0 = arith.muli %arg1, %mul3A : i32
    "tpu.region"() ({
      %run_scoped3A = tpu.sem_alloc : memref<!tpu.dma_semaphore, #tpu.memory_space<semaphore_mem>>
      %dma_start3A = arith.constant 0 : i32
      %dma_start3A_11 = tpu.memref_slice %arg7[%mul3A_0, %dma_start3A] : memref<100352x1xf32, #tpu.memory_space<vmem_shared>> -> memref<6272x1xf32, #tpu.memory_space<vmem_shared>>
      %dma_start3A_12 = arith.constant 0 : i32
      %dma_start3A_13 = tpu.memref_slice %arg5[%mul3A_0, %dma_start3A_12] : memref<100352x1xf32, #tpu.memory_space<hbm>> -> memref<6272x1xf32, #tpu.memory_space<hbm>>
      tpu.enqueue_dma source(%dma_start3A_13 : memref<6272x1xf32, #tpu.memory_space<hbm>>) target(%dma_start3A_11 : memref<6272x1xf32, #tpu.memory_space<vmem_shared>>) target_semaphore(%run_scoped3A : memref<!tpu.dma_semaphore, #tpu.memory_space<semaphore_mem>>)
      %dma_wait3A = arith.constant 0 : i32
      %dma_wait3A_14 = tpu.memref_slice %arg7[%mul3A_0, %dma_wait3A] : memref<100352x1xf32, #tpu.memory_space<vmem_shared>> -> memref<6272x1xf32, #tpu.memory_space<vmem_shared>>
      %dma_wait3A_15 = arith.constant 0 : i32
      %dma_wait3A_16 = tpu.memref_slice %arg5[%mul3A_0, %dma_wait3A_15] : memref<100352x1xf32, #tpu.memory_space<hbm>> -> memref<6272x1xf32, #tpu.memory_space<hbm>>
      tpu.wait_dma2 semaphore(%run_scoped3A : memref<!tpu.dma_semaphore, #tpu.memory_space<semaphore_mem>>) src(%dma_wait3A_16 : memref<6272x1xf32, #tpu.memory_space<hbm>>) dst(%dma_wait3A_14 : memref<6272x1xf32, #tpu.memory_space<vmem_shared>>)
      tpu.yield
    }) : () -> ()
    %barrier3A = arith.constant 0 : index
    tpu.barrier barrier_id(%barrier3A)
    %mul3A_1 = arith.constant 16 : i32
    %mul3A_2 = arith.muli %arg0, %mul3A_1 : i32
    %add3A = arith.addi %mul3A_2, %arg1 : i32
    %mul3A_3 = arith.constant 100 : i32
    %mul3A_4 = arith.muli %add3A, %mul3A_3 : i32
    %scan3A = arith.constant 0 : i32
    %scan3A_5 = arith.constant 0 : i32
    %scan3A_6 = arith.constant 25 : i32
    %scan3A_7 = arith.addi %scan3A_5, %scan3A_6 : i32
    %scan3A_8 = arith.constant 1 : i32
    scf.for %scan3A_11 = %scan3A_5 to %scan3A_7 step %scan3A_8  : i32 {
      %mul3A_12 = arith.constant 4 : i32
      %mul3A_13 = arith.muli %scan3A_11, %mul3A_12 : i32
      %add3A_14 = arith.addi %mul3A_4, %mul3A_13 : i32
      "tpu.region"() ({
        %run_scoped3A_72 = tpu.sem_alloc : memref<!tpu.dma_semaphore, #tpu.memory_space<semaphore_mem>>
        %dma_start3A_73 = arith.constant 0 : i32
        %dma_start3A_74 = tpu.memref_slice %arg2[%add3A_14, %dma_start3A_73] : memref<3200x512xi32, #tpu.memory_space<hbm>> -> memref<4x512xi32, #tpu.memory_space<hbm>>
        %dma_start3A_75 = arith.constant 0 : i32
        %dma_start3A_76 = tpu.memref_slice %arg2[%add3A_14, %dma_start3A_75] : memref<3200x512xi32, #tpu.memory_space<hbm>> -> memref<4x512xi32, #tpu.memory_space<hbm>>
        tpu.enqueue_dma source(%dma_start3A_76 : memref<4x512xi32, #tpu.memory_space<hbm>>) target(%arg8 : memref<4x512xi32, #tpu.memory_space<vmem>>) target_semaphore(%run_scoped3A_72 : memref<!tpu.dma_semaphore, #tpu.memory_space<semaphore_mem>>)
        %dma_wait3A_77 = arith.constant 0 : i32
        %dma_wait3A_78 = tpu.memref_slice %arg2[%add3A_14, %dma_wait3A_77] : memref<3200x512xi32, #tpu.memory_space<hbm>> -> memref<4x512xi32, #tpu.memory_space<hbm>>
        %dma_wait3A_79 = arith.constant 0 : i32
        %dma_wait3A_80 = tpu.memref_slice %arg2[%add3A_14, %dma_wait3A_79] : memref<3200x512xi32, #tpu.memory_space<hbm>> -> memref<4x512xi32, #tpu.memory_space<hbm>>
        tpu.wait_dma2 semaphore(%run_scoped3A_72 : memref<!tpu.dma_semaphore, #tpu.memory_space<semaphore_mem>>) src(%dma_wait3A_80 : memref<4x512xi32, #tpu.memory_space<hbm>>) dst(%arg8 : memref<4x512xi32, #tpu.memory_space<vmem>>)
        tpu.yield
      }) : () -> ()
      "tpu.region"() ({
        %run_scoped3A_72 = tpu.sem_alloc : memref<!tpu.dma_semaphore, #tpu.memory_space<semaphore_mem>>
        %dma_start3A_73 = arith.constant 0 : i32
        %dma_start3A_74 = tpu.memref_slice %arg3[%add3A_14, %dma_start3A_73] : memref<3200x512xi32, #tpu.memory_space<hbm>> -> memref<4x512xi32, #tpu.memory_space<hbm>>
        %dma_start3A_75 = arith.constant 0 : i32
        %dma_start3A_76 = tpu.memref_slice %arg3[%add3A_14, %dma_start3A_75] : memref<3200x512xi32, #tpu.memory_space<hbm>> -> memref<4x512xi32, #tpu.memory_space<hbm>>
        tpu.enqueue_dma source(%dma_start3A_76 : memref<4x512xi32, #tpu.memory_space<hbm>>) target(%arg9 : memref<4x512xi32, #tpu.memory_space<vmem>>) target_semaphore(%run_scoped3A_72 : memref<!tpu.dma_semaphore, #tpu.memory_space<semaphore_mem>>)
        %dma_wait3A_77 = arith.constant 0 : i32
        %dma_wait3A_78 = tpu.memref_slice %arg3[%add3A_14, %dma_wait3A_77] : memref<3200x512xi32, #tpu.memory_space<hbm>> -> memref<4x512xi32, #tpu.memory_space<hbm>>
        %dma_wait3A_79 = arith.constant 0 : i32
        %dma_wait3A_80 = tpu.memref_slice %arg3[%add3A_14, %dma_wait3A_79] : memref<3200x512xi32, #tpu.memory_space<hbm>> -> memref<4x512xi32, #tpu.memory_space<hbm>>
        tpu.wait_dma2 semaphore(%run_scoped3A_72 : memref<!tpu.dma_semaphore, #tpu.memory_space<semaphore_mem>>) src(%dma_wait3A_80 : memref<4x512xi32, #tpu.memory_space<hbm>>) dst(%arg9 : memref<4x512xi32, #tpu.memory_space<vmem>>)
        tpu.yield
      }) : () -> ()
      %dma_start3A = arith.constant 0 : i32
      %dma_start3A_15 = arith.constant 0 : i32
      %dma_start3A_16 = tpu.memref_slice %arg8[%dma_start3A, %dma_start3A_15] : memref<4x512xi32, #tpu.memory_space<vmem>> -> memref<1x512xi32, #tpu.memory_space<vmem>>
      %dma_start3A_17 = tpu.memref_squeeze %dma_start3A_16 : memref<1x512xi32, #tpu.memory_space<vmem>> -> memref<512xi32, #tpu.memory_space<vmem>>
      %dma_start3A_18 = arith.constant 0 : i32
      %dma_start3A_19 = arith.constant 0 : i32
      %dma_start3A_20 = tpu.memref_slice %arg4[%dma_start3A_18, %dma_start3A_19] : memref<100000x1xf32, #tpu.memory_space<hbm>> -> memref<100000x1xf32, #tpu.memory_space<hbm>>
      tpu.enqueue_indirect_dma source(%dma_start3A_20 : memref<100000x1xf32, #tpu.memory_space<hbm>>) target(%arg10 : memref<512x1xf32, #tpu.memory_space<vmem>>) offsets(%dma_start3A_17 : memref<512xi32, #tpu.memory_space<vmem>>) semaphore(%arg12 : memref<!tpu.dma_semaphore, #tpu.memory_space<semaphore_mem>>)
      %dma_start3A_21 = arith.constant 1 : i32
      %dma_start3A_22 = arith.constant 0 : i32
      %dma_start3A_23 = tpu.memref_slice %arg8[%dma_start3A_21, %dma_start3A_22] : memref<4x512xi32, #tpu.memory_space<vmem>> -> memref<1x512xi32, #tpu.memory_space<vmem>>
      %dma_start3A_24 = tpu.memref_squeeze %dma_start3A_23 : memref<1x512xi32, #tpu.memory_space<vmem>> -> memref<512xi32, #tpu.memory_space<vmem>>
      %dma_start3A_25 = arith.constant 0 : i32
      %dma_start3A_26 = arith.constant 0 : i32
      %dma_start3A_27 = tpu.memref_slice %arg4[%dma_start3A_25, %dma_start3A_26] : memref<100000x1xf32, #tpu.memory_space<hbm>> -> memref<100000x1xf32, #tpu.memory_space<hbm>>
      tpu.enqueue_indirect_dma source(%dma_start3A_27 : memref<100000x1xf32, #tpu.memory_space<hbm>>) target(%arg11 : memref<512x1xf32, #tpu.memory_space<vmem>>) offsets(%dma_start3A_24 : memref<512xi32, #tpu.memory_space<vmem>>) semaphore(%arg13 : memref<!tpu.dma_semaphore, #tpu.memory_space<semaphore_mem>>)
      %dma_wait3A = arith.constant 0 : i32
      %dma_wait3A_28 = arith.constant 0 : i32
      %dma_wait3A_29 = tpu.memref_slice %arg8[%dma_wait3A, %dma_wait3A_28] : memref<4x512xi32, #tpu.memory_space<vmem>> -> memref<1x512xi32, #tpu.memory_space<vmem>>
      %dma_wait3A_30 = tpu.memref_squeeze %dma_wait3A_29 : memref<1x512xi32, #tpu.memory_space<vmem>> -> memref<512xi32, #tpu.memory_space<vmem>>
      %dma_wait3A_31 = arith.constant 0 : i32
      %dma_wait3A_32 = arith.constant 0 : i32
      %dma_wait3A_33 = tpu.memref_slice %arg4[%dma_wait3A_31, %dma_wait3A_32] : memref<100000x1xf32, #tpu.memory_space<hbm>> -> memref<100000x1xf32, #tpu.memory_space<hbm>>
      tpu.wait_indirect_dma semaphore(%arg12 : memref<!tpu.dma_semaphore, #tpu.memory_space<semaphore_mem>>) src(%dma_wait3A_33 : memref<100000x1xf32, #tpu.memory_space<hbm>>) dst(%arg10 : memref<512x1xf32, #tpu.memory_space<vmem>>)
      %run_scoped3A = arith.constant 0 : i32
      "tpu.region"() ({
        %run_scoped3A_72 = tpu.sem_alloc : memref<!tpu.dma_semaphore, #tpu.memory_space<semaphore_mem>>
        %dma_start3A_73 = arith.constant 0 : i32
        %dma_start3A_74 = tpu.memref_slice %arg9[%run_scoped3A, %dma_start3A_73] : memref<4x512xi32, #tpu.memory_space<vmem>> -> memref<1x512xi32, #tpu.memory_space<vmem>>
        %dma_start3A_75 = tpu.memref_squeeze %dma_start3A_74 : memref<1x512xi32, #tpu.memory_space<vmem>> -> memref<512xi32, #tpu.memory_space<vmem>>
        %dma_start3A_76 = arith.constant 0 : i32
        %dma_start3A_77 = arith.constant 0 : i32
        %dma_start3A_78 = tpu.memref_slice %arg7[%dma_start3A_76, %dma_start3A_77] : memref<100352x1xf32, #tpu.memory_space<vmem_shared>> -> memref<100352x1xf32, #tpu.memory_space<vmem_shared>>
        tpu.enqueue_indirect_dma source(%arg10 : memref<512x1xf32, #tpu.memory_space<vmem>>) target(%dma_start3A_78 : memref<100352x1xf32, #tpu.memory_space<vmem_shared>>) offsets(%dma_start3A_75 : memref<512xi32, #tpu.memory_space<vmem>>) semaphore(%run_scoped3A_72 : memref<!tpu.dma_semaphore, #tpu.memory_space<semaphore_mem>>) {add = true}
        %dma_wait3A_79 = arith.constant 0 : i32
        %dma_wait3A_80 = tpu.memref_slice %arg9[%run_scoped3A, %dma_wait3A_79] : memref<4x512xi32, #tpu.memory_space<vmem>> -> memref<1x512xi32, #tpu.memory_space<vmem>>
        %dma_wait3A_81 = tpu.memref_squeeze %dma_wait3A_80 : memref<1x512xi32, #tpu.memory_space<vmem>> -> memref<512xi32, #tpu.memory_space<vmem>>
        %dma_wait3A_82 = arith.constant 0 : i32
        %dma_wait3A_83 = arith.constant 0 : i32
        %dma_wait3A_84 = tpu.memref_slice %arg7[%dma_wait3A_82, %dma_wait3A_83] : memref<100352x1xf32, #tpu.memory_space<vmem_shared>> -> memref<100352x1xf32, #tpu.memory_space<vmem_shared>>
        tpu.wait_indirect_dma semaphore(%run_scoped3A_72 : memref<!tpu.dma_semaphore, #tpu.memory_space<semaphore_mem>>) src(%arg10 : memref<512x1xf32, #tpu.memory_space<vmem>>) dst(%dma_wait3A_84 : memref<100352x1xf32, #tpu.memory_space<vmem_shared>>)
        tpu.yield
      }) : () -> ()
      %dma_start3A_34 = arith.constant 2 : i32
      %dma_start3A_35 = arith.constant 0 : i32
      %dma_start3A_36 = tpu.memref_slice %arg8[%dma_start3A_34, %dma_start3A_35] : memref<4x512xi32, #tpu.memory_space<vmem>> -> memref<1x512xi32, #tpu.memory_space<vmem>>
      %dma_start3A_37 = tpu.memref_squeeze %dma_start3A_36 : memref<1x512xi32, #tpu.memory_space<vmem>> -> memref<512xi32, #tpu.memory_space<vmem>>
      %dma_start3A_38 = arith.constant 0 : i32
      %dma_start3A_39 = arith.constant 0 : i32
      %dma_start3A_40 = tpu.memref_slice %arg4[%dma_start3A_38, %dma_start3A_39] : memref<100000x1xf32, #tpu.memory_space<hbm>> -> memref<100000x1xf32, #tpu.memory_space<hbm>>
      tpu.enqueue_indirect_dma source(%dma_start3A_40 : memref<100000x1xf32, #tpu.memory_space<hbm>>) target(%arg10 : memref<512x1xf32, #tpu.memory_space<vmem>>) offsets(%dma_start3A_37 : memref<512xi32, #tpu.memory_space<vmem>>) semaphore(%arg12 : memref<!tpu.dma_semaphore, #tpu.memory_space<semaphore_mem>>)
      %dma_wait3A_41 = arith.constant 1 : i32
      %dma_wait3A_42 = arith.constant 0 : i32
      %dma_wait3A_43 = tpu.memref_slice %arg8[%dma_wait3A_41, %dma_wait3A_42] : memref<4x512xi32, #tpu.memory_space<vmem>> -> memref<1x512xi32, #tpu.memory_space<vmem>>
      %dma_wait3A_44 = tpu.memref_squeeze %dma_wait3A_43 : memref<1x512xi32, #tpu.memory_space<vmem>> -> memref<512xi32, #tpu.memory_space<vmem>>
      %dma_wait3A_45 = arith.constant 0 : i32
      %dma_wait3A_46 = arith.constant 0 : i32
      %dma_wait3A_47 = tpu.memref_slice %arg4[%dma_wait3A_45, %dma_wait3A_46] : memref<100000x1xf32, #tpu.memory_space<hbm>> -> memref<100000x1xf32, #tpu.memory_space<hbm>>
      tpu.wait_indirect_dma semaphore(%arg13 : memref<!tpu.dma_semaphore, #tpu.memory_space<semaphore_mem>>) src(%dma_wait3A_47 : memref<100000x1xf32, #tpu.memory_space<hbm>>) dst(%arg11 : memref<512x1xf32, #tpu.memory_space<vmem>>)
      %run_scoped3A_48 = arith.constant 1 : i32
      "tpu.region"() ({
        %run_scoped3A_72 = tpu.sem_alloc : memref<!tpu.dma_semaphore, #tpu.memory_space<semaphore_mem>>
        %dma_start3A_73 = arith.constant 0 : i32
        %dma_start3A_74 = tpu.memref_slice %arg9[%run_scoped3A_48, %dma_start3A_73] : memref<4x512xi32, #tpu.memory_space<vmem>> -> memref<1x512xi32, #tpu.memory_space<vmem>>
        %dma_start3A_75 = tpu.memref_squeeze %dma_start3A_74 : memref<1x512xi32, #tpu.memory_space<vmem>> -> memref<512xi32, #tpu.memory_space<vmem>>
        %dma_start3A_76 = arith.constant 0 : i32
        %dma_start3A_77 = arith.constant 0 : i32
        %dma_start3A_78 = tpu.memref_slice %arg7[%dma_start3A_76, %dma_start3A_77] : memref<100352x1xf32, #tpu.memory_space<vmem_shared>> -> memref<100352x1xf32, #tpu.memory_space<vmem_shared>>
        tpu.enqueue_indirect_dma source(%arg11 : memref<512x1xf32, #tpu.memory_space<vmem>>) target(%dma_start3A_78 : memref<100352x1xf32, #tpu.memory_space<vmem_shared>>) offsets(%dma_start3A_75 : memref<512xi32, #tpu.memory_space<vmem>>) semaphore(%run_scoped3A_72 : memref<!tpu.dma_semaphore, #tpu.memory_space<semaphore_mem>>) {add = true}
        %dma_wait3A_79 = arith.constant 0 : i32
        %dma_wait3A_80 = tpu.memref_slice %arg9[%run_scoped3A_48, %dma_wait3A_79] : memref<4x512xi32, #tpu.memory_space<vmem>> -> memref<1x512xi32, #tpu.memory_space<vmem>>
        %dma_wait3A_81 = tpu.memref_squeeze %dma_wait3A_80 : memref<1x512xi32, #tpu.memory_space<vmem>> -> memref<512xi32, #tpu.memory_space<vmem>>
        %dma_wait3A_82 = arith.constant 0 : i32
        %dma_wait3A_83 = arith.constant 0 : i32
        %dma_wait3A_84 = tpu.memref_slice %arg7[%dma_wait3A_82, %dma_wait3A_83] : memref<100352x1xf32, #tpu.memory_space<vmem_shared>> -> memref<100352x1xf32, #tpu.memory_space<vmem_shared>>
        tpu.wait_indirect_dma semaphore(%run_scoped3A_72 : memref<!tpu.dma_semaphore, #tpu.memory_space<semaphore_mem>>) src(%arg11 : memref<512x1xf32, #tpu.memory_space<vmem>>) dst(%dma_wait3A_84 : memref<100352x1xf32, #tpu.memory_space<vmem_shared>>)
        tpu.yield
      }) : () -> ()
      %dma_start3A_49 = arith.constant 3 : i32
      %dma_start3A_50 = arith.constant 0 : i32
      %dma_start3A_51 = tpu.memref_slice %arg8[%dma_start3A_49, %dma_start3A_50] : memref<4x512xi32, #tpu.memory_space<vmem>> -> memref<1x512xi32, #tpu.memory_space<vmem>>
      %dma_start3A_52 = tpu.memref_squeeze %dma_start3A_51 : memref<1x512xi32, #tpu.memory_space<vmem>> -> memref<512xi32, #tpu.memory_space<vmem>>
      %dma_start3A_53 = arith.constant 0 : i32
      %dma_start3A_54 = arith.constant 0 : i32
      %dma_start3A_55 = tpu.memref_slice %arg4[%dma_start3A_53, %dma_start3A_54] : memref<100000x1xf32, #tpu.memory_space<hbm>> -> memref<100000x1xf32, #tpu.memory_space<hbm>>
      tpu.enqueue_indirect_dma source(%dma_start3A_55 : memref<100000x1xf32, #tpu.memory_space<hbm>>) target(%arg11 : memref<512x1xf32, #tpu.memory_space<vmem>>) offsets(%dma_start3A_52 : memref<512xi32, #tpu.memory_space<vmem>>) semaphore(%arg13 : memref<!tpu.dma_semaphore, #tpu.memory_space<semaphore_mem>>)
      %dma_wait3A_56 = arith.constant 2 : i32
      %dma_wait3A_57 = arith.constant 0 : i32
      %dma_wait3A_58 = tpu.memref_slice %arg8[%dma_wait3A_56, %dma_wait3A_57] : memref<4x512xi32, #tpu.memory_space<vmem>> -> memref<1x512xi32, #tpu.memory_space<vmem>>
      %dma_wait3A_59 = tpu.memref_squeeze %dma_wait3A_58 : memref<1x512xi32, #tpu.memory_space<vmem>> -> memref<512xi32, #tpu.memory_space<vmem>>
      %dma_wait3A_60 = arith.constant 0 : i32
      %dma_wait3A_61 = arith.constant 0 : i32
      %dma_wait3A_62 = tpu.memref_slice %arg4[%dma_wait3A_60, %dma_wait3A_61] : memref<100000x1xf32, #tpu.memory_space<hbm>> -> memref<100000x1xf32, #tpu.memory_space<hbm>>
      tpu.wait_indirect_dma semaphore(%arg12 : memref<!tpu.dma_semaphore, #tpu.memory_space<semaphore_mem>>) src(%dma_wait3A_62 : memref<100000x1xf32, #tpu.memory_space<hbm>>) dst(%arg10 : memref<512x1xf32, #tpu.memory_space<vmem>>)
      %run_scoped3A_63 = arith.constant 2 : i32
      "tpu.region"() ({
        %run_scoped3A_72 = tpu.sem_alloc : memref<!tpu.dma_semaphore, #tpu.memory_space<semaphore_mem>>
        %dma_start3A_73 = arith.constant 0 : i32
        %dma_start3A_74 = tpu.memref_slice %arg9[%run_scoped3A_63, %dma_start3A_73] : memref<4x512xi32, #tpu.memory_space<vmem>> -> memref<1x512xi32, #tpu.memory_space<vmem>>
        %dma_start3A_75 = tpu.memref_squeeze %dma_start3A_74 : memref<1x512xi32, #tpu.memory_space<vmem>> -> memref<512xi32, #tpu.memory_space<vmem>>
        %dma_start3A_76 = arith.constant 0 : i32
        %dma_start3A_77 = arith.constant 0 : i32
        %dma_start3A_78 = tpu.memref_slice %arg7[%dma_start3A_76, %dma_start3A_77] : memref<100352x1xf32, #tpu.memory_space<vmem_shared>> -> memref<100352x1xf32, #tpu.memory_space<vmem_shared>>
        tpu.enqueue_indirect_dma source(%arg10 : memref<512x1xf32, #tpu.memory_space<vmem>>) target(%dma_start3A_78 : memref<100352x1xf32, #tpu.memory_space<vmem_shared>>) offsets(%dma_start3A_75 : memref<512xi32, #tpu.memory_space<vmem>>) semaphore(%run_scoped3A_72 : memref<!tpu.dma_semaphore, #tpu.memory_space<semaphore_mem>>) {add = true}
        %dma_wait3A_79 = arith.constant 0 : i32
        %dma_wait3A_80 = tpu.memref_slice %arg9[%run_scoped3A_63, %dma_wait3A_79] : memref<4x512xi32, #tpu.memory_space<vmem>> -> memref<1x512xi32, #tpu.memory_space<vmem>>
        %dma_wait3A_81 = tpu.memref_squeeze %dma_wait3A_80 : memref<1x512xi32, #tpu.memory_space<vmem>> -> memref<512xi32, #tpu.memory_space<vmem>>
        %dma_wait3A_82 = arith.constant 0 : i32
        %dma_wait3A_83 = arith.constant 0 : i32
        %dma_wait3A_84 = tpu.memref_slice %arg7[%dma_wait3A_82, %dma_wait3A_83] : memref<100352x1xf32, #tpu.memory_space<vmem_shared>> -> memref<100352x1xf32, #tpu.memory_space<vmem_shared>>
        tpu.wait_indirect_dma semaphore(%run_scoped3A_72 : memref<!tpu.dma_semaphore, #tpu.memory_space<semaphore_mem>>) src(%arg10 : memref<512x1xf32, #tpu.memory_space<vmem>>) dst(%dma_wait3A_84 : memref<100352x1xf32, #tpu.memory_space<vmem_shared>>)
        tpu.yield
      }) : () -> ()
      %dma_wait3A_64 = arith.constant 3 : i32
      %dma_wait3A_65 = arith.constant 0 : i32
      %dma_wait3A_66 = tpu.memref_slice %arg8[%dma_wait3A_64, %dma_wait3A_65] : memref<4x512xi32, #tpu.memory_space<vmem>> -> memref<1x512xi32, #tpu.memory_space<vmem>>
      %dma_wait3A_67 = tpu.memref_squeeze %dma_wait3A_66 : memref<1x512xi32, #tpu.memory_space<vmem>> -> memref<512xi32, #tpu.memory_space<vmem>>
      %dma_wait3A_68 = arith.constant 0 : i32
      %dma_wait3A_69 = arith.constant 0 : i32
      %dma_wait3A_70 = tpu.memref_slice %arg4[%dma_wait3A_68, %dma_wait3A_69] : memref<100000x1xf32, #tpu.memory_space<hbm>> -> memref<100000x1xf32, #tpu.memory_space<hbm>>
      tpu.wait_indirect_dma semaphore(%arg13 : memref<!tpu.dma_semaphore, #tpu.memory_space<semaphore_mem>>) src(%dma_wait3A_70 : memref<100000x1xf32, #tpu.memory_space<hbm>>) dst(%arg11 : memref<512x1xf32, #tpu.memory_space<vmem>>)
      %run_scoped3A_71 = arith.constant 3 : i32
      "tpu.region"() ({
        %run_scoped3A_72 = tpu.sem_alloc : memref<!tpu.dma_semaphore, #tpu.memory_space<semaphore_mem>>
        %dma_start3A_73 = arith.constant 0 : i32
        %dma_start3A_74 = tpu.memref_slice %arg9[%run_scoped3A_71, %dma_start3A_73] : memref<4x512xi32, #tpu.memory_space<vmem>> -> memref<1x512xi32, #tpu.memory_space<vmem>>
        %dma_start3A_75 = tpu.memref_squeeze %dma_start3A_74 : memref<1x512xi32, #tpu.memory_space<vmem>> -> memref<512xi32, #tpu.memory_space<vmem>>
        %dma_start3A_76 = arith.constant 0 : i32
        %dma_start3A_77 = arith.constant 0 : i32
        %dma_start3A_78 = tpu.memref_slice %arg7[%dma_start3A_76, %dma_start3A_77] : memref<100352x1xf32, #tpu.memory_space<vmem_shared>> -> memref<100352x1xf32, #tpu.memory_space<vmem_shared>>
        tpu.enqueue_indirect_dma source(%arg11 : memref<512x1xf32, #tpu.memory_space<vmem>>) target(%dma_start3A_78 : memref<100352x1xf32, #tpu.memory_space<vmem_shared>>) offsets(%dma_start3A_75 : memref<512xi32, #tpu.memory_space<vmem>>) semaphore(%run_scoped3A_72 : memref<!tpu.dma_semaphore, #tpu.memory_space<semaphore_mem>>) {add = true}
        %dma_wait3A_79 = arith.constant 0 : i32
        %dma_wait3A_80 = tpu.memref_slice %arg9[%run_scoped3A_71, %dma_wait3A_79] : memref<4x512xi32, #tpu.memory_space<vmem>> -> memref<1x512xi32, #tpu.memory_space<vmem>>
        %dma_wait3A_81 = tpu.memref_squeeze %dma_wait3A_80 : memref<1x512xi32, #tpu.memory_space<vmem>> -> memref<512xi32, #tpu.memory_space<vmem>>
        %dma_wait3A_82 = arith.constant 0 : i32
        %dma_wait3A_83 = arith.constant 0 : i32
        %dma_wait3A_84 = tpu.memref_slice %arg7[%dma_wait3A_82, %dma_wait3A_83] : memref<100352x1xf32, #tpu.memory_space<vmem_shared>> -> memref<100352x1xf32, #tpu.memory_space<vmem_shared>>
        tpu.wait_indirect_dma semaphore(%run_scoped3A_72 : memref<!tpu.dma_semaphore, #tpu.memory_space<semaphore_mem>>) src(%arg11 : memref<512x1xf32, #tpu.memory_space<vmem>>) dst(%dma_wait3A_84 : memref<100352x1xf32, #tpu.memory_space<vmem_shared>>)
        tpu.yield
      }) : () -> ()
    }
    %scan3A_9 = arith.constant 25 : i32
    %barrier3A_10 = arith.constant 0 : index
    tpu.barrier barrier_id(%barrier3A_10)
    "tpu.region"() ({
      %run_scoped3A = tpu.sem_alloc : memref<!tpu.dma_semaphore, #tpu.memory_space<semaphore_mem>>
      %dma_start3A = arith.constant 0 : i32
      %dma_start3A_11 = tpu.memref_slice %arg6[%arg0, %mul3A_0, %dma_start3A] : memref<2x100352x1xf32, #tpu.memory_space<hbm>> -> memref<1x6272x1xf32, #tpu.memory_space<hbm>>
      %dma_start3A_12 = tpu.memref_squeeze %dma_start3A_11 : memref<1x6272x1xf32, #tpu.memory_space<hbm>> -> memref<6272x1xf32, #tpu.memory_space<hbm>>
      %dma_start3A_13 = arith.constant 0 : i32
      %dma_start3A_14 = tpu.memref_slice %arg7[%mul3A_0, %dma_start3A_13] : memref<100352x1xf32, #tpu.memory_space<vmem_shared>> -> memref<6272x1xf32, #tpu.memory_space<vmem_shared>>
      tpu.enqueue_dma source(%dma_start3A_14 : memref<6272x1xf32, #tpu.memory_space<vmem_shared>>) target(%dma_start3A_12 : memref<6272x1xf32, #tpu.memory_space<hbm>>) target_semaphore(%run_scoped3A : memref<!tpu.dma_semaphore, #tpu.memory_space<semaphore_mem>>)
      %dma_wait3A = arith.constant 0 : i32
      %dma_wait3A_15 = tpu.memref_slice %arg6[%arg0, %mul3A_0, %dma_wait3A] : memref<2x100352x1xf32, #tpu.memory_space<hbm>> -> memref<1x6272x1xf32, #tpu.memory_space<hbm>>
      %dma_wait3A_16 = tpu.memref_squeeze %dma_wait3A_15 : memref<1x6272x1xf32, #tpu.memory_space<hbm>> -> memref<6272x1xf32, #tpu.memory_space<hbm>>
      %dma_wait3A_17 = arith.constant 0 : i32
      %dma_wait3A_18 = tpu.memref_slice %arg7[%mul3A_0, %dma_wait3A_17] : memref<100352x1xf32, #tpu.memory_space<vmem_shared>> -> memref<6272x1xf32, #tpu.memory_space<vmem_shared>>
      tpu.wait_dma2 semaphore(%run_scoped3A : memref<!tpu.dma_semaphore, #tpu.memory_space<semaphore_mem>>) src(%dma_wait3A_18 : memref<6272x1xf32, #tpu.memory_space<vmem_shared>>) dst(%dma_wait3A_16 : memref<6272x1xf32, #tpu.memory_space<hbm>>)
      tpu.yield
    }) : () -> ()
    return
  }
}

#map = affine_map<(d0, d1) -> (0, 0)>
#map1 = affine_map<(d0, d1) -> (0, 0, 0)>
module attributes {stable_mosaic.version = 14 : i64} {
  func.func @body(%arg0: i32, %arg1: i32, %arg2: memref<3200x512xi32, #tpu.memory_space<hbm>>, %arg3: memref<3200x512xi32, #tpu.memory_space<hbm>>, %arg4: memref<100000x16xf32, #tpu.memory_space<hbm>>, %arg5: memref<100352x16xf32, #tpu.memory_space<hbm>>, %arg6: memref<2x100352x16xf32, #tpu.memory_space<hbm>>, %arg7: memref<100352x16xf32, #tpu.memory_space<vmem_shared>>, %arg8: memref<4x512xi32, #tpu.memory_space<vmem>>, %arg9: memref<4x512xi32, #tpu.memory_space<vmem>>, %arg10: memref<512x16xf32, #tpu.memory_space<vmem>>, %arg11: memref<512x16xf32, #tpu.memory_space<vmem>>, %arg12: memref<!tpu.dma_semaphore, #tpu.memory_space<semaphore_mem>>, %arg13: memref<!tpu.dma_semaphore, #tpu.memory_space<semaphore_mem>>) attributes {dimension_semantics = [#tpu.dimension_semantics<core_parallel>, #tpu.dimension_semantics<subcore_parallel>], iteration_bounds = array<i64: 2, 16>, scalar_prefetch = 0 : i64, scratch_operands = 7 : i64, tpu.core_type = #tpu.core_type<sc_vector_subcore>, window_params = [{transform_indices = #map}, {transform_indices = #map}, {transform_indices = #map}, {transform_indices = #map}, {transform_indices = #map1}]} {
    %mul3A = arith.constant 6272 : i32
    %mul3A_0 = arith.muli %arg1, %mul3A : i32
    "tpu.region"() ({
      %run_scoped3A = tpu.sem_alloc : memref<!tpu.dma_semaphore, #tpu.memory_space<semaphore_mem>>
      %dma_start3A = arith.constant 0 : i32
      %dma_start3A_11 = tpu.memref_slice %arg7[%mul3A_0, %dma_start3A] : memref<100352x16xf32, #tpu.memory_space<vmem_shared>> -> memref<6272x16xf32, #tpu.memory_space<vmem_shared>>
      %dma_start3A_12 = arith.constant 0 : i32
      %dma_start3A_13 = tpu.memref_slice %arg5[%mul3A_0, %dma_start3A_12] : memref<100352x16xf32, #tpu.memory_space<hbm>> -> memref<6272x16xf32, #tpu.memory_space<hbm>>
      tpu.enqueue_dma source(%dma_start3A_13 : memref<6272x16xf32, #tpu.memory_space<hbm>>) target(%dma_start3A_11 : memref<6272x16xf32, #tpu.memory_space<vmem_shared>>) target_semaphore(%run_scoped3A : memref<!tpu.dma_semaphore, #tpu.memory_space<semaphore_mem>>)
      %dma_wait3A = arith.constant 0 : i32
      %dma_wait3A_14 = tpu.memref_slice %arg7[%mul3A_0, %dma_wait3A] : memref<100352x16xf32, #tpu.memory_space<vmem_shared>> -> memref<6272x16xf32, #tpu.memory_space<vmem_shared>>
      %dma_wait3A_15 = arith.constant 0 : i32
      %dma_wait3A_16 = tpu.memref_slice %arg5[%mul3A_0, %dma_wait3A_15] : memref<100352x16xf32, #tpu.memory_space<hbm>> -> memref<6272x16xf32, #tpu.memory_space<hbm>>
      tpu.wait_dma2 semaphore(%run_scoped3A : memref<!tpu.dma_semaphore, #tpu.memory_space<semaphore_mem>>) src(%dma_wait3A_16 : memref<6272x16xf32, #tpu.memory_space<hbm>>) dst(%dma_wait3A_14 : memref<6272x16xf32, #tpu.memory_space<vmem_shared>>)
      tpu.yield
    }) : () -> ()
    %barrier3A = arith.constant 0 : index
    tpu.barrier barrier_id(%barrier3A)
    %mul3A_1 = arith.constant 16 : i32
    %mul3A_2 = arith.muli %arg0, %mul3A_1 : i32
    %add3A = arith.addi %mul3A_2, %arg1 : i32
    %mul3A_3 = arith.constant 100 : i32
    %mul3A_4 = arith.muli %add3A, %mul3A_3 : i32
    %scan3A = arith.constant 0 : i32
    %scan3A_5 = arith.constant 0 : i32
    %scan3A_6 = arith.constant 25 : i32
    %scan3A_7 = arith.addi %scan3A_5, %scan3A_6 : i32
    %scan3A_8 = arith.constant 1 : i32
    scf.for %scan3A_11 = %scan3A_5 to %scan3A_7 step %scan3A_8  : i32 {
      %mul3A_12 = arith.constant 4 : i32
      %mul3A_13 = arith.muli %scan3A_11, %mul3A_12 : i32
      %add3A_14 = arith.addi %mul3A_4, %mul3A_13 : i32
      "tpu.region"() ({
        %run_scoped3A_72 = tpu.sem_alloc : memref<!tpu.dma_semaphore, #tpu.memory_space<semaphore_mem>>
        %dma_start3A_73 = arith.constant 0 : i32
        %dma_start3A_74 = tpu.memref_slice %arg2[%add3A_14, %dma_start3A_73] : memref<3200x512xi32, #tpu.memory_space<hbm>> -> memref<4x512xi32, #tpu.memory_space<hbm>>
        %dma_start3A_75 = arith.constant 0 : i32
        %dma_start3A_76 = tpu.memref_slice %arg2[%add3A_14, %dma_start3A_75] : memref<3200x512xi32, #tpu.memory_space<hbm>> -> memref<4x512xi32, #tpu.memory_space<hbm>>
        tpu.enqueue_dma source(%dma_start3A_76 : memref<4x512xi32, #tpu.memory_space<hbm>>) target(%arg8 : memref<4x512xi32, #tpu.memory_space<vmem>>) target_semaphore(%run_scoped3A_72 : memref<!tpu.dma_semaphore, #tpu.memory_space<semaphore_mem>>)
        %dma_wait3A_77 = arith.constant 0 : i32
        %dma_wait3A_78 = tpu.memref_slice %arg2[%add3A_14, %dma_wait3A_77] : memref<3200x512xi32, #tpu.memory_space<hbm>> -> memref<4x512xi32, #tpu.memory_space<hbm>>
        %dma_wait3A_79 = arith.constant 0 : i32
        %dma_wait3A_80 = tpu.memref_slice %arg2[%add3A_14, %dma_wait3A_79] : memref<3200x512xi32, #tpu.memory_space<hbm>> -> memref<4x512xi32, #tpu.memory_space<hbm>>
        tpu.wait_dma2 semaphore(%run_scoped3A_72 : memref<!tpu.dma_semaphore, #tpu.memory_space<semaphore_mem>>) src(%dma_wait3A_80 : memref<4x512xi32, #tpu.memory_space<hbm>>) dst(%arg8 : memref<4x512xi32, #tpu.memory_space<vmem>>)
        tpu.yield
      }) : () -> ()
      "tpu.region"() ({
        %run_scoped3A_72 = tpu.sem_alloc : memref<!tpu.dma_semaphore, #tpu.memory_space<semaphore_mem>>
        %dma_start3A_73 = arith.constant 0 : i32
        %dma_start3A_74 = tpu.memref_slice %arg3[%add3A_14, %dma_start3A_73] : memref<3200x512xi32, #tpu.memory_space<hbm>> -> memref<4x512xi32, #tpu.memory_space<hbm>>
        %dma_start3A_75 = arith.constant 0 : i32
        %dma_start3A_76 = tpu.memref_slice %arg3[%add3A_14, %dma_start3A_75] : memref<3200x512xi32, #tpu.memory_space<hbm>> -> memref<4x512xi32, #tpu.memory_space<hbm>>
        tpu.enqueue_dma source(%dma_start3A_76 : memref<4x512xi32, #tpu.memory_space<hbm>>) target(%arg9 : memref<4x512xi32, #tpu.memory_space<vmem>>) target_semaphore(%run_scoped3A_72 : memref<!tpu.dma_semaphore, #tpu.memory_space<semaphore_mem>>)
        %dma_wait3A_77 = arith.constant 0 : i32
        %dma_wait3A_78 = tpu.memref_slice %arg3[%add3A_14, %dma_wait3A_77] : memref<3200x512xi32, #tpu.memory_space<hbm>> -> memref<4x512xi32, #tpu.memory_space<hbm>>
        %dma_wait3A_79 = arith.constant 0 : i32
        %dma_wait3A_80 = tpu.memref_slice %arg3[%add3A_14, %dma_wait3A_79] : memref<3200x512xi32, #tpu.memory_space<hbm>> -> memref<4x512xi32, #tpu.memory_space<hbm>>
        tpu.wait_dma2 semaphore(%run_scoped3A_72 : memref<!tpu.dma_semaphore, #tpu.memory_space<semaphore_mem>>) src(%dma_wait3A_80 : memref<4x512xi32, #tpu.memory_space<hbm>>) dst(%arg9 : memref<4x512xi32, #tpu.memory_space<vmem>>)
        tpu.yield
      }) : () -> ()
      %dma_start3A = arith.constant 0 : i32
      %dma_start3A_15 = arith.constant 0 : i32
      %dma_start3A_16 = tpu.memref_slice %arg8[%dma_start3A, %dma_start3A_15] : memref<4x512xi32, #tpu.memory_space<vmem>> -> memref<1x512xi32, #tpu.memory_space<vmem>>
      %dma_start3A_17 = tpu.memref_squeeze %dma_start3A_16 : memref<1x512xi32, #tpu.memory_space<vmem>> -> memref<512xi32, #tpu.memory_space<vmem>>
      %dma_start3A_18 = arith.constant 0 : i32
      %dma_start3A_19 = arith.constant 0 : i32
      %dma_start3A_20 = tpu.memref_slice %arg4[%dma_start3A_18, %dma_start3A_19] : memref<100000x16xf32, #tpu.memory_space<hbm>> -> memref<100000x16xf32, #tpu.memory_space<hbm>>
      tpu.enqueue_indirect_dma source(%dma_start3A_20 : memref<100000x16xf32, #tpu.memory_space<hbm>>) target(%arg10 : memref<512x16xf32, #tpu.memory_space<vmem>>) offsets(%dma_start3A_17 : memref<512xi32, #tpu.memory_space<vmem>>) semaphore(%arg12 : memref<!tpu.dma_semaphore, #tpu.memory_space<semaphore_mem>>)
      %dma_start3A_21 = arith.constant 1 : i32
      %dma_start3A_22 = arith.constant 0 : i32
      %dma_start3A_23 = tpu.memref_slice %arg8[%dma_start3A_21, %dma_start3A_22] : memref<4x512xi32, #tpu.memory_space<vmem>> -> memref<1x512xi32, #tpu.memory_space<vmem>>
      %dma_start3A_24 = tpu.memref_squeeze %dma_start3A_23 : memref<1x512xi32, #tpu.memory_space<vmem>> -> memref<512xi32, #tpu.memory_space<vmem>>
      %dma_start3A_25 = arith.constant 0 : i32
      %dma_start3A_26 = arith.constant 0 : i32
      %dma_start3A_27 = tpu.memref_slice %arg4[%dma_start3A_25, %dma_start3A_26] : memref<100000x16xf32, #tpu.memory_space<hbm>> -> memref<100000x16xf32, #tpu.memory_space<hbm>>
      tpu.enqueue_indirect_dma source(%dma_start3A_27 : memref<100000x16xf32, #tpu.memory_space<hbm>>) target(%arg11 : memref<512x16xf32, #tpu.memory_space<vmem>>) offsets(%dma_start3A_24 : memref<512xi32, #tpu.memory_space<vmem>>) semaphore(%arg13 : memref<!tpu.dma_semaphore, #tpu.memory_space<semaphore_mem>>)
      %dma_wait3A = arith.constant 0 : i32
      %dma_wait3A_28 = arith.constant 0 : i32
      %dma_wait3A_29 = tpu.memref_slice %arg8[%dma_wait3A, %dma_wait3A_28] : memref<4x512xi32, #tpu.memory_space<vmem>> -> memref<1x512xi32, #tpu.memory_space<vmem>>
      %dma_wait3A_30 = tpu.memref_squeeze %dma_wait3A_29 : memref<1x512xi32, #tpu.memory_space<vmem>> -> memref<512xi32, #tpu.memory_space<vmem>>
      %dma_wait3A_31 = arith.constant 0 : i32
      %dma_wait3A_32 = arith.constant 0 : i32
      %dma_wait3A_33 = tpu.memref_slice %arg4[%dma_wait3A_31, %dma_wait3A_32] : memref<100000x16xf32, #tpu.memory_space<hbm>> -> memref<100000x16xf32, #tpu.memory_space<hbm>>
      tpu.wait_indirect_dma semaphore(%arg12 : memref<!tpu.dma_semaphore, #tpu.memory_space<semaphore_mem>>) src(%dma_wait3A_33 : memref<100000x16xf32, #tpu.memory_space<hbm>>) dst(%arg10 : memref<512x16xf32, #tpu.memory_space<vmem>>)
      %run_scoped3A = arith.constant 0 : i32
      "tpu.region"() ({
        %run_scoped3A_72 = tpu.sem_alloc : memref<!tpu.dma_semaphore, #tpu.memory_space<semaphore_mem>>
        %dma_start3A_73 = arith.constant 0 : i32
        %dma_start3A_74 = tpu.memref_slice %arg9[%run_scoped3A, %dma_start3A_73] : memref<4x512xi32, #tpu.memory_space<vmem>> -> memref<1x512xi32, #tpu.memory_space<vmem>>
        %dma_start3A_75 = tpu.memref_squeeze %dma_start3A_74 : memref<1x512xi32, #tpu.memory_space<vmem>> -> memref<512xi32, #tpu.memory_space<vmem>>
        %dma_start3A_76 = arith.constant 0 : i32
        %dma_start3A_77 = arith.constant 0 : i32
        %dma_start3A_78 = tpu.memref_slice %arg7[%dma_start3A_76, %dma_start3A_77] : memref<100352x16xf32, #tpu.memory_space<vmem_shared>> -> memref<100352x16xf32, #tpu.memory_space<vmem_shared>>
        tpu.enqueue_indirect_dma source(%arg10 : memref<512x16xf32, #tpu.memory_space<vmem>>) target(%dma_start3A_78 : memref<100352x16xf32, #tpu.memory_space<vmem_shared>>) offsets(%dma_start3A_75 : memref<512xi32, #tpu.memory_space<vmem>>) semaphore(%run_scoped3A_72 : memref<!tpu.dma_semaphore, #tpu.memory_space<semaphore_mem>>) {add = true}
        %dma_wait3A_79 = arith.constant 0 : i32
        %dma_wait3A_80 = tpu.memref_slice %arg9[%run_scoped3A, %dma_wait3A_79] : memref<4x512xi32, #tpu.memory_space<vmem>> -> memref<1x512xi32, #tpu.memory_space<vmem>>
        %dma_wait3A_81 = tpu.memref_squeeze %dma_wait3A_80 : memref<1x512xi32, #tpu.memory_space<vmem>> -> memref<512xi32, #tpu.memory_space<vmem>>
        %dma_wait3A_82 = arith.constant 0 : i32
        %dma_wait3A_83 = arith.constant 0 : i32
        %dma_wait3A_84 = tpu.memref_slice %arg7[%dma_wait3A_82, %dma_wait3A_83] : memref<100352x16xf32, #tpu.memory_space<vmem_shared>> -> memref<100352x16xf32, #tpu.memory_space<vmem_shared>>
        tpu.wait_indirect_dma semaphore(%run_scoped3A_72 : memref<!tpu.dma_semaphore, #tpu.memory_space<semaphore_mem>>) src(%arg10 : memref<512x16xf32, #tpu.memory_space<vmem>>) dst(%dma_wait3A_84 : memref<100352x16xf32, #tpu.memory_space<vmem_shared>>)
        tpu.yield
      }) : () -> ()
      %dma_start3A_34 = arith.constant 2 : i32
      %dma_start3A_35 = arith.constant 0 : i32
      %dma_start3A_36 = tpu.memref_slice %arg8[%dma_start3A_34, %dma_start3A_35] : memref<4x512xi32, #tpu.memory_space<vmem>> -> memref<1x512xi32, #tpu.memory_space<vmem>>
      %dma_start3A_37 = tpu.memref_squeeze %dma_start3A_36 : memref<1x512xi32, #tpu.memory_space<vmem>> -> memref<512xi32, #tpu.memory_space<vmem>>
      %dma_start3A_38 = arith.constant 0 : i32
      %dma_start3A_39 = arith.constant 0 : i32
      %dma_start3A_40 = tpu.memref_slice %arg4[%dma_start3A_38, %dma_start3A_39] : memref<100000x16xf32, #tpu.memory_space<hbm>> -> memref<100000x16xf32, #tpu.memory_space<hbm>>
      tpu.enqueue_indirect_dma source(%dma_start3A_40 : memref<100000x16xf32, #tpu.memory_space<hbm>>) target(%arg10 : memref<512x16xf32, #tpu.memory_space<vmem>>) offsets(%dma_start3A_37 : memref<512xi32, #tpu.memory_space<vmem>>) semaphore(%arg12 : memref<!tpu.dma_semaphore, #tpu.memory_space<semaphore_mem>>)
      %dma_wait3A_41 = arith.constant 1 : i32
      %dma_wait3A_42 = arith.constant 0 : i32
      %dma_wait3A_43 = tpu.memref_slice %arg8[%dma_wait3A_41, %dma_wait3A_42] : memref<4x512xi32, #tpu.memory_space<vmem>> -> memref<1x512xi32, #tpu.memory_space<vmem>>
      %dma_wait3A_44 = tpu.memref_squeeze %dma_wait3A_43 : memref<1x512xi32, #tpu.memory_space<vmem>> -> memref<512xi32, #tpu.memory_space<vmem>>
      %dma_wait3A_45 = arith.constant 0 : i32
      %dma_wait3A_46 = arith.constant 0 : i32
      %dma_wait3A_47 = tpu.memref_slice %arg4[%dma_wait3A_45, %dma_wait3A_46] : memref<100000x16xf32, #tpu.memory_space<hbm>> -> memref<100000x16xf32, #tpu.memory_space<hbm>>
      tpu.wait_indirect_dma semaphore(%arg13 : memref<!tpu.dma_semaphore, #tpu.memory_space<semaphore_mem>>) src(%dma_wait3A_47 : memref<100000x16xf32, #tpu.memory_space<hbm>>) dst(%arg11 : memref<512x16xf32, #tpu.memory_space<vmem>>)
      %run_scoped3A_48 = arith.constant 1 : i32
      "tpu.region"() ({
        %run_scoped3A_72 = tpu.sem_alloc : memref<!tpu.dma_semaphore, #tpu.memory_space<semaphore_mem>>
        %dma_start3A_73 = arith.constant 0 : i32
        %dma_start3A_74 = tpu.memref_slice %arg9[%run_scoped3A_48, %dma_start3A_73] : memref<4x512xi32, #tpu.memory_space<vmem>> -> memref<1x512xi32, #tpu.memory_space<vmem>>
        %dma_start3A_75 = tpu.memref_squeeze %dma_start3A_74 : memref<1x512xi32, #tpu.memory_space<vmem>> -> memref<512xi32, #tpu.memory_space<vmem>>
        %dma_start3A_76 = arith.constant 0 : i32
        %dma_start3A_77 = arith.constant 0 : i32
        %dma_start3A_78 = tpu.memref_slice %arg7[%dma_start3A_76, %dma_start3A_77] : memref<100352x16xf32, #tpu.memory_space<vmem_shared>> -> memref<100352x16xf32, #tpu.memory_space<vmem_shared>>
        tpu.enqueue_indirect_dma source(%arg11 : memref<512x16xf32, #tpu.memory_space<vmem>>) target(%dma_start3A_78 : memref<100352x16xf32, #tpu.memory_space<vmem_shared>>) offsets(%dma_start3A_75 : memref<512xi32, #tpu.memory_space<vmem>>) semaphore(%run_scoped3A_72 : memref<!tpu.dma_semaphore, #tpu.memory_space<semaphore_mem>>) {add = true}
        %dma_wait3A_79 = arith.constant 0 : i32
        %dma_wait3A_80 = tpu.memref_slice %arg9[%run_scoped3A_48, %dma_wait3A_79] : memref<4x512xi32, #tpu.memory_space<vmem>> -> memref<1x512xi32, #tpu.memory_space<vmem>>
        %dma_wait3A_81 = tpu.memref_squeeze %dma_wait3A_80 : memref<1x512xi32, #tpu.memory_space<vmem>> -> memref<512xi32, #tpu.memory_space<vmem>>
        %dma_wait3A_82 = arith.constant 0 : i32
        %dma_wait3A_83 = arith.constant 0 : i32
        %dma_wait3A_84 = tpu.memref_slice %arg7[%dma_wait3A_82, %dma_wait3A_83] : memref<100352x16xf32, #tpu.memory_space<vmem_shared>> -> memref<100352x16xf32, #tpu.memory_space<vmem_shared>>
        tpu.wait_indirect_dma semaphore(%run_scoped3A_72 : memref<!tpu.dma_semaphore, #tpu.memory_space<semaphore_mem>>) src(%arg11 : memref<512x16xf32, #tpu.memory_space<vmem>>) dst(%dma_wait3A_84 : memref<100352x16xf32, #tpu.memory_space<vmem_shared>>)
        tpu.yield
      }) : () -> ()
      %dma_start3A_49 = arith.constant 3 : i32
      %dma_start3A_50 = arith.constant 0 : i32
      %dma_start3A_51 = tpu.memref_slice %arg8[%dma_start3A_49, %dma_start3A_50] : memref<4x512xi32, #tpu.memory_space<vmem>> -> memref<1x512xi32, #tpu.memory_space<vmem>>
      %dma_start3A_52 = tpu.memref_squeeze %dma_start3A_51 : memref<1x512xi32, #tpu.memory_space<vmem>> -> memref<512xi32, #tpu.memory_space<vmem>>
      %dma_start3A_53 = arith.constant 0 : i32
      %dma_start3A_54 = arith.constant 0 : i32
      %dma_start3A_55 = tpu.memref_slice %arg4[%dma_start3A_53, %dma_start3A_54] : memref<100000x16xf32, #tpu.memory_space<hbm>> -> memref<100000x16xf32, #tpu.memory_space<hbm>>
      tpu.enqueue_indirect_dma source(%dma_start3A_55 : memref<100000x16xf32, #tpu.memory_space<hbm>>) target(%arg11 : memref<512x16xf32, #tpu.memory_space<vmem>>) offsets(%dma_start3A_52 : memref<512xi32, #tpu.memory_space<vmem>>) semaphore(%arg13 : memref<!tpu.dma_semaphore, #tpu.memory_space<semaphore_mem>>)
      %dma_wait3A_56 = arith.constant 2 : i32
      %dma_wait3A_57 = arith.constant 0 : i32
      %dma_wait3A_58 = tpu.memref_slice %arg8[%dma_wait3A_56, %dma_wait3A_57] : memref<4x512xi32, #tpu.memory_space<vmem>> -> memref<1x512xi32, #tpu.memory_space<vmem>>
      %dma_wait3A_59 = tpu.memref_squeeze %dma_wait3A_58 : memref<1x512xi32, #tpu.memory_space<vmem>> -> memref<512xi32, #tpu.memory_space<vmem>>
      %dma_wait3A_60 = arith.constant 0 : i32
      %dma_wait3A_61 = arith.constant 0 : i32
      %dma_wait3A_62 = tpu.memref_slice %arg4[%dma_wait3A_60, %dma_wait3A_61] : memref<100000x16xf32, #tpu.memory_space<hbm>> -> memref<100000x16xf32, #tpu.memory_space<hbm>>
      tpu.wait_indirect_dma semaphore(%arg12 : memref<!tpu.dma_semaphore, #tpu.memory_space<semaphore_mem>>) src(%dma_wait3A_62 : memref<100000x16xf32, #tpu.memory_space<hbm>>) dst(%arg10 : memref<512x16xf32, #tpu.memory_space<vmem>>)
      %run_scoped3A_63 = arith.constant 2 : i32
      "tpu.region"() ({
        %run_scoped3A_72 = tpu.sem_alloc : memref<!tpu.dma_semaphore, #tpu.memory_space<semaphore_mem>>
        %dma_start3A_73 = arith.constant 0 : i32
        %dma_start3A_74 = tpu.memref_slice %arg9[%run_scoped3A_63, %dma_start3A_73] : memref<4x512xi32, #tpu.memory_space<vmem>> -> memref<1x512xi32, #tpu.memory_space<vmem>>
        %dma_start3A_75 = tpu.memref_squeeze %dma_start3A_74 : memref<1x512xi32, #tpu.memory_space<vmem>> -> memref<512xi32, #tpu.memory_space<vmem>>
        %dma_start3A_76 = arith.constant 0 : i32
        %dma_start3A_77 = arith.constant 0 : i32
        %dma_start3A_78 = tpu.memref_slice %arg7[%dma_start3A_76, %dma_start3A_77] : memref<100352x16xf32, #tpu.memory_space<vmem_shared>> -> memref<100352x16xf32, #tpu.memory_space<vmem_shared>>
        tpu.enqueue_indirect_dma source(%arg10 : memref<512x16xf32, #tpu.memory_space<vmem>>) target(%dma_start3A_78 : memref<100352x16xf32, #tpu.memory_space<vmem_shared>>) offsets(%dma_start3A_75 : memref<512xi32, #tpu.memory_space<vmem>>) semaphore(%run_scoped3A_72 : memref<!tpu.dma_semaphore, #tpu.memory_space<semaphore_mem>>) {add = true}
        %dma_wait3A_79 = arith.constant 0 : i32
        %dma_wait3A_80 = tpu.memref_slice %arg9[%run_scoped3A_63, %dma_wait3A_79] : memref<4x512xi32, #tpu.memory_space<vmem>> -> memref<1x512xi32, #tpu.memory_space<vmem>>
        %dma_wait3A_81 = tpu.memref_squeeze %dma_wait3A_80 : memref<1x512xi32, #tpu.memory_space<vmem>> -> memref<512xi32, #tpu.memory_space<vmem>>
        %dma_wait3A_82 = arith.constant 0 : i32
        %dma_wait3A_83 = arith.constant 0 : i32
        %dma_wait3A_84 = tpu.memref_slice %arg7[%dma_wait3A_82, %dma_wait3A_83] : memref<100352x16xf32, #tpu.memory_space<vmem_shared>> -> memref<100352x16xf32, #tpu.memory_space<vmem_shared>>
        tpu.wait_indirect_dma semaphore(%run_scoped3A_72 : memref<!tpu.dma_semaphore, #tpu.memory_space<semaphore_mem>>) src(%arg10 : memref<512x16xf32, #tpu.memory_space<vmem>>) dst(%dma_wait3A_84 : memref<100352x16xf32, #tpu.memory_space<vmem_shared>>)
        tpu.yield
      }) : () -> ()
      %dma_wait3A_64 = arith.constant 3 : i32
      %dma_wait3A_65 = arith.constant 0 : i32
      %dma_wait3A_66 = tpu.memref_slice %arg8[%dma_wait3A_64, %dma_wait3A_65] : memref<4x512xi32, #tpu.memory_space<vmem>> -> memref<1x512xi32, #tpu.memory_space<vmem>>
      %dma_wait3A_67 = tpu.memref_squeeze %dma_wait3A_66 : memref<1x512xi32, #tpu.memory_space<vmem>> -> memref<512xi32, #tpu.memory_space<vmem>>
      %dma_wait3A_68 = arith.constant 0 : i32
      %dma_wait3A_69 = arith.constant 0 : i32
      %dma_wait3A_70 = tpu.memref_slice %arg4[%dma_wait3A_68, %dma_wait3A_69] : memref<100000x16xf32, #tpu.memory_space<hbm>> -> memref<100000x16xf32, #tpu.memory_space<hbm>>
      tpu.wait_indirect_dma semaphore(%arg13 : memref<!tpu.dma_semaphore, #tpu.memory_space<semaphore_mem>>) src(%dma_wait3A_70 : memref<100000x16xf32, #tpu.memory_space<hbm>>) dst(%arg11 : memref<512x16xf32, #tpu.memory_space<vmem>>)
      %run_scoped3A_71 = arith.constant 3 : i32
      "tpu.region"() ({
        %run_scoped3A_72 = tpu.sem_alloc : memref<!tpu.dma_semaphore, #tpu.memory_space<semaphore_mem>>
        %dma_start3A_73 = arith.constant 0 : i32
        %dma_start3A_74 = tpu.memref_slice %arg9[%run_scoped3A_71, %dma_start3A_73] : memref<4x512xi32, #tpu.memory_space<vmem>> -> memref<1x512xi32, #tpu.memory_space<vmem>>
        %dma_start3A_75 = tpu.memref_squeeze %dma_start3A_74 : memref<1x512xi32, #tpu.memory_space<vmem>> -> memref<512xi32, #tpu.memory_space<vmem>>
        %dma_start3A_76 = arith.constant 0 : i32
        %dma_start3A_77 = arith.constant 0 : i32
        %dma_start3A_78 = tpu.memref_slice %arg7[%dma_start3A_76, %dma_start3A_77] : memref<100352x16xf32, #tpu.memory_space<vmem_shared>> -> memref<100352x16xf32, #tpu.memory_space<vmem_shared>>
        tpu.enqueue_indirect_dma source(%arg11 : memref<512x16xf32, #tpu.memory_space<vmem>>) target(%dma_start3A_78 : memref<100352x16xf32, #tpu.memory_space<vmem_shared>>) offsets(%dma_start3A_75 : memref<512xi32, #tpu.memory_space<vmem>>) semaphore(%run_scoped3A_72 : memref<!tpu.dma_semaphore, #tpu.memory_space<semaphore_mem>>) {add = true}
        %dma_wait3A_79 = arith.constant 0 : i32
        %dma_wait3A_80 = tpu.memref_slice %arg9[%run_scoped3A_71, %dma_wait3A_79] : memref<4x512xi32, #tpu.memory_space<vmem>> -> memref<1x512xi32, #tpu.memory_space<vmem>>
        %dma_wait3A_81 = tpu.memref_squeeze %dma_wait3A_80 : memref<1x512xi32, #tpu.memory_space<vmem>> -> memref<512xi32, #tpu.memory_space<vmem>>
        %dma_wait3A_82 = arith.constant 0 : i32
        %dma_wait3A_83 = arith.constant 0 : i32
        %dma_wait3A_84 = tpu.memref_slice %arg7[%dma_wait3A_82, %dma_wait3A_83] : memref<100352x16xf32, #tpu.memory_space<vmem_shared>> -> memref<100352x16xf32, #tpu.memory_space<vmem_shared>>
        tpu.wait_indirect_dma semaphore(%run_scoped3A_72 : memref<!tpu.dma_semaphore, #tpu.memory_space<semaphore_mem>>) src(%arg11 : memref<512x16xf32, #tpu.memory_space<vmem>>) dst(%dma_wait3A_84 : memref<100352x16xf32, #tpu.memory_space<vmem_shared>>)
        tpu.yield
      }) : () -> ()
    }
    %scan3A_9 = arith.constant 25 : i32
    %barrier3A_10 = arith.constant 0 : index
    tpu.barrier barrier_id(%barrier3A_10)
    "tpu.region"() ({
      %run_scoped3A = tpu.sem_alloc : memref<!tpu.dma_semaphore, #tpu.memory_space<semaphore_mem>>
      %dma_start3A = arith.constant 0 : i32
      %dma_start3A_11 = tpu.memref_slice %arg6[%arg0, %mul3A_0, %dma_start3A] : memref<2x100352x16xf32, #tpu.memory_space<hbm>> -> memref<1x6272x16xf32, #tpu.memory_space<hbm>>
      %dma_start3A_12 = tpu.memref_squeeze %dma_start3A_11 : memref<1x6272x16xf32, #tpu.memory_space<hbm>> -> memref<6272x16xf32, #tpu.memory_space<hbm>>
      %dma_start3A_13 = arith.constant 0 : i32
      %dma_start3A_14 = tpu.memref_slice %arg7[%mul3A_0, %dma_start3A_13] : memref<100352x16xf32, #tpu.memory_space<vmem_shared>> -> memref<6272x16xf32, #tpu.memory_space<vmem_shared>>
      tpu.enqueue_dma source(%dma_start3A_14 : memref<6272x16xf32, #tpu.memory_space<vmem_shared>>) target(%dma_start3A_12 : memref<6272x16xf32, #tpu.memory_space<hbm>>) target_semaphore(%run_scoped3A : memref<!tpu.dma_semaphore, #tpu.memory_space<semaphore_mem>>)
      %dma_wait3A = arith.constant 0 : i32
      %dma_wait3A_15 = tpu.memref_slice %arg6[%arg0, %mul3A_0, %dma_wait3A] : memref<2x100352x16xf32, #tpu.memory_space<hbm>> -> memref<1x6272x16xf32, #tpu.memory_space<hbm>>
      %dma_wait3A_16 = tpu.memref_squeeze %dma_wait3A_15 : memref<1x6272x16xf32, #tpu.memory_space<hbm>> -> memref<6272x16xf32, #tpu.memory_space<hbm>>
      %dma_wait3A_17 = arith.constant 0 : i32
      %dma_wait3A_18 = tpu.memref_slice %arg7[%mul3A_0, %dma_wait3A_17] : memref<100352x16xf32, #tpu.memory_space<vmem_shared>> -> memref<6272x16xf32, #tpu.memory_space<vmem_shared>>
      tpu.wait_dma2 semaphore(%run_scoped3A : memref<!tpu.dma_semaphore, #tpu.memory_space<semaphore_mem>>) src(%dma_wait3A_18 : memref<6272x16xf32, #tpu.memory_space<vmem_shared>>) dst(%dma_wait3A_16 : memref<6272x16xf32, #tpu.memory_space<hbm>>)
      tpu.yield
    }) : () -> ()
    return
  }
}

#map = affine_map<(d0, d1) -> (0)>
#map1 = affine_map<(d0, d1) -> (0, 0)>
#map2 = affine_map<(d0, d1) -> (0, 0, 0)>
module attributes {stable_mosaic.version = 14 : i64} {
  func.func @_flags_deg_body(%arg0: i32, %arg1: i32, %arg2: memref<1638400xi32, #tpu.memory_space<hbm>>, %arg3: memref<10000xi32, #tpu.memory_space<hbm>>, %arg4: memref<90000xi32, #tpu.memory_space<hbm>>, %arg5: memref<100352x1xf32, #tpu.memory_space<hbm>>, %arg6: memref<512x1xf32, #tpu.memory_space<hbm>>, %arg7: memref<4x100352x1xf32, #tpu.memory_space<hbm>>, %arg8: memref<100352x1xf32, #tpu.memory_space<vmem_shared>>, %arg9: memref<100352x1xf32, #tpu.memory_space<vmem_shared>>, %arg10: memref<100352x1xf32, #tpu.memory_space<vmem_shared>>, %arg11: memref<512x1xf32, #tpu.memory_space<vmem>>, %arg12: memref<400x1xf32, #tpu.memory_space<vmem>>, %arg13: memref<512xi32, #tpu.memory_space<vmem>>, %arg14: memref<400xi32, #tpu.memory_space<vmem>>) attributes {dimension_semantics = [#tpu.dimension_semantics<core_parallel>, #tpu.dimension_semantics<subcore_parallel>], iteration_bounds = array<i64: 2, 16>, scalar_prefetch = 0 : i64, scratch_operands = 7 : i64, tpu.core_type = #tpu.core_type<sc_vector_subcore>, window_params = [{transform_indices = #map}, {transform_indices = #map}, {transform_indices = #map}, {transform_indices = #map1}, {transform_indices = #map1}, {transform_indices = #map2}]} {
    %mul3A = arith.constant 16 : i32
    %mul3A_0 = arith.muli %arg0, %mul3A : i32
    %add3A = arith.addi %mul3A_0, %arg1 : i32
    %mul3A_1 = arith.constant 6272 : i32
    %mul3A_2 = arith.muli %arg1, %mul3A_1 : i32
    "tpu.region"() ({
      %run_scoped3A = tpu.sem_alloc : memref<!tpu.dma_semaphore, #tpu.memory_space<semaphore_mem>>
      %dma_start3A = arith.constant 0 : i32
      %dma_start3A_33 = tpu.memref_slice %arg10[%mul3A_2, %dma_start3A] : memref<100352x1xf32, #tpu.memory_space<vmem_shared>> -> memref<6272x1xf32, #tpu.memory_space<vmem_shared>>
      %dma_start3A_34 = arith.constant 0 : i32
      %dma_start3A_35 = tpu.memref_slice %arg5[%mul3A_2, %dma_start3A_34] : memref<100352x1xf32, #tpu.memory_space<hbm>> -> memref<6272x1xf32, #tpu.memory_space<hbm>>
      tpu.enqueue_dma source(%dma_start3A_35 : memref<6272x1xf32, #tpu.memory_space<hbm>>) target(%dma_start3A_33 : memref<6272x1xf32, #tpu.memory_space<vmem_shared>>) target_semaphore(%run_scoped3A : memref<!tpu.dma_semaphore, #tpu.memory_space<semaphore_mem>>)
      %dma_wait3A = arith.constant 0 : i32
      %dma_wait3A_36 = tpu.memref_slice %arg10[%mul3A_2, %dma_wait3A] : memref<100352x1xf32, #tpu.memory_space<vmem_shared>> -> memref<6272x1xf32, #tpu.memory_space<vmem_shared>>
      %dma_wait3A_37 = arith.constant 0 : i32
      %dma_wait3A_38 = tpu.memref_slice %arg5[%mul3A_2, %dma_wait3A_37] : memref<100352x1xf32, #tpu.memory_space<hbm>> -> memref<6272x1xf32, #tpu.memory_space<hbm>>
      tpu.wait_dma2 semaphore(%run_scoped3A : memref<!tpu.dma_semaphore, #tpu.memory_space<semaphore_mem>>) src(%dma_wait3A_38 : memref<6272x1xf32, #tpu.memory_space<hbm>>) dst(%dma_wait3A_36 : memref<6272x1xf32, #tpu.memory_space<vmem_shared>>)
      tpu.yield
    }) : () -> ()
    "tpu.region"() ({
      %run_scoped3A = tpu.sem_alloc : memref<!tpu.dma_semaphore, #tpu.memory_space<semaphore_mem>>
      %dma_start3A = arith.constant 0 : i32
      %dma_start3A_33 = arith.constant 0 : i32
      %dma_start3A_34 = tpu.memref_slice %arg6[%dma_start3A, %dma_start3A_33] : memref<512x1xf32, #tpu.memory_space<hbm>> -> memref<512x1xf32, #tpu.memory_space<hbm>>
      %dma_start3A_35 = arith.constant 0 : i32
      %dma_start3A_36 = arith.constant 0 : i32
      %dma_start3A_37 = tpu.memref_slice %arg6[%dma_start3A_35, %dma_start3A_36] : memref<512x1xf32, #tpu.memory_space<hbm>> -> memref<512x1xf32, #tpu.memory_space<hbm>>
      tpu.enqueue_dma source(%dma_start3A_37 : memref<512x1xf32, #tpu.memory_space<hbm>>) target(%arg11 : memref<512x1xf32, #tpu.memory_space<vmem>>) target_semaphore(%run_scoped3A : memref<!tpu.dma_semaphore, #tpu.memory_space<semaphore_mem>>)
      %dma_wait3A = arith.constant 0 : i32
      %dma_wait3A_38 = arith.constant 0 : i32
      %dma_wait3A_39 = tpu.memref_slice %arg6[%dma_wait3A, %dma_wait3A_38] : memref<512x1xf32, #tpu.memory_space<hbm>> -> memref<512x1xf32, #tpu.memory_space<hbm>>
      %dma_wait3A_40 = arith.constant 0 : i32
      %dma_wait3A_41 = arith.constant 0 : i32
      %dma_wait3A_42 = tpu.memref_slice %arg6[%dma_wait3A_40, %dma_wait3A_41] : memref<512x1xf32, #tpu.memory_space<hbm>> -> memref<512x1xf32, #tpu.memory_space<hbm>>
      tpu.wait_dma2 semaphore(%run_scoped3A : memref<!tpu.dma_semaphore, #tpu.memory_space<semaphore_mem>>) src(%dma_wait3A_42 : memref<512x1xf32, #tpu.memory_space<hbm>>) dst(%arg11 : memref<512x1xf32, #tpu.memory_space<vmem>>)
      tpu.yield
    }) : () -> ()
    "tpu.region"() ({
      %run_scoped3A = tpu.sem_alloc : memref<!tpu.dma_semaphore, #tpu.memory_space<semaphore_mem>>
      %dma_start3A = arith.constant 0 : i32
      %dma_start3A_33 = arith.constant 0 : i32
      %dma_start3A_34 = tpu.memref_slice %arg6[%dma_start3A, %dma_start3A_33] : memref<512x1xf32, #tpu.memory_space<hbm>> -> memref<400x1xf32, #tpu.memory_space<hbm>>
      %dma_start3A_35 = arith.constant 0 : i32
      %dma_start3A_36 = arith.constant 0 : i32
      %dma_start3A_37 = tpu.memref_slice %arg6[%dma_start3A_35, %dma_start3A_36] : memref<512x1xf32, #tpu.memory_space<hbm>> -> memref<400x1xf32, #tpu.memory_space<hbm>>
      tpu.enqueue_dma source(%dma_start3A_37 : memref<400x1xf32, #tpu.memory_space<hbm>>) target(%arg12 : memref<400x1xf32, #tpu.memory_space<vmem>>) target_semaphore(%run_scoped3A : memref<!tpu.dma_semaphore, #tpu.memory_space<semaphore_mem>>)
      %dma_wait3A = arith.constant 0 : i32
      %dma_wait3A_38 = arith.constant 0 : i32
      %dma_wait3A_39 = tpu.memref_slice %arg6[%dma_wait3A, %dma_wait3A_38] : memref<512x1xf32, #tpu.memory_space<hbm>> -> memref<400x1xf32, #tpu.memory_space<hbm>>
      %dma_wait3A_40 = arith.constant 0 : i32
      %dma_wait3A_41 = arith.constant 0 : i32
      %dma_wait3A_42 = tpu.memref_slice %arg6[%dma_wait3A_40, %dma_wait3A_41] : memref<512x1xf32, #tpu.memory_space<hbm>> -> memref<400x1xf32, #tpu.memory_space<hbm>>
      tpu.wait_dma2 semaphore(%run_scoped3A : memref<!tpu.dma_semaphore, #tpu.memory_space<semaphore_mem>>) src(%dma_wait3A_42 : memref<400x1xf32, #tpu.memory_space<hbm>>) dst(%arg12 : memref<400x1xf32, #tpu.memory_space<vmem>>)
      tpu.yield
    }) : () -> ()
    %eq3A = arith.constant 0 : i32
    %eq3A_3 = arith.cmpi eq, %arg0, %eq3A : i32
    %convert_element_type3A = arith.extui %eq3A_3 : i1 to i32
    %cond3A = arith.constant 0 : i32
    %cond3A_4 = arith.cmpi ne, %convert_element_type3A, %cond3A : i32
    scf.if %cond3A_4 {
      "tpu.region"() ({
        %run_scoped3A = tpu.sem_alloc : memref<!tpu.dma_semaphore, #tpu.memory_space<semaphore_mem>>
        %dma_start3A = arith.constant 0 : i32
        %dma_start3A_33 = tpu.memref_slice %arg8[%mul3A_2, %dma_start3A] : memref<100352x1xf32, #tpu.memory_space<vmem_shared>> -> memref<6272x1xf32, #tpu.memory_space<vmem_shared>>
        %dma_start3A_34 = arith.constant 0 : i32
        %dma_start3A_35 = tpu.memref_slice %arg5[%mul3A_2, %dma_start3A_34] : memref<100352x1xf32, #tpu.memory_space<hbm>> -> memref<6272x1xf32, #tpu.memory_space<hbm>>
        tpu.enqueue_dma source(%dma_start3A_35 : memref<6272x1xf32, #tpu.memory_space<hbm>>) target(%dma_start3A_33 : memref<6272x1xf32, #tpu.memory_space<vmem_shared>>) target_semaphore(%run_scoped3A : memref<!tpu.dma_semaphore, #tpu.memory_space<semaphore_mem>>)
        %dma_wait3A = arith.constant 0 : i32
        %dma_wait3A_36 = tpu.memref_slice %arg8[%mul3A_2, %dma_wait3A] : memref<100352x1xf32, #tpu.memory_space<vmem_shared>> -> memref<6272x1xf32, #tpu.memory_space<vmem_shared>>
        %dma_wait3A_37 = arith.constant 0 : i32
        %dma_wait3A_38 = tpu.memref_slice %arg5[%mul3A_2, %dma_wait3A_37] : memref<100352x1xf32, #tpu.memory_space<hbm>> -> memref<6272x1xf32, #tpu.memory_space<hbm>>
        tpu.wait_dma2 semaphore(%run_scoped3A : memref<!tpu.dma_semaphore, #tpu.memory_space<semaphore_mem>>) src(%dma_wait3A_38 : memref<6272x1xf32, #tpu.memory_space<hbm>>) dst(%dma_wait3A_36 : memref<6272x1xf32, #tpu.memory_space<vmem_shared>>)
        tpu.yield
      }) : () -> ()
      "tpu.region"() ({
        %run_scoped3A = tpu.sem_alloc : memref<!tpu.dma_semaphore, #tpu.memory_space<semaphore_mem>>
        %dma_start3A = arith.constant 0 : i32
        %dma_start3A_33 = tpu.memref_slice %arg9[%mul3A_2, %dma_start3A] : memref<100352x1xf32, #tpu.memory_space<vmem_shared>> -> memref<6272x1xf32, #tpu.memory_space<vmem_shared>>
        %dma_start3A_34 = arith.constant 0 : i32
        %dma_start3A_35 = tpu.memref_slice %arg5[%mul3A_2, %dma_start3A_34] : memref<100352x1xf32, #tpu.memory_space<hbm>> -> memref<6272x1xf32, #tpu.memory_space<hbm>>
        tpu.enqueue_dma source(%dma_start3A_35 : memref<6272x1xf32, #tpu.memory_space<hbm>>) target(%dma_start3A_33 : memref<6272x1xf32, #tpu.memory_space<vmem_shared>>) target_semaphore(%run_scoped3A : memref<!tpu.dma_semaphore, #tpu.memory_space<semaphore_mem>>)
        %dma_wait3A = arith.constant 0 : i32
        %dma_wait3A_36 = tpu.memref_slice %arg9[%mul3A_2, %dma_wait3A] : memref<100352x1xf32, #tpu.memory_space<vmem_shared>> -> memref<6272x1xf32, #tpu.memory_space<vmem_shared>>
        %dma_wait3A_37 = arith.constant 0 : i32
        %dma_wait3A_38 = tpu.memref_slice %arg5[%mul3A_2, %dma_wait3A_37] : memref<100352x1xf32, #tpu.memory_space<hbm>> -> memref<6272x1xf32, #tpu.memory_space<hbm>>
        tpu.wait_dma2 semaphore(%run_scoped3A : memref<!tpu.dma_semaphore, #tpu.memory_space<semaphore_mem>>) src(%dma_wait3A_38 : memref<6272x1xf32, #tpu.memory_space<hbm>>) dst(%dma_wait3A_36 : memref<6272x1xf32, #tpu.memory_space<vmem_shared>>)
        tpu.yield
      }) : () -> ()
    } else {
    }
    %barrier3A = arith.constant 0 : index
    tpu.barrier barrier_id(%barrier3A)
    %mul3A_5 = arith.constant 100 : i32
    %mul3A_6 = arith.muli %add3A, %mul3A_5 : i32
    %scan3A = arith.constant 0 : i32
    %scan3A_7 = arith.constant 0 : i32
    %scan3A_8 = arith.constant 100 : i32
    %scan3A_9 = arith.addi %scan3A_7, %scan3A_8 : i32
    %scan3A_10 = arith.constant 1 : i32
    scf.for %scan3A_33 = %scan3A_7 to %scan3A_9 step %scan3A_10  : i32 {
      %add3A_34 = arith.addi %mul3A_6, %scan3A_33 : i32
      %mul3A_35 = arith.constant 512 : i32
      %mul3A_36 = arith.muli %add3A_34, %mul3A_35 : i32
      "tpu.region"() ({
        %run_scoped3A = tpu.sem_alloc : memref<!tpu.dma_semaphore, #tpu.memory_space<semaphore_mem>>
        %dma_start3A = tpu.memref_slice %arg2[%mul3A_36] : memref<1638400xi32, #tpu.memory_space<hbm>> -> memref<512xi32, #tpu.memory_space<hbm>>
        %dma_start3A_37 = tpu.memref_slice %arg2[%mul3A_36] : memref<1638400xi32, #tpu.memory_space<hbm>> -> memref<512xi32, #tpu.memory_space<hbm>>
        tpu.enqueue_dma source(%dma_start3A_37 : memref<512xi32, #tpu.memory_space<hbm>>) target(%arg13 : memref<512xi32, #tpu.memory_space<vmem>>) target_semaphore(%run_scoped3A : memref<!tpu.dma_semaphore, #tpu.memory_space<semaphore_mem>>)
        %dma_wait3A = tpu.memref_slice %arg2[%mul3A_36] : memref<1638400xi32, #tpu.memory_space<hbm>> -> memref<512xi32, #tpu.memory_space<hbm>>
        %dma_wait3A_38 = tpu.memref_slice %arg2[%mul3A_36] : memref<1638400xi32, #tpu.memory_space<hbm>> -> memref<512xi32, #tpu.memory_space<hbm>>
        tpu.wait_dma2 semaphore(%run_scoped3A : memref<!tpu.dma_semaphore, #tpu.memory_space<semaphore_mem>>) src(%dma_wait3A_38 : memref<512xi32, #tpu.memory_space<hbm>>) dst(%arg13 : memref<512xi32, #tpu.memory_space<vmem>>)
        tpu.yield
      }) : () -> ()
      "tpu.region"() ({
        %run_scoped3A = tpu.sem_alloc : memref<!tpu.dma_semaphore, #tpu.memory_space<semaphore_mem>>
        %dma_start3A = arith.constant 0 : i32
        %dma_start3A_37 = arith.constant 0 : i32
        %dma_start3A_38 = tpu.memref_slice %arg10[%dma_start3A, %dma_start3A_37] : memref<100352x1xf32, #tpu.memory_space<vmem_shared>> -> memref<100352x1xf32, #tpu.memory_space<vmem_shared>>
        tpu.enqueue_indirect_dma source(%arg11 : memref<512x1xf32, #tpu.memory_space<vmem>>) target(%dma_start3A_38 : memref<100352x1xf32, #tpu.memory_space<vmem_shared>>) offsets(%arg13 : memref<512xi32, #tpu.memory_space<vmem>>) semaphore(%run_scoped3A : memref<!tpu.dma_semaphore, #tpu.memory_space<semaphore_mem>>) {add = true}
        %dma_wait3A = arith.constant 0 : i32
        %dma_wait3A_39 = arith.constant 0 : i32
        %dma_wait3A_40 = tpu.memref_slice %arg10[%dma_wait3A, %dma_wait3A_39] : memref<100352x1xf32, #tpu.memory_space<vmem_shared>> -> memref<100352x1xf32, #tpu.memory_space<vmem_shared>>
        tpu.wait_indirect_dma semaphore(%run_scoped3A : memref<!tpu.dma_semaphore, #tpu.memory_space<semaphore_mem>>) src(%arg11 : memref<512x1xf32, #tpu.memory_space<vmem>>) dst(%dma_wait3A_40 : memref<100352x1xf32, #tpu.memory_space<vmem_shared>>)
        tpu.yield
      }) : () -> ()
    }
    %scan3A_11 = arith.constant 100 : i32
    %eq3A_12 = arith.constant 0 : i32
    %eq3A_13 = arith.cmpi eq, %arg0, %eq3A_12 : i32
    %convert_element_type3A_14 = arith.extui %eq3A_13 : i1 to i32
    %cond3A_15 = arith.constant 0 : i32
    %cond3A_16 = arith.cmpi ne, %convert_element_type3A_14, %cond3A_15 : i32
    scf.if %cond3A_16 {
      %mul3A_33 = arith.constant 1 : i32
      %mul3A_34 = arith.muli %arg1, %mul3A_33 : i32
      %min3A = arith.constant 9 : i32
      %min3A_35 = arith.minsi %arg1, %min3A : i32
      %add3A_36 = arith.addi %mul3A_34, %min3A_35 : i32
      %lt3A = arith.constant 9 : i32
      %lt3A_37 = arith.cmpi slt, %arg1, %lt3A : i32
      %jit3A = arith.constant 1 : i32
      %jit3A_38 = arith.constant 0 : i32
      %select_n3A = arith.select %lt3A_37, %jit3A, %jit3A_38 : i32
      %add3A_39 = arith.constant 1 : i32
      %add3A_40 = arith.addi %add3A_39, %select_n3A : i32
      %while3A = arith.constant 0 : i32
      %while3A_41 = arith.constant 0 : i32
      %while3A_42 = arith.subi %add3A_40, %while3A_41 : i32
      %while3A_43 = arith.addi %while3A_41, %while3A_42 : i32
      %while3A_44 = arith.constant 1 : i32
      %while3A_45 = arith.divsi %while3A_42, %while3A_44 : i32
      %while3A_46 = arith.muli %while3A_45, %while3A_44 : i32
      %while3A_47 = arith.addi %while3A_41, %while3A_46 : i32
      %while3A_48 = arith.constant 1 : i32
      scf.for %while3A_72 = %while3A_41 to %while3A_47 step %while3A_48  : i32 {
        %add3A_73 = arith.addi %add3A_36, %while3A_72 : i32
        %mul3A_74 = arith.constant 400 : i32
        %mul3A_75 = arith.muli %add3A_73, %mul3A_74 : i32
        "tpu.region"() ({
          %run_scoped3A = tpu.sem_alloc : memref<!tpu.dma_semaphore, #tpu.memory_space<semaphore_mem>>
          %dma_start3A = tpu.memref_slice %arg3[%mul3A_75] : memref<10000xi32, #tpu.memory_space<hbm>> -> memref<400xi32, #tpu.memory_space<hbm>>
          %dma_start3A_76 = tpu.memref_slice %arg3[%mul3A_75] : memref<10000xi32, #tpu.memory_space<hbm>> -> memref<400xi32, #tpu.memory_space<hbm>>
          tpu.enqueue_dma source(%dma_start3A_76 : memref<400xi32, #tpu.memory_space<hbm>>) target(%arg14 : memref<400xi32, #tpu.memory_space<vmem>>) target_semaphore(%run_scoped3A : memref<!tpu.dma_semaphore, #tpu.memory_space<semaphore_mem>>)
          %dma_wait3A = tpu.memref_slice %arg3[%mul3A_75] : memref<10000xi32, #tpu.memory_space<hbm>> -> memref<400xi32, #tpu.memory_space<hbm>>
          %dma_wait3A_77 = tpu.memref_slice %arg3[%mul3A_75] : memref<10000xi32, #tpu.memory_space<hbm>> -> memref<400xi32, #tpu.memory_space<hbm>>
          tpu.wait_dma2 semaphore(%run_scoped3A : memref<!tpu.dma_semaphore, #tpu.memory_space<semaphore_mem>>) src(%dma_wait3A_77 : memref<400xi32, #tpu.memory_space<hbm>>) dst(%arg14 : memref<400xi32, #tpu.memory_space<vmem>>)
          tpu.yield
        }) : () -> ()
        "tpu.region"() ({
          %run_scoped3A = tpu.sem_alloc : memref<!tpu.dma_semaphore, #tpu.memory_space<semaphore_mem>>
          %dma_start3A = arith.constant 0 : i32
          %dma_start3A_76 = arith.constant 0 : i32
          %dma_start3A_77 = tpu.memref_slice %arg8[%dma_start3A, %dma_start3A_76] : memref<100352x1xf32, #tpu.memory_space<vmem_shared>> -> memref<100352x1xf32, #tpu.memory_space<vmem_shared>>
          tpu.enqueue_indirect_dma source(%arg12 : memref<400x1xf32, #tpu.memory_space<vmem>>) target(%dma_start3A_77 : memref<100352x1xf32, #tpu.memory_space<vmem_shared>>) offsets(%arg14 : memref<400xi32, #tpu.memory_space<vmem>>) semaphore(%run_scoped3A : memref<!tpu.dma_semaphore, #tpu.memory_space<semaphore_mem>>) {add = true}
          %dma_wait3A = arith.constant 0 : i32
          %dma_wait3A_78 = arith.constant 0 : i32
          %dma_wait3A_79 = tpu.memref_slice %arg8[%dma_wait3A, %dma_wait3A_78] : memref<100352x1xf32, #tpu.memory_space<vmem_shared>> -> memref<100352x1xf32, #tpu.memory_space<vmem_shared>>
          tpu.wait_indirect_dma semaphore(%run_scoped3A : memref<!tpu.dma_semaphore, #tpu.memory_space<semaphore_mem>>) src(%arg12 : memref<400x1xf32, #tpu.memory_space<vmem>>) dst(%dma_wait3A_79 : memref<100352x1xf32, #tpu.memory_space<vmem_shared>>)
          tpu.yield
        }) : () -> ()
      }
      %while3A_49 = arith.constant 1 : i32
      scf.for %while3A_72 = %while3A_47 to %while3A_43 step %while3A_49  : i32 {
        %add3A_73 = arith.addi %add3A_36, %while3A_72 : i32
        %mul3A_74 = arith.constant 400 : i32
        %mul3A_75 = arith.muli %add3A_73, %mul3A_74 : i32
        "tpu.region"() ({
          %run_scoped3A = tpu.sem_alloc : memref<!tpu.dma_semaphore, #tpu.memory_space<semaphore_mem>>
          %dma_start3A = tpu.memref_slice %arg3[%mul3A_75] : memref<10000xi32, #tpu.memory_space<hbm>> -> memref<400xi32, #tpu.memory_space<hbm>>
          %dma_start3A_76 = tpu.memref_slice %arg3[%mul3A_75] : memref<10000xi32, #tpu.memory_space<hbm>> -> memref<400xi32, #tpu.memory_space<hbm>>
          tpu.enqueue_dma source(%dma_start3A_76 : memref<400xi32, #tpu.memory_space<hbm>>) target(%arg14 : memref<400xi32, #tpu.memory_space<vmem>>) target_semaphore(%run_scoped3A : memref<!tpu.dma_semaphore, #tpu.memory_space<semaphore_mem>>)
          %dma_wait3A = tpu.memref_slice %arg3[%mul3A_75] : memref<10000xi32, #tpu.memory_space<hbm>> -> memref<400xi32, #tpu.memory_space<hbm>>
          %dma_wait3A_77 = tpu.memref_slice %arg3[%mul3A_75] : memref<10000xi32, #tpu.memory_space<hbm>> -> memref<400xi32, #tpu.memory_space<hbm>>
          tpu.wait_dma2 semaphore(%run_scoped3A : memref<!tpu.dma_semaphore, #tpu.memory_space<semaphore_mem>>) src(%dma_wait3A_77 : memref<400xi32, #tpu.memory_space<hbm>>) dst(%arg14 : memref<400xi32, #tpu.memory_space<vmem>>)
          tpu.yield
        }) : () -> ()
        "tpu.region"() ({
          %run_scoped3A = tpu.sem_alloc : memref<!tpu.dma_semaphore, #tpu.memory_space<semaphore_mem>>
          %dma_start3A = arith.constant 0 : i32
          %dma_start3A_76 = arith.constant 0 : i32
          %dma_start3A_77 = tpu.memref_slice %arg8[%dma_start3A, %dma_start3A_76] : memref<100352x1xf32, #tpu.memory_space<vmem_shared>> -> memref<100352x1xf32, #tpu.memory_space<vmem_shared>>
          tpu.enqueue_indirect_dma source(%arg12 : memref<400x1xf32, #tpu.memory_space<vmem>>) target(%dma_start3A_77 : memref<100352x1xf32, #tpu.memory_space<vmem_shared>>) offsets(%arg14 : memref<400xi32, #tpu.memory_space<vmem>>) semaphore(%run_scoped3A : memref<!tpu.dma_semaphore, #tpu.memory_space<semaphore_mem>>) {add = true}
          %dma_wait3A = arith.constant 0 : i32
          %dma_wait3A_78 = arith.constant 0 : i32
          %dma_wait3A_79 = tpu.memref_slice %arg8[%dma_wait3A, %dma_wait3A_78] : memref<100352x1xf32, #tpu.memory_space<vmem_shared>> -> memref<100352x1xf32, #tpu.memory_space<vmem_shared>>
          tpu.wait_indirect_dma semaphore(%run_scoped3A : memref<!tpu.dma_semaphore, #tpu.memory_space<semaphore_mem>>) src(%arg12 : memref<400x1xf32, #tpu.memory_space<vmem>>) dst(%dma_wait3A_79 : memref<100352x1xf32, #tpu.memory_space<vmem_shared>>)
          tpu.yield
        }) : () -> ()
      }
      %mul3A_50 = arith.constant 14 : i32
      %mul3A_51 = arith.muli %arg1, %mul3A_50 : i32
      %min3A_52 = arith.constant 1 : i32
      %min3A_53 = arith.minsi %arg1, %min3A_52 : i32
      %add3A_54 = arith.addi %mul3A_51, %min3A_53 : i32
      %lt3A_55 = arith.constant 1 : i32
      %lt3A_56 = arith.cmpi slt, %arg1, %lt3A_55 : i32
      %jit3A_57 = arith.constant 1 : i32
      %jit3A_58 = arith.constant 0 : i32
      %select_n3A_59 = arith.select %lt3A_56, %jit3A_57, %jit3A_58 : i32
      %add3A_60 = arith.constant 14 : i32
      %add3A_61 = arith.addi %add3A_60, %select_n3A_59 : i32
      %while3A_62 = arith.constant 0 : i32
      %while3A_63 = arith.constant 0 : i32
      %while3A_64 = arith.subi %add3A_61, %while3A_63 : i32
      %while3A_65 = arith.addi %while3A_63, %while3A_64 : i32
      %while3A_66 = arith.constant 1 : i32
      %while3A_67 = arith.divsi %while3A_64, %while3A_66 : i32
      %while3A_68 = arith.muli %while3A_67, %while3A_66 : i32
      %while3A_69 = arith.addi %while3A_63, %while3A_68 : i32
      %while3A_70 = arith.constant 1 : i32
      scf.for %while3A_72 = %while3A_63 to %while3A_69 step %while3A_70  : i32 {
        %add3A_73 = arith.addi %add3A_54, %while3A_72 : i32
        %mul3A_74 = arith.constant 400 : i32
        %mul3A_75 = arith.muli %add3A_73, %mul3A_74 : i32
        "tpu.region"() ({
          %run_scoped3A = tpu.sem_alloc : memref<!tpu.dma_semaphore, #tpu.memory_space<semaphore_mem>>
          %dma_start3A = tpu.memref_slice %arg4[%mul3A_75] : memref<90000xi32, #tpu.memory_space<hbm>> -> memref<400xi32, #tpu.memory_space<hbm>>
          %dma_start3A_76 = tpu.memref_slice %arg4[%mul3A_75] : memref<90000xi32, #tpu.memory_space<hbm>> -> memref<400xi32, #tpu.memory_space<hbm>>
          tpu.enqueue_dma source(%dma_start3A_76 : memref<400xi32, #tpu.memory_space<hbm>>) target(%arg14 : memref<400xi32, #tpu.memory_space<vmem>>) target_semaphore(%run_scoped3A : memref<!tpu.dma_semaphore, #tpu.memory_space<semaphore_mem>>)
          %dma_wait3A = tpu.memref_slice %arg4[%mul3A_75] : memref<90000xi32, #tpu.memory_space<hbm>> -> memref<400xi32, #tpu.memory_space<hbm>>
          %dma_wait3A_77 = tpu.memref_slice %arg4[%mul3A_75] : memref<90000xi32, #tpu.memory_space<hbm>> -> memref<400xi32, #tpu.memory_space<hbm>>
          tpu.wait_dma2 semaphore(%run_scoped3A : memref<!tpu.dma_semaphore, #tpu.memory_space<semaphore_mem>>) src(%dma_wait3A_77 : memref<400xi32, #tpu.memory_space<hbm>>) dst(%arg14 : memref<400xi32, #tpu.memory_space<vmem>>)
          tpu.yield
        }) : () -> ()
        "tpu.region"() ({
          %run_scoped3A = tpu.sem_alloc : memref<!tpu.dma_semaphore, #tpu.memory_space<semaphore_mem>>
          %dma_start3A = arith.constant 0 : i32
          %dma_start3A_76 = arith.constant 0 : i32
          %dma_start3A_77 = tpu.memref_slice %arg9[%dma_start3A, %dma_start3A_76] : memref<100352x1xf32, #tpu.memory_space<vmem_shared>> -> memref<100352x1xf32, #tpu.memory_space<vmem_shared>>
          tpu.enqueue_indirect_dma source(%arg12 : memref<400x1xf32, #tpu.memory_space<vmem>>) target(%dma_start3A_77 : memref<100352x1xf32, #tpu.memory_space<vmem_shared>>) offsets(%arg14 : memref<400xi32, #tpu.memory_space<vmem>>) semaphore(%run_scoped3A : memref<!tpu.dma_semaphore, #tpu.memory_space<semaphore_mem>>) {add = true}
          %dma_wait3A = arith.constant 0 : i32
          %dma_wait3A_78 = arith.constant 0 : i32
          %dma_wait3A_79 = tpu.memref_slice %arg9[%dma_wait3A, %dma_wait3A_78] : memref<100352x1xf32, #tpu.memory_space<vmem_shared>> -> memref<100352x1xf32, #tpu.memory_space<vmem_shared>>
          tpu.wait_indirect_dma semaphore(%run_scoped3A : memref<!tpu.dma_semaphore, #tpu.memory_space<semaphore_mem>>) src(%arg12 : memref<400x1xf32, #tpu.memory_space<vmem>>) dst(%dma_wait3A_79 : memref<100352x1xf32, #tpu.memory_space<vmem_shared>>)
          tpu.yield
        }) : () -> ()
      }
      %while3A_71 = arith.constant 1 : i32
      scf.for %while3A_72 = %while3A_69 to %while3A_65 step %while3A_71  : i32 {
        %add3A_73 = arith.addi %add3A_54, %while3A_72 : i32
        %mul3A_74 = arith.constant 400 : i32
        %mul3A_75 = arith.muli %add3A_73, %mul3A_74 : i32
        "tpu.region"() ({
          %run_scoped3A = tpu.sem_alloc : memref<!tpu.dma_semaphore, #tpu.memory_space<semaphore_mem>>
          %dma_start3A = tpu.memref_slice %arg4[%mul3A_75] : memref<90000xi32, #tpu.memory_space<hbm>> -> memref<400xi32, #tpu.memory_space<hbm>>
          %dma_start3A_76 = tpu.memref_slice %arg4[%mul3A_75] : memref<90000xi32, #tpu.memory_space<hbm>> -> memref<400xi32, #tpu.memory_space<hbm>>
          tpu.enqueue_dma source(%dma_start3A_76 : memref<400xi32, #tpu.memory_space<hbm>>) target(%arg14 : memref<400xi32, #tpu.memory_space<vmem>>) target_semaphore(%run_scoped3A : memref<!tpu.dma_semaphore, #tpu.memory_space<semaphore_mem>>)
          %dma_wait3A = tpu.memref_slice %arg4[%mul3A_75] : memref<90000xi32, #tpu.memory_space<hbm>> -> memref<400xi32, #tpu.memory_space<hbm>>
          %dma_wait3A_77 = tpu.memref_slice %arg4[%mul3A_75] : memref<90000xi32, #tpu.memory_space<hbm>> -> memref<400xi32, #tpu.memory_space<hbm>>
          tpu.wait_dma2 semaphore(%run_scoped3A : memref<!tpu.dma_semaphore, #tpu.memory_space<semaphore_mem>>) src(%dma_wait3A_77 : memref<400xi32, #tpu.memory_space<hbm>>) dst(%arg14 : memref<400xi32, #tpu.memory_space<vmem>>)
          tpu.yield
        }) : () -> ()
        "tpu.region"() ({
          %run_scoped3A = tpu.sem_alloc : memref<!tpu.dma_semaphore, #tpu.memory_space<semaphore_mem>>
          %dma_start3A = arith.constant 0 : i32
          %dma_start3A_76 = arith.constant 0 : i32
          %dma_start3A_77 = tpu.memref_slice %arg9[%dma_start3A, %dma_start3A_76] : memref<100352x1xf32, #tpu.memory_space<vmem_shared>> -> memref<100352x1xf32, #tpu.memory_space<vmem_shared>>
          tpu.enqueue_indirect_dma source(%arg12 : memref<400x1xf32, #tpu.memory_space<vmem>>) target(%dma_start3A_77 : memref<100352x1xf32, #tpu.memory_space<vmem_shared>>) offsets(%arg14 : memref<400xi32, #tpu.memory_space<vmem>>) semaphore(%run_scoped3A : memref<!tpu.dma_semaphore, #tpu.memory_space<semaphore_mem>>) {add = true}
          %dma_wait3A = arith.constant 0 : i32
          %dma_wait3A_78 = arith.constant 0 : i32
          %dma_wait3A_79 = tpu.memref_slice %arg9[%dma_wait3A, %dma_wait3A_78] : memref<100352x1xf32, #tpu.memory_space<vmem_shared>> -> memref<100352x1xf32, #tpu.memory_space<vmem_shared>>
          tpu.wait_indirect_dma semaphore(%run_scoped3A : memref<!tpu.dma_semaphore, #tpu.memory_space<semaphore_mem>>) src(%arg12 : memref<400x1xf32, #tpu.memory_space<vmem>>) dst(%dma_wait3A_79 : memref<100352x1xf32, #tpu.memory_space<vmem_shared>>)
          tpu.yield
        }) : () -> ()
      }
    } else {
    }
    %barrier3A_17 = arith.constant 0 : index
    tpu.barrier barrier_id(%barrier3A_17)
    %eq3A_18 = arith.constant 0 : i32
    %eq3A_19 = arith.cmpi eq, %arg0, %eq3A_18 : i32
    %convert_element_type3A_20 = arith.extui %eq3A_19 : i1 to i32
    %cond3A_21 = arith.constant 0 : i32
    %cond3A_22 = arith.cmpi ne, %convert_element_type3A_20, %cond3A_21 : i32
    scf.if %cond3A_22 {
      %run_scoped3A = arith.constant 2 : i32
      "tpu.region"() ({
        %run_scoped3A_33 = tpu.sem_alloc : memref<!tpu.dma_semaphore, #tpu.memory_space<semaphore_mem>>
        %dma_start3A = arith.constant 0 : i32
        %dma_start3A_34 = tpu.memref_slice %arg7[%run_scoped3A, %mul3A_2, %dma_start3A] : memref<4x100352x1xf32, #tpu.memory_space<hbm>> -> memref<1x6272x1xf32, #tpu.memory_space<hbm>>
        %dma_start3A_35 = tpu.memref_squeeze %dma_start3A_34 : memref<1x6272x1xf32, #tpu.memory_space<hbm>> -> memref<6272x1xf32, #tpu.memory_space<hbm>>
        %dma_start3A_36 = arith.constant 0 : i32
        %dma_start3A_37 = tpu.memref_slice %arg10[%mul3A_2, %dma_start3A_36] : memref<100352x1xf32, #tpu.memory_space<vmem_shared>> -> memref<6272x1xf32, #tpu.memory_space<vmem_shared>>
        tpu.enqueue_dma source(%dma_start3A_37 : memref<6272x1xf32, #tpu.memory_space<vmem_shared>>) target(%dma_start3A_35 : memref<6272x1xf32, #tpu.memory_space<hbm>>) target_semaphore(%run_scoped3A_33 : memref<!tpu.dma_semaphore, #tpu.memory_space<semaphore_mem>>)
        %dma_wait3A = arith.constant 0 : i32
        %dma_wait3A_38 = tpu.memref_slice %arg7[%run_scoped3A, %mul3A_2, %dma_wait3A] : memref<4x100352x1xf32, #tpu.memory_space<hbm>> -> memref<1x6272x1xf32, #tpu.memory_space<hbm>>
        %dma_wait3A_39 = tpu.memref_squeeze %dma_wait3A_38 : memref<1x6272x1xf32, #tpu.memory_space<hbm>> -> memref<6272x1xf32, #tpu.memory_space<hbm>>
        %dma_wait3A_40 = arith.constant 0 : i32
        %dma_wait3A_41 = tpu.memref_slice %arg10[%mul3A_2, %dma_wait3A_40] : memref<100352x1xf32, #tpu.memory_space<vmem_shared>> -> memref<6272x1xf32, #tpu.memory_space<vmem_shared>>
        tpu.wait_dma2 semaphore(%run_scoped3A_33 : memref<!tpu.dma_semaphore, #tpu.memory_space<semaphore_mem>>) src(%dma_wait3A_41 : memref<6272x1xf32, #tpu.memory_space<vmem_shared>>) dst(%dma_wait3A_39 : memref<6272x1xf32, #tpu.memory_space<hbm>>)
        tpu.yield
      }) : () -> ()
    } else {
    }
    %eq3A_23 = arith.constant 1 : i32
    %eq3A_24 = arith.cmpi eq, %arg0, %eq3A_23 : i32
    %convert_element_type3A_25 = arith.extui %eq3A_24 : i1 to i32
    %cond3A_26 = arith.constant 0 : i32
    %cond3A_27 = arith.cmpi ne, %convert_element_type3A_25, %cond3A_26 : i32
    scf.if %cond3A_27 {
      %run_scoped3A = arith.constant 3 : i32
      "tpu.region"() ({
        %run_scoped3A_33 = tpu.sem_alloc : memref<!tpu.dma_semaphore, #tpu.memory_space<semaphore_mem>>
        %dma_start3A = arith.constant 0 : i32
        %dma_start3A_34 = tpu.memref_slice %arg7[%run_scoped3A, %mul3A_2, %dma_start3A] : memref<4x100352x1xf32, #tpu.memory_space<hbm>> -> memref<1x6272x1xf32, #tpu.memory_space<hbm>>
        %dma_start3A_35 = tpu.memref_squeeze %dma_start3A_34 : memref<1x6272x1xf32, #tpu.memory_space<hbm>> -> memref<6272x1xf32, #tpu.memory_space<hbm>>
        %dma_start3A_36 = arith.constant 0 : i32
        %dma_start3A_37 = tpu.memref_slice %arg10[%mul3A_2, %dma_start3A_36] : memref<100352x1xf32, #tpu.memory_space<vmem_shared>> -> memref<6272x1xf32, #tpu.memory_space<vmem_shared>>
        tpu.enqueue_dma source(%dma_start3A_37 : memref<6272x1xf32, #tpu.memory_space<vmem_shared>>) target(%dma_start3A_35 : memref<6272x1xf32, #tpu.memory_space<hbm>>) target_semaphore(%run_scoped3A_33 : memref<!tpu.dma_semaphore, #tpu.memory_space<semaphore_mem>>)
        %dma_wait3A = arith.constant 0 : i32
        %dma_wait3A_38 = tpu.memref_slice %arg7[%run_scoped3A, %mul3A_2, %dma_wait3A] : memref<4x100352x1xf32, #tpu.memory_space<hbm>> -> memref<1x6272x1xf32, #tpu.memory_space<hbm>>
        %dma_wait3A_39 = tpu.memref_squeeze %dma_wait3A_38 : memref<1x6272x1xf32, #tpu.memory_space<hbm>> -> memref<6272x1xf32, #tpu.memory_space<hbm>>
        %dma_wait3A_40 = arith.constant 0 : i32
        %dma_wait3A_41 = tpu.memref_slice %arg10[%mul3A_2, %dma_wait3A_40] : memref<100352x1xf32, #tpu.memory_space<vmem_shared>> -> memref<6272x1xf32, #tpu.memory_space<vmem_shared>>
        tpu.wait_dma2 semaphore(%run_scoped3A_33 : memref<!tpu.dma_semaphore, #tpu.memory_space<semaphore_mem>>) src(%dma_wait3A_41 : memref<6272x1xf32, #tpu.memory_space<vmem_shared>>) dst(%dma_wait3A_39 : memref<6272x1xf32, #tpu.memory_space<hbm>>)
        tpu.yield
      }) : () -> ()
    } else {
    }
    %eq3A_28 = arith.constant 0 : i32
    %eq3A_29 = arith.cmpi eq, %arg0, %eq3A_28 : i32
    %convert_element_type3A_30 = arith.extui %eq3A_29 : i1 to i32
    %cond3A_31 = arith.constant 0 : i32
    %cond3A_32 = arith.cmpi ne, %convert_element_type3A_30, %cond3A_31 : i32
    scf.if %cond3A_32 {
      %run_scoped3A = arith.constant 0 : i32
      "tpu.region"() ({
        %run_scoped3A_34 = tpu.sem_alloc : memref<!tpu.dma_semaphore, #tpu.memory_space<semaphore_mem>>
        %dma_start3A = arith.constant 0 : i32
        %dma_start3A_35 = tpu.memref_slice %arg7[%run_scoped3A, %mul3A_2, %dma_start3A] : memref<4x100352x1xf32, #tpu.memory_space<hbm>> -> memref<1x6272x1xf32, #tpu.memory_space<hbm>>
        %dma_start3A_36 = tpu.memref_squeeze %dma_start3A_35 : memref<1x6272x1xf32, #tpu.memory_space<hbm>> -> memref<6272x1xf32, #tpu.memory_space<hbm>>
        %dma_start3A_37 = arith.constant 0 : i32
        %dma_start3A_38 = tpu.memref_slice %arg8[%mul3A_2, %dma_start3A_37] : memref<100352x1xf32, #tpu.memory_space<vmem_shared>> -> memref<6272x1xf32, #tpu.memory_space<vmem_shared>>
        tpu.enqueue_dma source(%dma_start3A_38 : memref<6272x1xf32, #tpu.memory_space<vmem_shared>>) target(%dma_start3A_36 : memref<6272x1xf32, #tpu.memory_space<hbm>>) target_semaphore(%run_scoped3A_34 : memref<!tpu.dma_semaphore, #tpu.memory_space<semaphore_mem>>)
        %dma_wait3A = arith.constant 0 : i32
        %dma_wait3A_39 = tpu.memref_slice %arg7[%run_scoped3A, %mul3A_2, %dma_wait3A] : memref<4x100352x1xf32, #tpu.memory_space<hbm>> -> memref<1x6272x1xf32, #tpu.memory_space<hbm>>
        %dma_wait3A_40 = tpu.memref_squeeze %dma_wait3A_39 : memref<1x6272x1xf32, #tpu.memory_space<hbm>> -> memref<6272x1xf32, #tpu.memory_space<hbm>>
        %dma_wait3A_41 = arith.constant 0 : i32
        %dma_wait3A_42 = tpu.memref_slice %arg8[%mul3A_2, %dma_wait3A_41] : memref<100352x1xf32, #tpu.memory_space<vmem_shared>> -> memref<6272x1xf32, #tpu.memory_space<vmem_shared>>
        tpu.wait_dma2 semaphore(%run_scoped3A_34 : memref<!tpu.dma_semaphore, #tpu.memory_space<semaphore_mem>>) src(%dma_wait3A_42 : memref<6272x1xf32, #tpu.memory_space<vmem_shared>>) dst(%dma_wait3A_40 : memref<6272x1xf32, #tpu.memory_space<hbm>>)
        tpu.yield
      }) : () -> ()
      %run_scoped3A_33 = arith.constant 1 : i32
      "tpu.region"() ({
        %run_scoped3A_34 = tpu.sem_alloc : memref<!tpu.dma_semaphore, #tpu.memory_space<semaphore_mem>>
        %dma_start3A = arith.constant 0 : i32
        %dma_start3A_35 = tpu.memref_slice %arg7[%run_scoped3A_33, %mul3A_2, %dma_start3A] : memref<4x100352x1xf32, #tpu.memory_space<hbm>> -> memref<1x6272x1xf32, #tpu.memory_space<hbm>>
        %dma_start3A_36 = tpu.memref_squeeze %dma_start3A_35 : memref<1x6272x1xf32, #tpu.memory_space<hbm>> -> memref<6272x1xf32, #tpu.memory_space<hbm>>
        %dma_start3A_37 = arith.constant 0 : i32
        %dma_start3A_38 = tpu.memref_slice %arg9[%mul3A_2, %dma_start3A_37] : memref<100352x1xf32, #tpu.memory_space<vmem_shared>> -> memref<6272x1xf32, #tpu.memory_space<vmem_shared>>
        tpu.enqueue_dma source(%dma_start3A_38 : memref<6272x1xf32, #tpu.memory_space<vmem_shared>>) target(%dma_start3A_36 : memref<6272x1xf32, #tpu.memory_space<hbm>>) target_semaphore(%run_scoped3A_34 : memref<!tpu.dma_semaphore, #tpu.memory_space<semaphore_mem>>)
        %dma_wait3A = arith.constant 0 : i32
        %dma_wait3A_39 = tpu.memref_slice %arg7[%run_scoped3A_33, %mul3A_2, %dma_wait3A] : memref<4x100352x1xf32, #tpu.memory_space<hbm>> -> memref<1x6272x1xf32, #tpu.memory_space<hbm>>
        %dma_wait3A_40 = tpu.memref_squeeze %dma_wait3A_39 : memref<1x6272x1xf32, #tpu.memory_space<hbm>> -> memref<6272x1xf32, #tpu.memory_space<hbm>>
        %dma_wait3A_41 = arith.constant 0 : i32
        %dma_wait3A_42 = tpu.memref_slice %arg9[%mul3A_2, %dma_wait3A_41] : memref<100352x1xf32, #tpu.memory_space<vmem_shared>> -> memref<6272x1xf32, #tpu.memory_space<vmem_shared>>
        tpu.wait_dma2 semaphore(%run_scoped3A_34 : memref<!tpu.dma_semaphore, #tpu.memory_space<semaphore_mem>>) src(%dma_wait3A_42 : memref<6272x1xf32, #tpu.memory_space<vmem_shared>>) dst(%dma_wait3A_40 : memref<6272x1xf32, #tpu.memory_space<hbm>>)
        tpu.yield
      }) : () -> ()
    } else {
    }
    return
  }
}

#map = affine_map<(d0, d1) -> (0, 0)>
#map1 = affine_map<(d0, d1) -> (0, 0, 0)>
module attributes {stable_mosaic.version = 14 : i64} {
  func.func @_spmm32_body(%arg0: i32, %arg1: i32, %arg2: memref<6400x512xi32, #tpu.memory_space<hbm>>, %arg3: memref<3200x512xi32, #tpu.memory_space<hbm>>, %arg4: memref<200000x16xf32, #tpu.memory_space<hbm>>, %arg5: memref<100352x16xf32, #tpu.memory_space<hbm>>, %arg6: memref<2x100352x16xf32, #tpu.memory_space<hbm>>, %arg7: memref<100352x16xf32, #tpu.memory_space<vmem_shared>>, %arg8: memref<4x512xi32, #tpu.memory_space<vmem>>, %arg9: memref<4x512xi32, #tpu.memory_space<vmem>>, %arg10: memref<512x16xf32, #tpu.memory_space<vmem>>, %arg11: memref<512x16xf32, #tpu.memory_space<vmem>>, %arg12: memref<!tpu.dma_semaphore, #tpu.memory_space<semaphore_mem>>, %arg13: memref<!tpu.dma_semaphore, #tpu.memory_space<semaphore_mem>>) attributes {dimension_semantics = [#tpu.dimension_semantics<core_parallel>, #tpu.dimension_semantics<subcore_parallel>], iteration_bounds = array<i64: 2, 16>, scalar_prefetch = 0 : i64, scratch_operands = 7 : i64, tpu.core_type = #tpu.core_type<sc_vector_subcore>, window_params = [{transform_indices = #map}, {transform_indices = #map}, {transform_indices = #map}, {transform_indices = #map}, {transform_indices = #map1}]} {
    %mul3A = arith.constant 6272 : i32
    %mul3A_0 = arith.muli %arg1, %mul3A : i32
    "tpu.region"() ({
      %run_scoped3A = tpu.sem_alloc : memref<!tpu.dma_semaphore, #tpu.memory_space<semaphore_mem>>
      %dma_start3A = arith.constant 0 : i32
      %dma_start3A_11 = tpu.memref_slice %arg7[%mul3A_0, %dma_start3A] : memref<100352x16xf32, #tpu.memory_space<vmem_shared>> -> memref<6272x16xf32, #tpu.memory_space<vmem_shared>>
      %dma_start3A_12 = arith.constant 0 : i32
      %dma_start3A_13 = tpu.memref_slice %arg5[%mul3A_0, %dma_start3A_12] : memref<100352x16xf32, #tpu.memory_space<hbm>> -> memref<6272x16xf32, #tpu.memory_space<hbm>>
      tpu.enqueue_dma source(%dma_start3A_13 : memref<6272x16xf32, #tpu.memory_space<hbm>>) target(%dma_start3A_11 : memref<6272x16xf32, #tpu.memory_space<vmem_shared>>) target_semaphore(%run_scoped3A : memref<!tpu.dma_semaphore, #tpu.memory_space<semaphore_mem>>)
      %dma_wait3A = arith.constant 0 : i32
      %dma_wait3A_14 = tpu.memref_slice %arg7[%mul3A_0, %dma_wait3A] : memref<100352x16xf32, #tpu.memory_space<vmem_shared>> -> memref<6272x16xf32, #tpu.memory_space<vmem_shared>>
      %dma_wait3A_15 = arith.constant 0 : i32
      %dma_wait3A_16 = tpu.memref_slice %arg5[%mul3A_0, %dma_wait3A_15] : memref<100352x16xf32, #tpu.memory_space<hbm>> -> memref<6272x16xf32, #tpu.memory_space<hbm>>
      tpu.wait_dma2 semaphore(%run_scoped3A : memref<!tpu.dma_semaphore, #tpu.memory_space<semaphore_mem>>) src(%dma_wait3A_16 : memref<6272x16xf32, #tpu.memory_space<hbm>>) dst(%dma_wait3A_14 : memref<6272x16xf32, #tpu.memory_space<vmem_shared>>)
      tpu.yield
    }) : () -> ()
    %barrier3A = arith.constant 0 : index
    tpu.barrier barrier_id(%barrier3A)
    %mul3A_1 = arith.constant 200 : i32
    %mul3A_2 = arith.muli %arg1, %mul3A_1 : i32
    %mul3A_3 = arith.constant 3200 : i32
    %mul3A_4 = arith.muli %arg0, %mul3A_3 : i32
    %scan3A = arith.constant 0 : i32
    %scan3A_5 = arith.constant 0 : i32
    %scan3A_6 = arith.constant 50 : i32
    %scan3A_7 = arith.addi %scan3A_5, %scan3A_6 : i32
    %scan3A_8 = arith.constant 1 : i32
    scf.for %scan3A_11 = %scan3A_5 to %scan3A_7 step %scan3A_8  : i32 {
      %mul3A_12 = arith.constant 4 : i32
      %mul3A_13 = arith.muli %scan3A_11, %mul3A_12 : i32
      %add3A = arith.addi %mul3A_2, %mul3A_13 : i32
      %add3A_14 = arith.addi %mul3A_4, %add3A : i32
      "tpu.region"() ({
        %run_scoped3A_72 = tpu.sem_alloc : memref<!tpu.dma_semaphore, #tpu.memory_space<semaphore_mem>>
        %dma_start3A_73 = arith.constant 0 : i32
        %dma_start3A_74 = tpu.memref_slice %arg2[%add3A_14, %dma_start3A_73] : memref<6400x512xi32, #tpu.memory_space<hbm>> -> memref<4x512xi32, #tpu.memory_space<hbm>>
        %dma_start3A_75 = arith.constant 0 : i32
        %dma_start3A_76 = tpu.memref_slice %arg2[%add3A_14, %dma_start3A_75] : memref<6400x512xi32, #tpu.memory_space<hbm>> -> memref<4x512xi32, #tpu.memory_space<hbm>>
        tpu.enqueue_dma source(%dma_start3A_76 : memref<4x512xi32, #tpu.memory_space<hbm>>) target(%arg8 : memref<4x512xi32, #tpu.memory_space<vmem>>) target_semaphore(%run_scoped3A_72 : memref<!tpu.dma_semaphore, #tpu.memory_space<semaphore_mem>>)
        %dma_wait3A_77 = arith.constant 0 : i32
        %dma_wait3A_78 = tpu.memref_slice %arg2[%add3A_14, %dma_wait3A_77] : memref<6400x512xi32, #tpu.memory_space<hbm>> -> memref<4x512xi32, #tpu.memory_space<hbm>>
        %dma_wait3A_79 = arith.constant 0 : i32
        %dma_wait3A_80 = tpu.memref_slice %arg2[%add3A_14, %dma_wait3A_79] : memref<6400x512xi32, #tpu.memory_space<hbm>> -> memref<4x512xi32, #tpu.memory_space<hbm>>
        tpu.wait_dma2 semaphore(%run_scoped3A_72 : memref<!tpu.dma_semaphore, #tpu.memory_space<semaphore_mem>>) src(%dma_wait3A_80 : memref<4x512xi32, #tpu.memory_space<hbm>>) dst(%arg8 : memref<4x512xi32, #tpu.memory_space<vmem>>)
        tpu.yield
      }) : () -> ()
      "tpu.region"() ({
        %run_scoped3A_72 = tpu.sem_alloc : memref<!tpu.dma_semaphore, #tpu.memory_space<semaphore_mem>>
        %dma_start3A_73 = arith.constant 0 : i32
        %dma_start3A_74 = tpu.memref_slice %arg3[%add3A, %dma_start3A_73] : memref<3200x512xi32, #tpu.memory_space<hbm>> -> memref<4x512xi32, #tpu.memory_space<hbm>>
        %dma_start3A_75 = arith.constant 0 : i32
        %dma_start3A_76 = tpu.memref_slice %arg3[%add3A, %dma_start3A_75] : memref<3200x512xi32, #tpu.memory_space<hbm>> -> memref<4x512xi32, #tpu.memory_space<hbm>>
        tpu.enqueue_dma source(%dma_start3A_76 : memref<4x512xi32, #tpu.memory_space<hbm>>) target(%arg9 : memref<4x512xi32, #tpu.memory_space<vmem>>) target_semaphore(%run_scoped3A_72 : memref<!tpu.dma_semaphore, #tpu.memory_space<semaphore_mem>>)
        %dma_wait3A_77 = arith.constant 0 : i32
        %dma_wait3A_78 = tpu.memref_slice %arg3[%add3A, %dma_wait3A_77] : memref<3200x512xi32, #tpu.memory_space<hbm>> -> memref<4x512xi32, #tpu.memory_space<hbm>>
        %dma_wait3A_79 = arith.constant 0 : i32
        %dma_wait3A_80 = tpu.memref_slice %arg3[%add3A, %dma_wait3A_79] : memref<3200x512xi32, #tpu.memory_space<hbm>> -> memref<4x512xi32, #tpu.memory_space<hbm>>
        tpu.wait_dma2 semaphore(%run_scoped3A_72 : memref<!tpu.dma_semaphore, #tpu.memory_space<semaphore_mem>>) src(%dma_wait3A_80 : memref<4x512xi32, #tpu.memory_space<hbm>>) dst(%arg9 : memref<4x512xi32, #tpu.memory_space<vmem>>)
        tpu.yield
      }) : () -> ()
      %dma_start3A = arith.constant 0 : i32
      %dma_start3A_15 = arith.constant 0 : i32
      %dma_start3A_16 = tpu.memref_slice %arg8[%dma_start3A, %dma_start3A_15] : memref<4x512xi32, #tpu.memory_space<vmem>> -> memref<1x512xi32, #tpu.memory_space<vmem>>
      %dma_start3A_17 = tpu.memref_squeeze %dma_start3A_16 : memref<1x512xi32, #tpu.memory_space<vmem>> -> memref<512xi32, #tpu.memory_space<vmem>>
      %dma_start3A_18 = arith.constant 0 : i32
      %dma_start3A_19 = arith.constant 0 : i32
      %dma_start3A_20 = tpu.memref_slice %arg4[%dma_start3A_18, %dma_start3A_19] : memref<200000x16xf32, #tpu.memory_space<hbm>> -> memref<200000x16xf32, #tpu.memory_space<hbm>>
      tpu.enqueue_indirect_dma source(%dma_start3A_20 : memref<200000x16xf32, #tpu.memory_space<hbm>>) target(%arg10 : memref<512x16xf32, #tpu.memory_space<vmem>>) offsets(%dma_start3A_17 : memref<512xi32, #tpu.memory_space<vmem>>) semaphore(%arg12 : memref<!tpu.dma_semaphore, #tpu.memory_space<semaphore_mem>>)
      %dma_start3A_21 = arith.constant 1 : i32
      %dma_start3A_22 = arith.constant 0 : i32
      %dma_start3A_23 = tpu.memref_slice %arg8[%dma_start3A_21, %dma_start3A_22] : memref<4x512xi32, #tpu.memory_space<vmem>> -> memref<1x512xi32, #tpu.memory_space<vmem>>
      %dma_start3A_24 = tpu.memref_squeeze %dma_start3A_23 : memref<1x512xi32, #tpu.memory_space<vmem>> -> memref<512xi32, #tpu.memory_space<vmem>>
      %dma_start3A_25 = arith.constant 0 : i32
      %dma_start3A_26 = arith.constant 0 : i32
      %dma_start3A_27 = tpu.memref_slice %arg4[%dma_start3A_25, %dma_start3A_26] : memref<200000x16xf32, #tpu.memory_space<hbm>> -> memref<200000x16xf32, #tpu.memory_space<hbm>>
      tpu.enqueue_indirect_dma source(%dma_start3A_27 : memref<200000x16xf32, #tpu.memory_space<hbm>>) target(%arg11 : memref<512x16xf32, #tpu.memory_space<vmem>>) offsets(%dma_start3A_24 : memref<512xi32, #tpu.memory_space<vmem>>) semaphore(%arg13 : memref<!tpu.dma_semaphore, #tpu.memory_space<semaphore_mem>>)
      %dma_wait3A = arith.constant 0 : i32
      %dma_wait3A_28 = arith.constant 0 : i32
      %dma_wait3A_29 = tpu.memref_slice %arg8[%dma_wait3A, %dma_wait3A_28] : memref<4x512xi32, #tpu.memory_space<vmem>> -> memref<1x512xi32, #tpu.memory_space<vmem>>
      %dma_wait3A_30 = tpu.memref_squeeze %dma_wait3A_29 : memref<1x512xi32, #tpu.memory_space<vmem>> -> memref<512xi32, #tpu.memory_space<vmem>>
      %dma_wait3A_31 = arith.constant 0 : i32
      %dma_wait3A_32 = arith.constant 0 : i32
      %dma_wait3A_33 = tpu.memref_slice %arg4[%dma_wait3A_31, %dma_wait3A_32] : memref<200000x16xf32, #tpu.memory_space<hbm>> -> memref<200000x16xf32, #tpu.memory_space<hbm>>
      tpu.wait_indirect_dma semaphore(%arg12 : memref<!tpu.dma_semaphore, #tpu.memory_space<semaphore_mem>>) src(%dma_wait3A_33 : memref<200000x16xf32, #tpu.memory_space<hbm>>) dst(%arg10 : memref<512x16xf32, #tpu.memory_space<vmem>>)
      %run_scoped3A = arith.constant 0 : i32
      "tpu.region"() ({
        %run_scoped3A_72 = tpu.sem_alloc : memref<!tpu.dma_semaphore, #tpu.memory_space<semaphore_mem>>
        %dma_start3A_73 = arith.constant 0 : i32
        %dma_start3A_74 = tpu.memref_slice %arg9[%run_scoped3A, %dma_start3A_73] : memref<4x512xi32, #tpu.memory_space<vmem>> -> memref<1x512xi32, #tpu.memory_space<vmem>>
        %dma_start3A_75 = tpu.memref_squeeze %dma_start3A_74 : memref<1x512xi32, #tpu.memory_space<vmem>> -> memref<512xi32, #tpu.memory_space<vmem>>
        %dma_start3A_76 = arith.constant 0 : i32
        %dma_start3A_77 = arith.constant 0 : i32
        %dma_start3A_78 = tpu.memref_slice %arg7[%dma_start3A_76, %dma_start3A_77] : memref<100352x16xf32, #tpu.memory_space<vmem_shared>> -> memref<100352x16xf32, #tpu.memory_space<vmem_shared>>
        tpu.enqueue_indirect_dma source(%arg10 : memref<512x16xf32, #tpu.memory_space<vmem>>) target(%dma_start3A_78 : memref<100352x16xf32, #tpu.memory_space<vmem_shared>>) offsets(%dma_start3A_75 : memref<512xi32, #tpu.memory_space<vmem>>) semaphore(%run_scoped3A_72 : memref<!tpu.dma_semaphore, #tpu.memory_space<semaphore_mem>>) {add = true}
        %dma_wait3A_79 = arith.constant 0 : i32
        %dma_wait3A_80 = tpu.memref_slice %arg9[%run_scoped3A, %dma_wait3A_79] : memref<4x512xi32, #tpu.memory_space<vmem>> -> memref<1x512xi32, #tpu.memory_space<vmem>>
        %dma_wait3A_81 = tpu.memref_squeeze %dma_wait3A_80 : memref<1x512xi32, #tpu.memory_space<vmem>> -> memref<512xi32, #tpu.memory_space<vmem>>
        %dma_wait3A_82 = arith.constant 0 : i32
        %dma_wait3A_83 = arith.constant 0 : i32
        %dma_wait3A_84 = tpu.memref_slice %arg7[%dma_wait3A_82, %dma_wait3A_83] : memref<100352x16xf32, #tpu.memory_space<vmem_shared>> -> memref<100352x16xf32, #tpu.memory_space<vmem_shared>>
        tpu.wait_indirect_dma semaphore(%run_scoped3A_72 : memref<!tpu.dma_semaphore, #tpu.memory_space<semaphore_mem>>) src(%arg10 : memref<512x16xf32, #tpu.memory_space<vmem>>) dst(%dma_wait3A_84 : memref<100352x16xf32, #tpu.memory_space<vmem_shared>>)
        tpu.yield
      }) : () -> ()
      %dma_start3A_34 = arith.constant 2 : i32
      %dma_start3A_35 = arith.constant 0 : i32
      %dma_start3A_36 = tpu.memref_slice %arg8[%dma_start3A_34, %dma_start3A_35] : memref<4x512xi32, #tpu.memory_space<vmem>> -> memref<1x512xi32, #tpu.memory_space<vmem>>
      %dma_start3A_37 = tpu.memref_squeeze %dma_start3A_36 : memref<1x512xi32, #tpu.memory_space<vmem>> -> memref<512xi32, #tpu.memory_space<vmem>>
      %dma_start3A_38 = arith.constant 0 : i32
      %dma_start3A_39 = arith.constant 0 : i32
      %dma_start3A_40 = tpu.memref_slice %arg4[%dma_start3A_38, %dma_start3A_39] : memref<200000x16xf32, #tpu.memory_space<hbm>> -> memref<200000x16xf32, #tpu.memory_space<hbm>>
      tpu.enqueue_indirect_dma source(%dma_start3A_40 : memref<200000x16xf32, #tpu.memory_space<hbm>>) target(%arg10 : memref<512x16xf32, #tpu.memory_space<vmem>>) offsets(%dma_start3A_37 : memref<512xi32, #tpu.memory_space<vmem>>) semaphore(%arg12 : memref<!tpu.dma_semaphore, #tpu.memory_space<semaphore_mem>>)
      %dma_wait3A_41 = arith.constant 1 : i32
      %dma_wait3A_42 = arith.constant 0 : i32
      %dma_wait3A_43 = tpu.memref_slice %arg8[%dma_wait3A_41, %dma_wait3A_42] : memref<4x512xi32, #tpu.memory_space<vmem>> -> memref<1x512xi32, #tpu.memory_space<vmem>>
      %dma_wait3A_44 = tpu.memref_squeeze %dma_wait3A_43 : memref<1x512xi32, #tpu.memory_space<vmem>> -> memref<512xi32, #tpu.memory_space<vmem>>
      %dma_wait3A_45 = arith.constant 0 : i32
      %dma_wait3A_46 = arith.constant 0 : i32
      %dma_wait3A_47 = tpu.memref_slice %arg4[%dma_wait3A_45, %dma_wait3A_46] : memref<200000x16xf32, #tpu.memory_space<hbm>> -> memref<200000x16xf32, #tpu.memory_space<hbm>>
      tpu.wait_indirect_dma semaphore(%arg13 : memref<!tpu.dma_semaphore, #tpu.memory_space<semaphore_mem>>) src(%dma_wait3A_47 : memref<200000x16xf32, #tpu.memory_space<hbm>>) dst(%arg11 : memref<512x16xf32, #tpu.memory_space<vmem>>)
      %run_scoped3A_48 = arith.constant 1 : i32
      "tpu.region"() ({
        %run_scoped3A_72 = tpu.sem_alloc : memref<!tpu.dma_semaphore, #tpu.memory_space<semaphore_mem>>
        %dma_start3A_73 = arith.constant 0 : i32
        %dma_start3A_74 = tpu.memref_slice %arg9[%run_scoped3A_48, %dma_start3A_73] : memref<4x512xi32, #tpu.memory_space<vmem>> -> memref<1x512xi32, #tpu.memory_space<vmem>>
        %dma_start3A_75 = tpu.memref_squeeze %dma_start3A_74 : memref<1x512xi32, #tpu.memory_space<vmem>> -> memref<512xi32, #tpu.memory_space<vmem>>
        %dma_start3A_76 = arith.constant 0 : i32
        %dma_start3A_77 = arith.constant 0 : i32
        %dma_start3A_78 = tpu.memref_slice %arg7[%dma_start3A_76, %dma_start3A_77] : memref<100352x16xf32, #tpu.memory_space<vmem_shared>> -> memref<100352x16xf32, #tpu.memory_space<vmem_shared>>
        tpu.enqueue_indirect_dma source(%arg11 : memref<512x16xf32, #tpu.memory_space<vmem>>) target(%dma_start3A_78 : memref<100352x16xf32, #tpu.memory_space<vmem_shared>>) offsets(%dma_start3A_75 : memref<512xi32, #tpu.memory_space<vmem>>) semaphore(%run_scoped3A_72 : memref<!tpu.dma_semaphore, #tpu.memory_space<semaphore_mem>>) {add = true}
        %dma_wait3A_79 = arith.constant 0 : i32
        %dma_wait3A_80 = tpu.memref_slice %arg9[%run_scoped3A_48, %dma_wait3A_79] : memref<4x512xi32, #tpu.memory_space<vmem>> -> memref<1x512xi32, #tpu.memory_space<vmem>>
        %dma_wait3A_81 = tpu.memref_squeeze %dma_wait3A_80 : memref<1x512xi32, #tpu.memory_space<vmem>> -> memref<512xi32, #tpu.memory_space<vmem>>
        %dma_wait3A_82 = arith.constant 0 : i32
        %dma_wait3A_83 = arith.constant 0 : i32
        %dma_wait3A_84 = tpu.memref_slice %arg7[%dma_wait3A_82, %dma_wait3A_83] : memref<100352x16xf32, #tpu.memory_space<vmem_shared>> -> memref<100352x16xf32, #tpu.memory_space<vmem_shared>>
        tpu.wait_indirect_dma semaphore(%run_scoped3A_72 : memref<!tpu.dma_semaphore, #tpu.memory_space<semaphore_mem>>) src(%arg11 : memref<512x16xf32, #tpu.memory_space<vmem>>) dst(%dma_wait3A_84 : memref<100352x16xf32, #tpu.memory_space<vmem_shared>>)
        tpu.yield
      }) : () -> ()
      %dma_start3A_49 = arith.constant 3 : i32
      %dma_start3A_50 = arith.constant 0 : i32
      %dma_start3A_51 = tpu.memref_slice %arg8[%dma_start3A_49, %dma_start3A_50] : memref<4x512xi32, #tpu.memory_space<vmem>> -> memref<1x512xi32, #tpu.memory_space<vmem>>
      %dma_start3A_52 = tpu.memref_squeeze %dma_start3A_51 : memref<1x512xi32, #tpu.memory_space<vmem>> -> memref<512xi32, #tpu.memory_space<vmem>>
      %dma_start3A_53 = arith.constant 0 : i32
      %dma_start3A_54 = arith.constant 0 : i32
      %dma_start3A_55 = tpu.memref_slice %arg4[%dma_start3A_53, %dma_start3A_54] : memref<200000x16xf32, #tpu.memory_space<hbm>> -> memref<200000x16xf32, #tpu.memory_space<hbm>>
      tpu.enqueue_indirect_dma source(%dma_start3A_55 : memref<200000x16xf32, #tpu.memory_space<hbm>>) target(%arg11 : memref<512x16xf32, #tpu.memory_space<vmem>>) offsets(%dma_start3A_52 : memref<512xi32, #tpu.memory_space<vmem>>) semaphore(%arg13 : memref<!tpu.dma_semaphore, #tpu.memory_space<semaphore_mem>>)
      %dma_wait3A_56 = arith.constant 2 : i32
      %dma_wait3A_57 = arith.constant 0 : i32
      %dma_wait3A_58 = tpu.memref_slice %arg8[%dma_wait3A_56, %dma_wait3A_57] : memref<4x512xi32, #tpu.memory_space<vmem>> -> memref<1x512xi32, #tpu.memory_space<vmem>>
      %dma_wait3A_59 = tpu.memref_squeeze %dma_wait3A_58 : memref<1x512xi32, #tpu.memory_space<vmem>> -> memref<512xi32, #tpu.memory_space<vmem>>
      %dma_wait3A_60 = arith.constant 0 : i32
      %dma_wait3A_61 = arith.constant 0 : i32
      %dma_wait3A_62 = tpu.memref_slice %arg4[%dma_wait3A_60, %dma_wait3A_61] : memref<200000x16xf32, #tpu.memory_space<hbm>> -> memref<200000x16xf32, #tpu.memory_space<hbm>>
      tpu.wait_indirect_dma semaphore(%arg12 : memref<!tpu.dma_semaphore, #tpu.memory_space<semaphore_mem>>) src(%dma_wait3A_62 : memref<200000x16xf32, #tpu.memory_space<hbm>>) dst(%arg10 : memref<512x16xf32, #tpu.memory_space<vmem>>)
      %run_scoped3A_63 = arith.constant 2 : i32
      "tpu.region"() ({
        %run_scoped3A_72 = tpu.sem_alloc : memref<!tpu.dma_semaphore, #tpu.memory_space<semaphore_mem>>
        %dma_start3A_73 = arith.constant 0 : i32
        %dma_start3A_74 = tpu.memref_slice %arg9[%run_scoped3A_63, %dma_start3A_73] : memref<4x512xi32, #tpu.memory_space<vmem>> -> memref<1x512xi32, #tpu.memory_space<vmem>>
        %dma_start3A_75 = tpu.memref_squeeze %dma_start3A_74 : memref<1x512xi32, #tpu.memory_space<vmem>> -> memref<512xi32, #tpu.memory_space<vmem>>
        %dma_start3A_76 = arith.constant 0 : i32
        %dma_start3A_77 = arith.constant 0 : i32
        %dma_start3A_78 = tpu.memref_slice %arg7[%dma_start3A_76, %dma_start3A_77] : memref<100352x16xf32, #tpu.memory_space<vmem_shared>> -> memref<100352x16xf32, #tpu.memory_space<vmem_shared>>
        tpu.enqueue_indirect_dma source(%arg10 : memref<512x16xf32, #tpu.memory_space<vmem>>) target(%dma_start3A_78 : memref<100352x16xf32, #tpu.memory_space<vmem_shared>>) offsets(%dma_start3A_75 : memref<512xi32, #tpu.memory_space<vmem>>) semaphore(%run_scoped3A_72 : memref<!tpu.dma_semaphore, #tpu.memory_space<semaphore_mem>>) {add = true}
        %dma_wait3A_79 = arith.constant 0 : i32
        %dma_wait3A_80 = tpu.memref_slice %arg9[%run_scoped3A_63, %dma_wait3A_79] : memref<4x512xi32, #tpu.memory_space<vmem>> -> memref<1x512xi32, #tpu.memory_space<vmem>>
        %dma_wait3A_81 = tpu.memref_squeeze %dma_wait3A_80 : memref<1x512xi32, #tpu.memory_space<vmem>> -> memref<512xi32, #tpu.memory_space<vmem>>
        %dma_wait3A_82 = arith.constant 0 : i32
        %dma_wait3A_83 = arith.constant 0 : i32
        %dma_wait3A_84 = tpu.memref_slice %arg7[%dma_wait3A_82, %dma_wait3A_83] : memref<100352x16xf32, #tpu.memory_space<vmem_shared>> -> memref<100352x16xf32, #tpu.memory_space<vmem_shared>>
        tpu.wait_indirect_dma semaphore(%run_scoped3A_72 : memref<!tpu.dma_semaphore, #tpu.memory_space<semaphore_mem>>) src(%arg10 : memref<512x16xf32, #tpu.memory_space<vmem>>) dst(%dma_wait3A_84 : memref<100352x16xf32, #tpu.memory_space<vmem_shared>>)
        tpu.yield
      }) : () -> ()
      %dma_wait3A_64 = arith.constant 3 : i32
      %dma_wait3A_65 = arith.constant 0 : i32
      %dma_wait3A_66 = tpu.memref_slice %arg8[%dma_wait3A_64, %dma_wait3A_65] : memref<4x512xi32, #tpu.memory_space<vmem>> -> memref<1x512xi32, #tpu.memory_space<vmem>>
      %dma_wait3A_67 = tpu.memref_squeeze %dma_wait3A_66 : memref<1x512xi32, #tpu.memory_space<vmem>> -> memref<512xi32, #tpu.memory_space<vmem>>
      %dma_wait3A_68 = arith.constant 0 : i32
      %dma_wait3A_69 = arith.constant 0 : i32
      %dma_wait3A_70 = tpu.memref_slice %arg4[%dma_wait3A_68, %dma_wait3A_69] : memref<200000x16xf32, #tpu.memory_space<hbm>> -> memref<200000x16xf32, #tpu.memory_space<hbm>>
      tpu.wait_indirect_dma semaphore(%arg13 : memref<!tpu.dma_semaphore, #tpu.memory_space<semaphore_mem>>) src(%dma_wait3A_70 : memref<200000x16xf32, #tpu.memory_space<hbm>>) dst(%arg11 : memref<512x16xf32, #tpu.memory_space<vmem>>)
      %run_scoped3A_71 = arith.constant 3 : i32
      "tpu.region"() ({
        %run_scoped3A_72 = tpu.sem_alloc : memref<!tpu.dma_semaphore, #tpu.memory_space<semaphore_mem>>
        %dma_start3A_73 = arith.constant 0 : i32
        %dma_start3A_74 = tpu.memref_slice %arg9[%run_scoped3A_71, %dma_start3A_73] : memref<4x512xi32, #tpu.memory_space<vmem>> -> memref<1x512xi32, #tpu.memory_space<vmem>>
        %dma_start3A_75 = tpu.memref_squeeze %dma_start3A_74 : memref<1x512xi32, #tpu.memory_space<vmem>> -> memref<512xi32, #tpu.memory_space<vmem>>
        %dma_start3A_76 = arith.constant 0 : i32
        %dma_start3A_77 = arith.constant 0 : i32
        %dma_start3A_78 = tpu.memref_slice %arg7[%dma_start3A_76, %dma_start3A_77] : memref<100352x16xf32, #tpu.memory_space<vmem_shared>> -> memref<100352x16xf32, #tpu.memory_space<vmem_shared>>
        tpu.enqueue_indirect_dma source(%arg11 : memref<512x16xf32, #tpu.memory_space<vmem>>) target(%dma_start3A_78 : memref<100352x16xf32, #tpu.memory_space<vmem_shared>>) offsets(%dma_start3A_75 : memref<512xi32, #tpu.memory_space<vmem>>) semaphore(%run_scoped3A_72 : memref<!tpu.dma_semaphore, #tpu.memory_space<semaphore_mem>>) {add = true}
        %dma_wait3A_79 = arith.constant 0 : i32
        %dma_wait3A_80 = tpu.memref_slice %arg9[%run_scoped3A_71, %dma_wait3A_79] : memref<4x512xi32, #tpu.memory_space<vmem>> -> memref<1x512xi32, #tpu.memory_space<vmem>>
        %dma_wait3A_81 = tpu.memref_squeeze %dma_wait3A_80 : memref<1x512xi32, #tpu.memory_space<vmem>> -> memref<512xi32, #tpu.memory_space<vmem>>
        %dma_wait3A_82 = arith.constant 0 : i32
        %dma_wait3A_83 = arith.constant 0 : i32
        %dma_wait3A_84 = tpu.memref_slice %arg7[%dma_wait3A_82, %dma_wait3A_83] : memref<100352x16xf32, #tpu.memory_space<vmem_shared>> -> memref<100352x16xf32, #tpu.memory_space<vmem_shared>>
        tpu.wait_indirect_dma semaphore(%run_scoped3A_72 : memref<!tpu.dma_semaphore, #tpu.memory_space<semaphore_mem>>) src(%arg11 : memref<512x16xf32, #tpu.memory_space<vmem>>) dst(%dma_wait3A_84 : memref<100352x16xf32, #tpu.memory_space<vmem_shared>>)
        tpu.yield
      }) : () -> ()
    }
    %scan3A_9 = arith.constant 50 : i32
    %barrier3A_10 = arith.constant 0 : index
    tpu.barrier barrier_id(%barrier3A_10)
    "tpu.region"() ({
      %run_scoped3A = tpu.sem_alloc : memref<!tpu.dma_semaphore, #tpu.memory_space<semaphore_mem>>
      %dma_start3A = arith.constant 0 : i32
      %dma_start3A_11 = tpu.memref_slice %arg6[%arg0, %mul3A_0, %dma_start3A] : memref<2x100352x16xf32, #tpu.memory_space<hbm>> -> memref<1x6272x16xf32, #tpu.memory_space<hbm>>
      %dma_start3A_12 = tpu.memref_squeeze %dma_start3A_11 : memref<1x6272x16xf32, #tpu.memory_space<hbm>> -> memref<6272x16xf32, #tpu.memory_space<hbm>>
      %dma_start3A_13 = arith.constant 0 : i32
      %dma_start3A_14 = tpu.memref_slice %arg7[%mul3A_0, %dma_start3A_13] : memref<100352x16xf32, #tpu.memory_space<vmem_shared>> -> memref<6272x16xf32, #tpu.memory_space<vmem_shared>>
      tpu.enqueue_dma source(%dma_start3A_14 : memref<6272x16xf32, #tpu.memory_space<vmem_shared>>) target(%dma_start3A_12 : memref<6272x16xf32, #tpu.memory_space<hbm>>) target_semaphore(%run_scoped3A : memref<!tpu.dma_semaphore, #tpu.memory_space<semaphore_mem>>)
      %dma_wait3A = arith.constant 0 : i32
      %dma_wait3A_15 = tpu.memref_slice %arg6[%arg0, %mul3A_0, %dma_wait3A] : memref<2x100352x16xf32, #tpu.memory_space<hbm>> -> memref<1x6272x16xf32, #tpu.memory_space<hbm>>
      %dma_wait3A_16 = tpu.memref_squeeze %dma_wait3A_15 : memref<1x6272x16xf32, #tpu.memory_space<hbm>> -> memref<6272x16xf32, #tpu.memory_space<hbm>>
      %dma_wait3A_17 = arith.constant 0 : i32
      %dma_wait3A_18 = tpu.memref_slice %arg7[%mul3A_0, %dma_wait3A_17] : memref<100352x16xf32, #tpu.memory_space<vmem_shared>> -> memref<6272x16xf32, #tpu.memory_space<vmem_shared>>
      tpu.wait_dma2 semaphore(%run_scoped3A : memref<!tpu.dma_semaphore, #tpu.memory_space<semaphore_mem>>) src(%dma_wait3A_18 : memref<6272x16xf32, #tpu.memory_space<vmem_shared>>) dst(%dma_wait3A_16 : memref<6272x16xf32, #tpu.memory_space<hbm>>)
      tpu.yield
    }) : () -> ()
    return
  }
}

module attributes {stable_mosaic.version = 14 : i64} {
  func.func @_stage2_body(%arg0: i32, %arg1: memref<4000x3xf32, #tpu.memory_space<vmem>>, %arg2: memref<4x4000x1xf32, #tpu.memory_space<vmem>>, %arg3: memref<3x16xf32, #tpu.memory_space<vmem>>, %arg4: memref<1x16xf32, #tpu.memory_space<vmem>>, %arg5: memref<16x16xf32, #tpu.memory_space<vmem>>, %arg6: memref<1x16xf32, #tpu.memory_space<vmem>>, %arg7: memref<2x16xf32, #tpu.memory_space<vmem>>, %arg8: memref<1x16xf32, #tpu.memory_space<vmem>>, %arg9: memref<16x16xf32, #tpu.memory_space<vmem>>, %arg10: memref<1x16xf32, #tpu.memory_space<vmem>>, %arg11: memref<4000x16xf32, #tpu.memory_space<vmem>>, %arg12: memref<4000x1xf32, #tpu.memory_space<vmem>>) attributes {dimension_semantics = [#tpu.dimension_semantics<arbitrary>], iteration_bounds = array<i64: 25>, scalar_prefetch = 0 : i64, scratch_operands = 0 : i64, tpu.core_type = #tpu.core_type<tc>, window_params = [{transform_indices = @transform_0, window_bounds = array<i64: 4000, 3>}, {transform_indices = @transform_1, window_bounds = array<i64: 4, 4000, 1>}, {pipeline_mode = #tpu.pipeline_mode<synchronous>, transform_indices = @transform_2, window_bounds = array<i64: 3, 16>}, {pipeline_mode = #tpu.pipeline_mode<synchronous>, transform_indices = @transform_3, window_bounds = array<i64: 1, 16>}, {pipeline_mode = #tpu.pipeline_mode<synchronous>, transform_indices = @transform_4, window_bounds = array<i64: 16, 16>}, {pipeline_mode = #tpu.pipeline_mode<synchronous>, transform_indices = @transform_5, window_bounds = array<i64: 1, 16>}, {pipeline_mode = #tpu.pipeline_mode<synchronous>, transform_indices = @transform_6, window_bounds = array<i64: 2, 16>}, {pipeline_mode = #tpu.pipeline_mode<synchronous>, transform_indices = @transform_7, window_bounds = array<i64: 1, 16>}, {pipeline_mode = #tpu.pipeline_mode<synchronous>, transform_indices = @transform_8, window_bounds = array<i64: 16, 16>}, {pipeline_mode = #tpu.pipeline_mode<synchronous>, transform_indices = @transform_9, window_bounds = array<i64: 1, 16>}, {transform_indices = @transform_10, window_bounds = array<i64: 4000, 16>}, {transform_indices = @transform_11, window_bounds = array<i64: 4000, 1>}]} {
    %get3A = arith.constant 0 : index
    %get3A_0 = arith.constant 0 : index
    %get3A_1 = vector.load %arg1[%get3A, %get3A_0] : memref<4000x3xf32, #tpu.memory_space<vmem>>, vector<4000x3xf32>
    %get3A_2 = arith.constant 0 : index
    %get3A_3 = arith.constant 0 : index
    %get3A_4 = vector.load %arg3[%get3A_2, %get3A_3] : memref<3x16xf32, #tpu.memory_space<vmem>>, vector<3x16xf32>
    %dot_general3A = arith.constant dense<0.000000e+00> : vector<4000x16xf32>
    %dot_general3A_5 = tpu.matmul %get3A_1, %get3A_4, %dot_general3A {dimension_numbers = #tpu.dot_dimension_numbers<[1], [0], [0], [1], [0, 0, 1, 1], [], []>, transpose_lhs_hint = false} : vector<4000x3xf32>, vector<3x16xf32>, vector<4000x16xf32> -> vector<4000x16xf32>
    %get3A_6 = arith.constant 0 : index
    %get3A_7 = arith.constant 0 : index
    %get3A_8 = vector.load %arg4[%get3A_6, %get3A_7] : memref<1x16xf32, #tpu.memory_space<vmem>>, vector<1x16xf32>
    %add3A = vector.broadcast %get3A_8 : vector<1x16xf32> to vector<4000x16xf32>
    %add3A_9 = arith.addf %dot_general3A_5, %add3A : vector<4000x16xf32>
    %max3A = arith.constant 0.000000e+00 : f32
    %max3A_10 = vector.broadcast %max3A : f32 to vector<4000x16xf32>
    %max3A_11 = arith.maximumf %add3A_9, %max3A_10 : vector<4000x16xf32>
    %get3A_12 = arith.constant 0 : index
    %get3A_13 = arith.constant 0 : index
    %get3A_14 = vector.load %arg5[%get3A_12, %get3A_13] : memref<16x16xf32, #tpu.memory_space<vmem>>, vector<16x16xf32>
    %dot_general3A_15 = arith.constant dense<0.000000e+00> : vector<4000x16xf32>
    %dot_general3A_16 = tpu.matmul %max3A_11, %get3A_14, %dot_general3A_15 {dimension_numbers = #tpu.dot_dimension_numbers<[1], [0], [0], [1], [0, 0, 1, 1], [], []>, transpose_lhs_hint = false} : vector<4000x16xf32>, vector<16x16xf32>, vector<4000x16xf32> -> vector<4000x16xf32>
    %get3A_17 = arith.constant 0 : index
    %get3A_18 = arith.constant 0 : index
    %get3A_19 = vector.load %arg6[%get3A_17, %get3A_18] : memref<1x16xf32, #tpu.memory_space<vmem>>, vector<1x16xf32>
    %add3A_20 = vector.broadcast %get3A_19 : vector<1x16xf32> to vector<4000x16xf32>
    %add3A_21 = arith.addf %dot_general3A_16, %add3A_20 : vector<4000x16xf32>
    %slice3A = vector.extract_strided_slice %get3A_1 {offsets = [0, 0], sizes = [4000, 2], strides = [1, 1]} : vector<4000x3xf32> to vector<4000x2xf32>
    %get3A_22 = arith.constant 0 : index
    %get3A_23 = arith.constant 0 : index
    %get3A_24 = vector.load %arg7[%get3A_22, %get3A_23] : memref<2x16xf32, #tpu.memory_space<vmem>>, vector<2x16xf32>
    %dot_general3A_25 = arith.constant dense<0.000000e+00> : vector<4000x16xf32>
    %dot_general3A_26 = tpu.matmul %slice3A, %get3A_24, %dot_general3A_25 {dimension_numbers = #tpu.dot_dimension_numbers<[1], [0], [0], [1], [0, 0, 1, 1], [], []>, transpose_lhs_hint = false} : vector<4000x2xf32>, vector<2x16xf32>, vector<4000x16xf32> -> vector<4000x16xf32>
    %get3A_27 = arith.constant 0 : index
    %get3A_28 = arith.constant 0 : index
    %get3A_29 = vector.load %arg8[%get3A_27, %get3A_28] : memref<1x16xf32, #tpu.memory_space<vmem>>, vector<1x16xf32>
    %add3A_30 = vector.broadcast %get3A_29 : vector<1x16xf32> to vector<4000x16xf32>
    %add3A_31 = arith.addf %dot_general3A_26, %add3A_30 : vector<4000x16xf32>
    %max3A_32 = arith.constant 0.000000e+00 : f32
    %max3A_33 = vector.broadcast %max3A_32 : f32 to vector<4000x16xf32>
    %max3A_34 = arith.maximumf %add3A_31, %max3A_33 : vector<4000x16xf32>
    %get3A_35 = arith.constant 0 : index
    %get3A_36 = arith.constant 0 : index
    %get3A_37 = vector.load %arg9[%get3A_35, %get3A_36] : memref<16x16xf32, #tpu.memory_space<vmem>>, vector<16x16xf32>
    %dot_general3A_38 = arith.constant dense<0.000000e+00> : vector<4000x16xf32>
    %dot_general3A_39 = tpu.matmul %max3A_34, %get3A_37, %dot_general3A_38 {dimension_numbers = #tpu.dot_dimension_numbers<[1], [0], [0], [1], [0, 0, 1, 1], [], []>, transpose_lhs_hint = false} : vector<4000x16xf32>, vector<16x16xf32>, vector<4000x16xf32> -> vector<4000x16xf32>
    %get3A_40 = arith.constant 0 : index
    %get3A_41 = arith.constant 0 : index
    %get3A_42 = vector.load %arg10[%get3A_40, %get3A_41] : memref<1x16xf32, #tpu.memory_space<vmem>>, vector<1x16xf32>
    %add3A_43 = vector.broadcast %get3A_42 : vector<1x16xf32> to vector<4000x16xf32>
    %add3A_44 = arith.addf %dot_general3A_39, %add3A_43 : vector<4000x16xf32>
    %get3A_45 = arith.constant 1 : index
    %get3A_46 = arith.constant 0 : index
    %get3A_47 = arith.constant 0 : index
    %get3A_48 = vector.load %arg2[%get3A_45, %get3A_46, %get3A_47] : memref<4x4000x1xf32, #tpu.memory_space<vmem>>, vector<1x4000x1xf32>
    %get3A_49 = vector.shape_cast %get3A_48 : vector<1x4000x1xf32> to vector<4000x1xf32>
    %gt3A = arith.constant 5.000000e-01 : f32
    %gt3A_50 = vector.broadcast %gt3A : f32 to vector<4000x1xf32>
    %gt3A_51 = arith.cmpf ogt, %get3A_49, %gt3A_50 : vector<4000x1xf32>
    %get3A_52 = arith.constant 0 : index
    %get3A_53 = arith.constant 0 : index
    %get3A_54 = arith.constant 0 : index
    %get3A_55 = vector.load %arg2[%get3A_52, %get3A_53, %get3A_54] : memref<4x4000x1xf32, #tpu.memory_space<vmem>>, vector<1x4000x1xf32>
    %get3A_56 = vector.shape_cast %get3A_55 : vector<1x4000x1xf32> to vector<4000x1xf32>
    %gt3A_57 = arith.constant 5.000000e-01 : f32
    %gt3A_58 = vector.broadcast %gt3A_57 : f32 to vector<4000x1xf32>
    %gt3A_59 = arith.cmpf ogt, %get3A_56, %gt3A_58 : vector<4000x1xf32>
    %jit3A = arith.constant 0.000000e+00 : f32
    %broadcast_in_dim3A = vector.shape_cast %gt3A_59 : vector<4000x1xi1> to vector<4000x1xi1>
    %broadcast_in_dim3A_60 = vector.broadcast %broadcast_in_dim3A : vector<4000x1xi1> to vector<4000x16xi1>
    %broadcast_in_dim3A_61 = vector.broadcast %jit3A : f32 to vector<4000x16xf32>
    %select_n3A = arith.select %broadcast_in_dim3A_60, %add3A_21, %broadcast_in_dim3A_61 : vector<4000x16xi1>, vector<4000x16xf32>
    %broadcast_in_dim3A_62 = vector.shape_cast %gt3A_51 : vector<4000x1xi1> to vector<4000x1xi1>
    %broadcast_in_dim3A_63 = vector.broadcast %broadcast_in_dim3A_62 : vector<4000x1xi1> to vector<4000x16xi1>
    %select_n3A_64 = arith.select %broadcast_in_dim3A_63, %add3A_44, %select_n3A : vector<4000x16xi1>, vector<4000x16xf32>
    %max3A_65 = arith.constant 0.000000e+00 : f32
    %max3A_66 = vector.broadcast %max3A_65 : f32 to vector<4000x16xf32>
    %max3A_67 = arith.maximumf %select_n3A_64, %max3A_66 : vector<4000x16xf32>
    %get3A_68 = arith.constant 2 : index
    %get3A_69 = arith.constant 0 : index
    %get3A_70 = arith.constant 0 : index
    %get3A_71 = vector.load %arg2[%get3A_68, %get3A_69, %get3A_70] : memref<4x4000x1xf32, #tpu.memory_space<vmem>>, vector<1x4000x1xf32>
    %get3A_72 = vector.shape_cast %get3A_71 : vector<1x4000x1xf32> to vector<4000x1xf32>
    %get3A_73 = arith.constant 3 : index
    %get3A_74 = arith.constant 0 : index
    %get3A_75 = arith.constant 0 : index
    %get3A_76 = vector.load %arg2[%get3A_73, %get3A_74, %get3A_75] : memref<4x4000x1xf32, #tpu.memory_space<vmem>>, vector<1x4000x1xf32>
    %get3A_77 = vector.shape_cast %get3A_76 : vector<1x4000x1xf32> to vector<4000x1xf32>
    %add3A_78 = arith.addf %get3A_72, %get3A_77 : vector<4000x1xf32>
    %add3A_79 = arith.constant 1.000000e+00 : f32
    %add3A_80 = vector.broadcast %add3A_79 : f32 to vector<4000x1xf32>
    %add3A_81 = arith.addf %add3A_78, %add3A_80 : vector<4000x1xf32>
    %rsqrt3A = math.rsqrt %add3A_81 : vector<4000x1xf32>
    %mul3A = vector.broadcast %rsqrt3A : vector<4000x1xf32> to vector<4000x16xf32>
    %mul3A_82 = arith.mulf %max3A_67, %mul3A : vector<4000x16xf32>
    %swap3A = arith.constant 0 : index
    %swap3A_83 = arith.constant 0 : index
    %swap3A_84 = vector.load %arg11[%swap3A, %swap3A_83] : memref<4000x16xf32, #tpu.memory_space<vmem>>, vector<4000x16xf32>
    tpu.vector_store %arg11[%swap3A, %swap3A_83], %mul3A_82 {strides = array<i32>} : memref<4000x16xf32, #tpu.memory_space<vmem>>, vector<4000x16xf32>,
    %swap3A_85 = arith.constant 0 : index
    %swap3A_86 = arith.constant 0 : index
    %swap3A_87 = vector.load %arg12[%swap3A_85, %swap3A_86] : memref<4000x1xf32, #tpu.memory_space<vmem>>, vector<4000x1xf32>
    tpu.vector_store %arg12[%swap3A_85, %swap3A_86], %rsqrt3A {strides = array<i32>} : memref<4000x1xf32, #tpu.memory_space<vmem>>, vector<4000x1xf32>,
    return
  }
  func.func @transform_0(%arg0: i32) -> (i32, i32) {
    %c0_i32 = arith.constant 0 : i32
    %c0_i32_0 = arith.constant 0 : i32
    return %arg0, %c0_i32 : i32, i32
  }
  func.func @transform_1(%arg0: i32) -> (i32, i32, i32) {
    %c0_i32 = arith.constant 0 : i32
    %c0_i32_0 = arith.constant 0 : i32
    %c0_i32_1 = arith.constant 0 : i32
    return %c0_i32, %arg0, %c0_i32_0 : i32, i32, i32
  }
  func.func @transform_2(%arg0: i32) -> (i32, i32) {
    %c0_i32 = arith.constant 0 : i32
    %c0_i32_0 = arith.constant 0 : i32
    %c0_i32_1 = arith.constant 0 : i32
    return %c0_i32, %c0_i32_0 : i32, i32
  }
  func.func @transform_3(%arg0: i32) -> (i32, i32) {
    %c0_i32 = arith.constant 0 : i32
    %c0_i32_0 = arith.constant 0 : i32
    %c0_i32_1 = arith.constant 0 : i32
    return %c0_i32, %c0_i32_0 : i32, i32
  }
  func.func @transform_4(%arg0: i32) -> (i32, i32) {
    %c0_i32 = arith.constant 0 : i32
    %c0_i32_0 = arith.constant 0 : i32
    %c0_i32_1 = arith.constant 0 : i32
    return %c0_i32, %c0_i32_0 : i32, i32
  }
  func.func @transform_5(%arg0: i32) -> (i32, i32) {
    %c0_i32 = arith.constant 0 : i32
    %c0_i32_0 = arith.constant 0 : i32
    %c0_i32_1 = arith.constant 0 : i32
    return %c0_i32, %c0_i32_0 : i32, i32
  }
  func.func @transform_6(%arg0: i32) -> (i32, i32) {
    %c0_i32 = arith.constant 0 : i32
    %c0_i32_0 = arith.constant 0 : i32
    %c0_i32_1 = arith.constant 0 : i32
    return %c0_i32, %c0_i32_0 : i32, i32
  }
  func.func @transform_7(%arg0: i32) -> (i32, i32) {
    %c0_i32 = arith.constant 0 : i32
    %c0_i32_0 = arith.constant 0 : i32
    %c0_i32_1 = arith.constant 0 : i32
    return %c0_i32, %c0_i32_0 : i32, i32
  }
  func.func @transform_8(%arg0: i32) -> (i32, i32) {
    %c0_i32 = arith.constant 0 : i32
    %c0_i32_0 = arith.constant 0 : i32
    %c0_i32_1 = arith.constant 0 : i32
    return %c0_i32, %c0_i32_0 : i32, i32
  }
  func.func @transform_9(%arg0: i32) -> (i32, i32) {
    %c0_i32 = arith.constant 0 : i32
    %c0_i32_0 = arith.constant 0 : i32
    %c0_i32_1 = arith.constant 0 : i32
    return %c0_i32, %c0_i32_0 : i32, i32
  }
  func.func @transform_10(%arg0: i32) -> (i32, i32) {
    %c0_i32 = arith.constant 0 : i32
    %c0_i32_0 = arith.constant 0 : i32
    return %arg0, %c0_i32 : i32, i32
  }
  func.func @transform_11(%arg0: i32) -> (i32, i32) {
    %c0_i32 = arith.constant 0 : i32
    %c0_i32_0 = arith.constant 0 : i32
    return %arg0, %c0_i32 : i32, i32
  }
}

module attributes {stable_mosaic.version = 14 : i64} {
  func.func @_gcn1_body(%arg0: i32, %arg1: memref<2x4000x16xf32, #tpu.memory_space<vmem>>, %arg2: memref<4000x16xf32, #tpu.memory_space<vmem>>, %arg3: memref<4000x1xf32, #tpu.memory_space<vmem>>, %arg4: memref<16x32xf32, #tpu.memory_space<vmem>>, %arg5: memref<1x32xf32, #tpu.memory_space<vmem>>, %arg6: memref<32x32xf32, #tpu.memory_space<vmem>>, %arg7: memref<2x4000x16xf32, #tpu.memory_space<vmem>>) attributes {dimension_semantics = [#tpu.dimension_semantics<arbitrary>], iteration_bounds = array<i64: 25>, scalar_prefetch = 0 : i64, scratch_operands = 0 : i64, tpu.core_type = #tpu.core_type<tc>, window_params = [{transform_indices = @transform_0, window_bounds = array<i64: 2, 4000, 16>}, {transform_indices = @transform_1, window_bounds = array<i64: 4000, 16>}, {transform_indices = @transform_2, window_bounds = array<i64: 4000, 1>}, {pipeline_mode = #tpu.pipeline_mode<synchronous>, transform_indices = @transform_3, window_bounds = array<i64: 16, 32>}, {pipeline_mode = #tpu.pipeline_mode<synchronous>, transform_indices = @transform_4, window_bounds = array<i64: 1, 32>}, {pipeline_mode = #tpu.pipeline_mode<synchronous>, transform_indices = @transform_5, window_bounds = array<i64: 32, 32>}, {transform_indices = @transform_6, window_bounds = array<i64: 2, 4000, 16>}]} {
    %get3A = arith.constant 0 : index
    %get3A_0 = arith.constant 0 : index
    %get3A_1 = vector.load %arg3[%get3A, %get3A_0] : memref<4000x1xf32, #tpu.memory_space<vmem>>, vector<4000x1xf32>
    %get3A_2 = arith.constant 0 : index
    %get3A_3 = arith.constant 0 : index
    %get3A_4 = arith.constant 0 : index
    %get3A_5 = vector.load %arg1[%get3A_2, %get3A_3, %get3A_4] : memref<2x4000x16xf32, #tpu.memory_space<vmem>>, vector<1x4000x16xf32>
    %get3A_6 = vector.shape_cast %get3A_5 : vector<1x4000x16xf32> to vector<4000x16xf32>
    %get3A_7 = arith.constant 1 : index
    %get3A_8 = arith.constant 0 : index
    %get3A_9 = arith.constant 0 : index
    %get3A_10 = vector.load %arg1[%get3A_7, %get3A_8, %get3A_9] : memref<2x4000x16xf32, #tpu.memory_space<vmem>>, vector<1x4000x16xf32>
    %get3A_11 = vector.shape_cast %get3A_10 : vector<1x4000x16xf32> to vector<4000x16xf32>
    %add3A = arith.addf %get3A_6, %get3A_11 : vector<4000x16xf32>
    %get3A_12 = arith.constant 0 : index
    %get3A_13 = arith.constant 0 : index
    %get3A_14 = vector.load %arg2[%get3A_12, %get3A_13] : memref<4000x16xf32, #tpu.memory_space<vmem>>, vector<4000x16xf32>
    %add3A_15 = arith.addf %add3A, %get3A_14 : vector<4000x16xf32>
    %mul3A = vector.broadcast %get3A_1 : vector<4000x1xf32> to vector<4000x16xf32>
    %mul3A_16 = arith.mulf %mul3A, %add3A_15 : vector<4000x16xf32>
    %get3A_17 = arith.constant 0 : index
    %get3A_18 = arith.constant 0 : index
    %get3A_19 = vector.load %arg4[%get3A_17, %get3A_18] : memref<16x32xf32, #tpu.memory_space<vmem>>, vector<16x32xf32>
    %dot_general3A = arith.constant dense<0.000000e+00> : vector<4000x32xf32>
    %dot_general3A_20 = tpu.matmul %mul3A_16, %get3A_19, %dot_general3A {dimension_numbers = #tpu.dot_dimension_numbers<[1], [0], [0], [1], [0, 0, 1, 1], [], []>, transpose_lhs_hint = false} : vector<4000x16xf32>, vector<16x32xf32>, vector<4000x32xf32> -> vector<4000x32xf32>
    %get3A_21 = arith.constant 0 : index
    %get3A_22 = arith.constant 0 : index
    %get3A_23 = vector.load %arg5[%get3A_21, %get3A_22] : memref<1x32xf32, #tpu.memory_space<vmem>>, vector<1x32xf32>
    %add3A_24 = vector.broadcast %get3A_23 : vector<1x32xf32> to vector<4000x32xf32>
    %add3A_25 = arith.addf %dot_general3A_20, %add3A_24 : vector<4000x32xf32>
    %max3A = arith.constant 0.000000e+00 : f32
    %max3A_26 = vector.broadcast %max3A : f32 to vector<4000x32xf32>
    %max3A_27 = arith.maximumf %add3A_25, %max3A_26 : vector<4000x32xf32>
    %get3A_28 = arith.constant 0 : index
    %get3A_29 = arith.constant 0 : index
    %get3A_30 = vector.load %arg6[%get3A_28, %get3A_29] : memref<32x32xf32, #tpu.memory_space<vmem>>, vector<32x32xf32>
    %dot_general3A_31 = arith.constant dense<0.000000e+00> : vector<4000x32xf32>
    %dot_general3A_32 = tpu.matmul %max3A_27, %get3A_30, %dot_general3A_31 {dimension_numbers = #tpu.dot_dimension_numbers<[1], [0], [0], [1], [0, 0, 1, 1], [], []>, transpose_lhs_hint = false} : vector<4000x32xf32>, vector<32x32xf32>, vector<4000x32xf32> -> vector<4000x32xf32>
    %mul3A_33 = vector.broadcast %get3A_1 : vector<4000x1xf32> to vector<4000x32xf32>
    %mul3A_34 = arith.mulf %dot_general3A_32, %mul3A_33 : vector<4000x32xf32>
    %slice3A = vector.extract_strided_slice %mul3A_34 {offsets = [0, 0], sizes = [4000, 16], strides = [1, 1]} : vector<4000x32xf32> to vector<4000x16xf32>
    %swap3A = arith.constant 0 : index
    %swap3A_35 = arith.constant 0 : index
    %swap3A_36 = arith.constant 0 : index
    %swap3A_37 = vector.load %arg7[%swap3A, %swap3A_35, %swap3A_36] : memref<2x4000x16xf32, #tpu.memory_space<vmem>>, vector<1x4000x16xf32>
    %swap3A_38 = vector.shape_cast %swap3A_37 : vector<1x4000x16xf32> to vector<4000x16xf32>
    %swap3A_39 = vector.shape_cast %slice3A : vector<4000x16xf32> to vector<1x4000x16xf32>
    tpu.vector_store %arg7[%swap3A, %swap3A_35, %swap3A_36], %swap3A_39 {strides = array<i32>} : memref<2x4000x16xf32, #tpu.memory_space<vmem>>, vector<1x4000x16xf32>,
    %slice3A_40 = vector.extract_strided_slice %mul3A_34 {offsets = [0, 16], sizes = [4000, 16], strides = [1, 1]} : vector<4000x32xf32> to vector<4000x16xf32>
    %swap3A_41 = arith.constant 1 : index
    %swap3A_42 = arith.constant 0 : index
    %swap3A_43 = arith.constant 0 : index
    %swap3A_44 = vector.load %arg7[%swap3A_41, %swap3A_42, %swap3A_43] : memref<2x4000x16xf32, #tpu.memory_space<vmem>>, vector<1x4000x16xf32>
    %swap3A_45 = vector.shape_cast %swap3A_44 : vector<1x4000x16xf32> to vector<4000x16xf32>
    %swap3A_46 = vector.shape_cast %slice3A_40 : vector<4000x16xf32> to vector<1x4000x16xf32>
    tpu.vector_store %arg7[%swap3A_41, %swap3A_42, %swap3A_43], %swap3A_46 {strides = array<i32>} : memref<2x4000x16xf32, #tpu.memory_space<vmem>>, vector<1x4000x16xf32>,
    return
  }
  func.func @transform_0(%arg0: i32) -> (i32, i32, i32) {
    %c0_i32 = arith.constant 0 : i32
    %c0_i32_0 = arith.constant 0 : i32
    %c0_i32_1 = arith.constant 0 : i32
    return %c0_i32, %arg0, %c0_i32_0 : i32, i32, i32
  }
  func.func @transform_1(%arg0: i32) -> (i32, i32) {
    %c0_i32 = arith.constant 0 : i32
    %c0_i32_0 = arith.constant 0 : i32
    return %arg0, %c0_i32 : i32, i32
  }
  func.func @transform_2(%arg0: i32) -> (i32, i32) {
    %c0_i32 = arith.constant 0 : i32
    %c0_i32_0 = arith.constant 0 : i32
    return %arg0, %c0_i32 : i32, i32
  }
  func.func @transform_3(%arg0: i32) -> (i32, i32) {
    %c0_i32 = arith.constant 0 : i32
    %c0_i32_0 = arith.constant 0 : i32
    %c0_i32_1 = arith.constant 0 : i32
    return %c0_i32, %c0_i32_0 : i32, i32
  }
  func.func @transform_4(%arg0: i32) -> (i32, i32) {
    %c0_i32 = arith.constant 0 : i32
    %c0_i32_0 = arith.constant 0 : i32
    %c0_i32_1 = arith.constant 0 : i32
    return %c0_i32, %c0_i32_0 : i32, i32
  }
  func.func @transform_5(%arg0: i32) -> (i32, i32) {
    %c0_i32 = arith.constant 0 : i32
    %c0_i32_0 = arith.constant 0 : i32
    %c0_i32_1 = arith.constant 0 : i32
    return %c0_i32, %c0_i32_0 : i32, i32
  }
  func.func @transform_6(%arg0: i32) -> (i32, i32, i32) {
    %c0_i32 = arith.constant 0 : i32
    %c0_i32_0 = arith.constant 0 : i32
    %c0_i32_1 = arith.constant 0 : i32
    return %c0_i32, %arg0, %c0_i32_0 : i32, i32, i32
  }
}

module attributes {stable_mosaic.version = 14 : i64} {
  func.func @_mid_body(%arg0: i32, %arg1: memref<2x4000x16xf32, #tpu.memory_space<vmem>>, %arg2: memref<2x4000x16xf32, #tpu.memory_space<vmem>>, %arg3: memref<4000x1xf32, #tpu.memory_space<vmem>>, %arg4: memref<32x1xf32, #tpu.memory_space<vmem>>, %arg5: memref<1x32xf32, #tpu.memory_space<vmem>>, %arg6: memref<4000x1xf32, #tpu.memory_space<vmem>>) attributes {dimension_semantics = [#tpu.dimension_semantics<arbitrary>], iteration_bounds = array<i64: 25>, scalar_prefetch = 0 : i64, scratch_operands = 0 : i64, tpu.core_type = #tpu.core_type<tc>, window_params = [{transform_indices = @transform_0, window_bounds = array<i64: 2, 4000, 16>}, {transform_indices = @transform_1, window_bounds = array<i64: 2, 4000, 16>}, {transform_indices = @transform_2, window_bounds = array<i64: 4000, 1>}, {pipeline_mode = #tpu.pipeline_mode<synchronous>, transform_indices = @transform_3, window_bounds = array<i64: 32, 1>}, {pipeline_mode = #tpu.pipeline_mode<synchronous>, transform_indices = @transform_4, window_bounds = array<i64: 1, 32>}, {transform_indices = @transform_5, window_bounds = array<i64: 4000, 1>}]} {
    %get3A = arith.constant 0 : index
    %get3A_0 = arith.constant 0 : index
    %get3A_1 = arith.constant 0 : index
    %get3A_2 = vector.load %arg1[%get3A, %get3A_0, %get3A_1] : memref<2x4000x16xf32, #tpu.memory_space<vmem>>, vector<1x4000x16xf32>
    %get3A_3 = vector.shape_cast %get3A_2 : vector<1x4000x16xf32> to vector<4000x16xf32>
    %get3A_4 = arith.constant 1 : index
    %get3A_5 = arith.constant 0 : index
    %get3A_6 = arith.constant 0 : index
    %get3A_7 = vector.load %arg1[%get3A_4, %get3A_5, %get3A_6] : memref<2x4000x16xf32, #tpu.memory_space<vmem>>, vector<1x4000x16xf32>
    %get3A_8 = vector.shape_cast %get3A_7 : vector<1x4000x16xf32> to vector<4000x16xf32>
    %concatenate3A = tpu.concatenate %get3A_3, %get3A_8 in 1 : vector<4000x16xf32>, vector<4000x16xf32> -> vector<4000x32xf32>
    %get3A_9 = arith.constant 0 : index
    %get3A_10 = arith.constant 0 : index
    %get3A_11 = arith.constant 0 : index
    %get3A_12 = vector.load %arg2[%get3A_9, %get3A_10, %get3A_11] : memref<2x4000x16xf32, #tpu.memory_space<vmem>>, vector<1x4000x16xf32>
    %get3A_13 = vector.shape_cast %get3A_12 : vector<1x4000x16xf32> to vector<4000x16xf32>
    %get3A_14 = arith.constant 1 : index
    %get3A_15 = arith.constant 0 : index
    %get3A_16 = arith.constant 0 : index
    %get3A_17 = vector.load %arg2[%get3A_14, %get3A_15, %get3A_16] : memref<2x4000x16xf32, #tpu.memory_space<vmem>>, vector<1x4000x16xf32>
    %get3A_18 = vector.shape_cast %get3A_17 : vector<1x4000x16xf32> to vector<4000x16xf32>
    %concatenate3A_19 = tpu.concatenate %get3A_13, %get3A_18 in 1 : vector<4000x16xf32>, vector<4000x16xf32> -> vector<4000x32xf32>
    %get3A_20 = arith.constant 0 : index
    %get3A_21 = arith.constant 0 : index
    %get3A_22 = vector.load %arg3[%get3A_20, %get3A_21] : memref<4000x1xf32, #tpu.memory_space<vmem>>, vector<4000x1xf32>
    %add3A = arith.addf %concatenate3A, %concatenate3A_19 : vector<4000x32xf32>
    %mul3A = vector.broadcast %get3A_22 : vector<4000x1xf32> to vector<4000x32xf32>
    %mul3A_23 = arith.mulf %mul3A, %add3A : vector<4000x32xf32>
    %get3A_24 = arith.constant 0 : index
    %get3A_25 = arith.constant 0 : index
    %get3A_26 = vector.load %arg5[%get3A_24, %get3A_25] : memref<1x32xf32, #tpu.memory_space<vmem>>, vector<1x32xf32>
    %add3A_27 = vector.broadcast %get3A_26 : vector<1x32xf32> to vector<4000x32xf32>
    %add3A_28 = arith.addf %mul3A_23, %add3A_27 : vector<4000x32xf32>
    %max3A = arith.constant 0.000000e+00 : f32
    %max3A_29 = vector.broadcast %max3A : f32 to vector<4000x32xf32>
    %max3A_30 = arith.maximumf %add3A_28, %max3A_29 : vector<4000x32xf32>
    %get3A_31 = arith.constant 0 : index
    %get3A_32 = arith.constant 0 : index
    %get3A_33 = vector.load %arg4[%get3A_31, %get3A_32] : memref<32x1xf32, #tpu.memory_space<vmem>>, vector<32x1xf32>
    %dot_general3A = arith.constant dense<0.000000e+00> : vector<4000x1xf32>
    %dot_general3A_34 = tpu.matmul %max3A_30, %get3A_33, %dot_general3A {dimension_numbers = #tpu.dot_dimension_numbers<[1], [0], [0], [1], [0, 0, 1, 1], [], []>, transpose_lhs_hint = false} : vector<4000x32xf32>, vector<32x1xf32>, vector<4000x1xf32> -> vector<4000x1xf32>
    %mul3A_35 = arith.mulf %dot_general3A_34, %get3A_22 : vector<4000x1xf32>
    %swap3A = arith.constant 0 : index
    %swap3A_36 = arith.constant 0 : index
    %swap3A_37 = vector.load %arg6[%swap3A, %swap3A_36] : memref<4000x1xf32, #tpu.memory_space<vmem>>, vector<4000x1xf32>
    tpu.vector_store %arg6[%swap3A, %swap3A_36], %mul3A_35 {strides = array<i32>} : memref<4000x1xf32, #tpu.memory_space<vmem>>, vector<4000x1xf32>,
    return
  }
  func.func @transform_0(%arg0: i32) -> (i32, i32, i32) {
    %c0_i32 = arith.constant 0 : i32
    %c0_i32_0 = arith.constant 0 : i32
    %c0_i32_1 = arith.constant 0 : i32
    return %c0_i32, %arg0, %c0_i32_0 : i32, i32, i32
  }
  func.func @transform_1(%arg0: i32) -> (i32, i32, i32) {
    %c0_i32 = arith.constant 0 : i32
    %c0_i32_0 = arith.constant 0 : i32
    %c0_i32_1 = arith.constant 0 : i32
    return %c0_i32, %arg0, %c0_i32_0 : i32, i32, i32
  }
  func.func @transform_2(%arg0: i32) -> (i32, i32) {
    %c0_i32 = arith.constant 0 : i32
    %c0_i32_0 = arith.constant 0 : i32
    return %arg0, %c0_i32 : i32, i32
  }
  func.func @transform_3(%arg0: i32) -> (i32, i32) {
    %c0_i32 = arith.constant 0 : i32
    %c0_i32_0 = arith.constant 0 : i32
    %c0_i32_1 = arith.constant 0 : i32
    return %c0_i32, %c0_i32_0 : i32, i32
  }
  func.func @transform_4(%arg0: i32) -> (i32, i32) {
    %c0_i32 = arith.constant 0 : i32
    %c0_i32_0 = arith.constant 0 : i32
    %c0_i32_1 = arith.constant 0 : i32
    return %c0_i32, %c0_i32_0 : i32, i32
  }
  func.func @transform_5(%arg0: i32) -> (i32, i32) {
    %c0_i32 = arith.constant 0 : i32
    %c0_i32_0 = arith.constant 0 : i32
    return %arg0, %c0_i32 : i32, i32
  }
}

module attributes {stable_mosaic.version = 14 : i64} {
  func.func @_final_body(%arg0: i32, %arg1: memref<2x4000x1xf32, #tpu.memory_space<vmem>>, %arg2: memref<4000x1xf32, #tpu.memory_space<vmem>>, %arg3: memref<4000x1xf32, #tpu.memory_space<vmem>>, %arg4: memref<1x1xf32, #tpu.memory_space<vmem>>, %arg5: memref<4000x1xf32, #tpu.memory_space<vmem>>) attributes {dimension_semantics = [#tpu.dimension_semantics<arbitrary>], iteration_bounds = array<i64: 25>, scalar_prefetch = 0 : i64, scratch_operands = 0 : i64, tpu.core_type = #tpu.core_type<tc>, window_params = [{transform_indices = @transform_0, window_bounds = array<i64: 2, 4000, 1>}, {transform_indices = @transform_1, window_bounds = array<i64: 4000, 1>}, {transform_indices = @transform_2, window_bounds = array<i64: 4000, 1>}, {pipeline_mode = #tpu.pipeline_mode<synchronous>, transform_indices = @transform_3, window_bounds = array<i64: 1, 1>}, {transform_indices = @transform_4, window_bounds = array<i64: 4000, 1>}]} {
    %get3A = arith.constant 0 : index
    %get3A_0 = arith.constant 0 : index
    %get3A_1 = arith.constant 0 : index
    %get3A_2 = vector.load %arg1[%get3A, %get3A_0, %get3A_1] : memref<2x4000x1xf32, #tpu.memory_space<vmem>>, vector<1x4000x1xf32>
    %get3A_3 = vector.shape_cast %get3A_2 : vector<1x4000x1xf32> to vector<4000x1xf32>
    %get3A_4 = arith.constant 1 : index
    %get3A_5 = arith.constant 0 : index
    %get3A_6 = arith.constant 0 : index
    %get3A_7 = vector.load %arg1[%get3A_4, %get3A_5, %get3A_6] : memref<2x4000x1xf32, #tpu.memory_space<vmem>>, vector<1x4000x1xf32>
    %get3A_8 = vector.shape_cast %get3A_7 : vector<1x4000x1xf32> to vector<4000x1xf32>
    %add3A = arith.addf %get3A_3, %get3A_8 : vector<4000x1xf32>
    %get3A_9 = arith.constant 0 : index
    %get3A_10 = arith.constant 0 : index
    %get3A_11 = vector.load %arg2[%get3A_9, %get3A_10] : memref<4000x1xf32, #tpu.memory_space<vmem>>, vector<4000x1xf32>
    %add3A_12 = arith.addf %add3A, %get3A_11 : vector<4000x1xf32>
    %get3A_13 = arith.constant 0 : index
    %get3A_14 = arith.constant 0 : index
    %get3A_15 = vector.load %arg3[%get3A_13, %get3A_14] : memref<4000x1xf32, #tpu.memory_space<vmem>>, vector<4000x1xf32>
    %mul3A = arith.mulf %get3A_15, %add3A_12 : vector<4000x1xf32>
    %get3A_16 = arith.constant 0 : index
    %get3A_17 = arith.constant 0 : index
    %get3A_18 = vector.load %arg4[%get3A_16, %get3A_17] : memref<1x1xf32, #tpu.memory_space<vmem>>, vector<1x1xf32>
    %add3A_19 = vector.broadcast %get3A_18 : vector<1x1xf32> to vector<4000x1xf32>
    %add3A_20 = arith.addf %mul3A, %add3A_19 : vector<4000x1xf32>
    %swap3A = arith.constant 0 : index
    %swap3A_21 = arith.constant 0 : index
    %swap3A_22 = vector.load %arg5[%swap3A, %swap3A_21] : memref<4000x1xf32, #tpu.memory_space<vmem>>, vector<4000x1xf32>
    tpu.vector_store %arg5[%swap3A, %swap3A_21], %add3A_20 {strides = array<i32>} : memref<4000x1xf32, #tpu.memory_space<vmem>>, vector<4000x1xf32>,
    return
  }
  func.func @transform_0(%arg0: i32) -> (i32, i32, i32) {
    %c0_i32 = arith.constant 0 : i32
    %c0_i32_0 = arith.constant 0 : i32
    %c0_i32_1 = arith.constant 0 : i32
    return %c0_i32, %arg0, %c0_i32_0 : i32, i32, i32
  }
  func.func @transform_1(%arg0: i32) -> (i32, i32) {
    %c0_i32 = arith.constant 0 : i32
    %c0_i32_0 = arith.constant 0 : i32
    return %arg0, %c0_i32 : i32, i32
  }
  func.func @transform_2(%arg0: i32) -> (i32, i32) {
    %c0_i32 = arith.constant 0 : i32
    %c0_i32_0 = arith.constant 0 : i32
    return %arg0, %c0_i32 : i32, i32
  }
  func.func @transform_3(%arg0: i32) -> (i32, i32) {
    %c0_i32 = arith.constant 0 : i32
    %c0_i32_0 = arith.constant 0 : i32
    %c0_i32_1 = arith.constant 0 : i32
    return %c0_i32, %c0_i32_0 : i32, i32
  }
  func.func @transform_4(%arg0: i32) -> (i32, i32) {
    %c0_i32 = arith.constant 0 : i32
    %c0_i32_0 = arith.constant 0 : i32
    return %arg0, %c0_i32 : i32, i32
  }
}

</mosaic_0001>

<sc_bundles>
// kernel: kernel.10.cloned.1.call-start
scs
__scs_entry_jumppad:
0x0: {  	(pc) =	sbr.rel $0x88, $3  }
0x1: {  	(tag) =	ssettag $0x0;
	lr =	simm.s32 $0x1  }
0x2: {  	[smem:$0x3F8F] =	sst lr;
	_ =	strace $0xD0000000  }
0x3: {  	_ = 	snop  }
0x4: {  	_ = 	snop  }
0x5: {  	_ = 	snop  }
0x6: {  	_ = 	snop  }
0x7: {  	_ = 	snop  }
__scs_overlays_trampoline_lowered:
0x8: {  	[smem:$0x3F9E] =	sst s0  }
0x9: {  	[smem:$0x3F9F] =	sst s1  }
0xa: {  	[smem:$0x3FA0] =	sst s2  }
0xb: {  	[smem:$0x3FA1] =	sst s3  }
0xc: {  	[smem:$0x3FA2] =	sst s4  }
0xd: {  	[smem:$0x3FA3] =	sst s5  }
0xe: {  	[smem:$0x3FA4] =	sst s6  }
0xf: {  	[smem:$0x3FA5] =	sst s7  }
0x10: {  	[smem:$0x3FA6] =	sst s8  }
0x11: {  	[smem:$0x3FA7] =	sst s9;
	s0 =	simm.s32 @!p0 $0x0  }
0x12: {  	s1 =	sld [smem:$0x3F8D];
	s0 =	simm.s32 @p0 $0x1  }
0x13: {  	[smem:$0x3FA8] =	sst s0;
	s0 =	simm.s32 @!p1 $0x0  }
0x14: {  	s2 =	sld [smem:$0x3F8C];
	s0 =	simm.s32 @p1 $0x1  }
0x15: {  	[smem:$0x3FA9] =	sst s0;
	s0 =	simm.s32 @!p2 $0x0  }
0x16: {  	s3 =	sld [smem:$0x3FDB];
	s0 =	simm.s32 @p2 $0x1  }
0x17: {  	s4 =	simm.s32 $0x1BF5;
	[smem:$0x3FAB] =	sst s0  }
0x18: {  	s0 =	sld [smem:$0x3F8E];
	_ =	swait.ge [sflag:s4], $0x0  }
0x19: {  	s7 =	sld [smem:$0x3F8F]  }
0x1a: {  	s8 =	sadd.s32 $0xFFFFE003, lr  }
0x1b: {  	s9 =	sadd.s32 $0xFFFFFEF7, lr;
	s5 =	simm.s32 $0xFFFFFFFF;
	p2 =	slt.u32 s8, $0xFFFFF086  }
0x1c: {  	p1 =	slt.u32 s9, $0xF7A;
	s5 =	simm.s32 @!p2 $0x0  }
0x1d: {  	s5 =	simm.s32 @p1 $0x1;
	p0 =	seq.s32 s7, s2  }
0x1e: {  	s7 =	smul.u32 @!p0 $0xF7A, s2;
	p2 =	seq.s32 @!p0 s5, $0x0  }
0x1f: {  	s9 =	smul.u32 $0xF7A, s1;
	s8 =	simm.s32 @!p0 $0x1BF5;
	p2 =	por !p2, p0  }
0x20: {  	[sflag:s8] =	ssyncset.s32 @!p0 $0xFFFFF086;
	s6 =	sadd.s32 @!p0 s3, s7;
	s7 =	simm.s32 @!p0 $0x108  }
0x21: {  	s3 =	sadd.s32 s3, s9;
	s6 =	sadd.s32 @!p0 $0x88, s6;
	s7 =	simm.s32 @p2 $0x1082  }
0x22: {  	[simem:s7], [sflag:s8] =	dma.local @!p0 [hbm:s6], $0xF7A  }
0x23: {  	s9 =	sor.u32 $0xD0000000, s2;
	s6 =	simm.s32 $0x108;
	_ =	swait.ge @!p0 [sflag:s8], $0x0  }
0x24: {  	s3 =	sadd.s32 $0x88, s3;
	s6 =	simm.s32 @!p1 $0x1082;
	[sflag:s4] =	ssyncset.s32 $0xFFFFF086  }
0x25: {  	[simem:s6], [sflag:s4] =	dma.local [hbm:s3], $0xF7A  }
0x26: {  	[smem:$0x3F8F] =	sst s1;
	(tag) =	ssettag s2;
	_ =	strace s9  }
0x27: {  	s1 =	sld [smem:$0x3F9F]  }
0x28: {  	s2 =	sld [smem:$0x3FA0]  }
0x29: {  	s4 =	sld [smem:$0x3FA2]  }
0x2a: {  	p0 =	seq.s32 s5, $0x0;
	s5 =	sld [smem:$0x3FA3]  }
0x2b: {  	s6 =	sld [smem:$0x3FA4]  }
0x2c: {  	s7 =	sld [smem:$0x3FA5]  }
0x2d: {  	s3 =	simm.s32 $0x108;
	s8 =	sld [smem:$0x3FA6]  }
0x2e: {  	s3 =	simm.s32 @!p0 $0x1082;
	s9 =	sld [smem:$0x3FA7]  }
0x2f: {  	lr =	sadd.s32 s0, s3;
	s0 =	sld [smem:$0x3F9E]  }
0x30: {  	s3 =	sld [smem:$0x3FA1]  }
0x31: {  	[smem:$0x3FAA] =	sst s10  }
0x32: {  	s10 =	sld [smem:$0x3FA8];
	_ =	sdelay $0x3  }
0x33: {  	p0 =	seq.s32 s10, $0x1;
	s10 =	sld [smem:$0x3FAA];
	_ =	sdelay $0x3  }
0x34: {  	[smem:$0x3FAA] =	sst s10  }
0x35: {  	s10 =	sld [smem:$0x3FA9];
	_ =	sdelay $0x3  }
0x36: {  	p1 =	seq.s32 s10, $0x1;
	s10 =	sld [smem:$0x3FAA];
	_ =	sdelay $0x3  }
0x37: {  	[smem:$0x3FAA] =	sst s10  }
0x38: {  	s10 =	sld [smem:$0x3FAB]  }
0x39: {  	_ = 	snop;
	(pc) =	sbr.ind lr, $3  }
0x3a: {  	_ = 	snop  }
0x3b: {  	_ = 	snop  }
0x3c: {  	p2 =	seq.s32 s10, $0x1;
	s10 =	sld [smem:$0x3FAA]  }
0x3d: {  	_ =	shalt  }
0x3e: {  	_ =	shalt  }
0x3f: {  	_ =	shalt  }
0x40: {  	_ =	shalt  }
0x41: {  	_ =	shalt  }
0x42: {  	_ =	shalt  }
0x43: {  	_ =	shalt  }
0x44: {  	_ =	shalt  }
0x45: {  	_ =	shalt  }
0x46: {  	_ =	shalt  }
0x47: {  	_ =	shalt  }
0x48: {  	_ =	shalt  }
0x49: {  	_ =	shalt  }
0x4a: {  	_ =	shalt  }
0x4b: {  	_ =	shalt  }
0x4c: {  	_ =	shalt  }
0x4d: {  	_ =	shalt  }
0x4e: {  	_ =	shalt  }
0x4f: {  	_ =	shalt  }
0x50: {  	_ =	shalt  }
0x51: {  	_ =	shalt  }
0x52: {  	_ =	shalt  }
0x53: {  	_ =	shalt  }
0x54: {  	_ =	shalt  }
0x55: {  	_ =	shalt  }
0x56: {  	_ =	shalt  }
0x57: {  	_ =	shalt  }
0x58: {  	_ =	shalt  }
0x59: {  	_ =	shalt  }
0x5a: {  	_ =	shalt  }
0x5b: {  	_ =	shalt  }
0x5c: {  	_ =	shalt  }
0x5d: {  	_ =	shalt  }
0x5e: {  	_ =	shalt  }
0x5f: {  	_ =	shalt  }
0x60: {  	_ =	shalt  }
0x61: {  	_ =	shalt  }
0x62: {  	_ =	shalt  }
0x63: {  	_ =	shalt  }
0x64: {  	_ =	shalt  }
0x65: {  	_ =	shalt  }
0x66: {  	_ =	shalt  }
0x67: {  	_ =	shalt  }
0x68: {  	_ =	shalt  }
0x69: {  	_ =	shalt  }
0x6a: {  	_ =	shalt  }
0x6b: {  	_ =	shalt  }
0x6c: {  	_ =	shalt  }
0x6d: {  	_ =	shalt  }
0x6e: {  	_ =	shalt  }
0x6f: {  	_ =	shalt  }
0x70: {  	_ =	shalt  }
0x71: {  	_ =	shalt  }
0x72: {  	_ =	shalt  }
0x73: {  	_ =	shalt  }
0x74: {  	_ =	shalt  }
0x75: {  	_ =	shalt  }
0x76: {  	_ =	shalt  }
0x77: {  	_ =	shalt  }
0x78: {  	_ =	shalt  }
0x79: {  	_ =	shalt  }
0x7a: {  	_ =	shalt  }
0x7b: {  	_ =	shalt  }
0x7c: {  	_ =	shalt  }
0x7d: {  	_ =	shalt  }
0x7e: {  	_ =	shalt  }
0x7f: {  	_ =	shalt  }
0x80: {  	_ =	shalt  }
0x81: {  	_ =	shalt  }
0x82: {  	_ =	shalt  }
0x83: {  	_ =	shalt  }
0x84: {  	_ =	shalt  }
0x85: {  	_ =	shalt  }
0x86: {  	_ =	shalt  }
0x87: {  	_ =	shalt  }
.Lfunc_end0:
.L_simem_size_0:
called_computation_lowered:
.L_overlay_start_0:
0x88: {  	s2 =	sld [smem:$0x3FD9]  }
0x89: {  	s3 =	sld [smem:$0x3FFE];
	_ =	sdelay $0x1  }
0x8a: {  	s1 =	srdreg.scid  }
0x8b: {  	s0 =	sand.u32 $0x1, s1  }
0x8c: {  	s17 =	sshll.u32 s0, $0xA;
	s2 =	sadd.s32 s3, s2  }
0x8d: {  	s2 =	sadd.s32 s2, s17  }
0x8e: {  	[smem:$0x3FB6] =	sst s2  }
0x8f: {  	_ = 	snop  }
0x90: {  	s2 =	sld [smem:$0x3FC7]  }
0x91: {  	s18 =	sld [smem:$0x3FC6]  }
0x92: {  	s4 =	sld [smem:$0x3FD0];
	(tm) =	ssettm $0x1  }
0x93: {  	s5 =	sld [smem:$0x3FFB];
	_ =	sdelay $0x3  }
0x94: {  	_ =	strace s5  }
0x95: {  	s5 =	sld [smem:$0x3FFC];
	_ =	sdelay $0x3  }
0x96: {  	_ =	strace s5  }
0x97: {  	s5 =	sld [smem:$0x3FFD];
	_ =	sdelay $0x3  }
0x98: {  	_ =	strace s5  }
0x99: {  	_ =	strace $0x8FFFFFFF  }
0x9a: {  	s19 =	sld [smem:$0x3FDB];
	_ =	sdelay $0x1  }
0x9b: {  	s6 =	simm.s32 $_scs_section_size  }
0x9c: {  	s7 =	simm.s32 $_size__tile_overlayer_lowered;
	s8 =	simm.s32 $_tile_overlayer_lowered  }
0x9d: {  	s22 =	simm.s32 $0x1BFF;
	s21 =	sshll.u32 s8, $0x1;
	s5 =	sadd.s32 s6, s19  }
0x9e: {  	s9 =	simm.s32 $0x0;
	s20 =	sshll.u32 s7, $0x1;
	s7 =	sadd.s32 s21, s5  }
0x9f: {  	[timem:s9], [sflag:s22] =	dma.local [hbm:s7], s20  }
0xa0: {  	_ =	swait.ge [sflag:s22], s20  }
0xa1: {  	s6 =	ssub.s32 $0x0, s20;
	[sflag:s22] =	ssyncset.done $0x0  }
0xa2: {  	[sflag:s22] =	ssyncadd.s32 s6;
	_ =	sdelay $0x1  }
0xa3: {  	s23 =	simm.s32 $0x1B8B  }
0xa4: {  	_ =	swait.ge [sflag:s23], $0x1  }
0xa5: {  	[sflag:s23] =	ssyncset.done $0x0  }
0xa6: {  	s25 =	simm.s32 $0x1B8E;
	s24 =	sld [smem:$0x3FFE];
	[sflag:s23] =	ssyncadd.s32 $0xFFFFFFFF  }
0xa7: {  	s26 =	simm.s32 $execute0_lowered;
	[smem:$0x3FD2] =	sst s25  }
0xa8: {  	s7 =	sshll.u32 s26, $0x1;
	_ =	strace $0x80000046;
	[dreg:$0x1] =	wrdreg $0xFFFFFFFF  }
0xa9: {  	s28 =	simm.s32 $_size_execute0_lowered;
	s5 =	sadd.s32 s5, s7;
	[dreg:$0x0] =	wrdreg $0x0  }
0xaa: {  	s7 =	sshll.u32 s28, $0x1;
	[dreg:$0x2] =	wrdreg s5  }
0xab: {  	[dreg:$0x3] =	wrdreg s7  }
0xac: {  	[dreg:$0x4] =	wrdreg $0xC0  }
0xad: {  	_ =	task [dreg:s9], $0x5FFFF  }
0xae: {  	[dreg:$0x1] =	wrdreg $0xFFFFFFFF  }
0xaf: {  	[dreg:$0x0] =	wrdreg $0x60  }
0xb0: {  	[dreg:$0x2] =	wrdreg s24  }
0xb1: {  	[dreg:$0x3] =	wrdreg s2  }
0xb2: {  	[dreg:$0x4] =	wrdreg s18  }
0xb3: {  	[dreg:$0x5] =	wrdreg s4  }
0xb4: {  	[dreg:$0x6] =	wrdreg $0x31000  }
0xb5: {  	[dreg:$0x7] =	wrdreg $0x0  }
0xb6: {  	[dreg:$0x8] =	wrdreg $0x18800  }
0xb7: {  	[dreg:$0x9] =	wrdreg $0x9  }
0xb8: {  	_ =	task.clear_ibuf [dreg:s9], $0xAFFFF;
	_ =	strace $0x90000046  }
0xb9: {  	s29 =	simm.s32 $0x9;
	_ =	strace $0x80000048  }
0xba: {  	_ =	swait.ge [sflag:s29], $0x1  }
0xbb: {  	[sflag:s29] =	ssyncadd.s32 $0xFFFFFFFF  }
0xbc: {  	_ =	strace $0x90000048  }
0xbd: {  	_ =	sfence  }
0xbe: {  	s30 =	sld [smem:$0x0];
	_ =	sdelay $0x2  }
0xbf: {  	s31 =	sshll.u32 s1, $0xD;
	s1 =	sshrl.u32 s1, $0x2  }
0xc0: {  	s3 =	sand.u32 $0x4000, s31;
	s1 =	sadd.s32 s1, s30  }
0xc1: {  	s0 =	sor.u32 s3, s0;
	s1 =	sshll.u32 s1, $0x11  }
0xc2: {  	s0 =	sor.u32 s1, s0  }
0xc3: {  	s0 =	sadd.s32 $0x8F2B, s0  }
0xc4: {  	[sflag:s0] =	ssyncadd.remote.s32 $0x1  }
0xc5: {  	_ =	sfence.sel $0xFFFF  }
0xc6: {  	[dreg:$0x0] =	wrdreg $0xFFFFFFFF;
	(pc) =	sbr.abs _section_cstart, $3  }
0xc7: {  	[dreg:$0x1] =	wrdreg $0xFFFFFFFF  }
0xc8: {  	_ =	task.clear_ibuf [dreg:s9], $0x2FFFF;
	_ =	strace $0x9FFFFFFF  }
0xc9: {  	(tm) =	ssettm $0x7FFFFFFF  }
tec
execute0_lowered:
.L_overlay_start_1:
0x0: {  	(tag) =	ssettag $0x1  }
0x1: {  	s0 =	rddreg [dreg:$0x0]  }
0x2: {  	s3 =	rddreg [dreg:$0x1]  }
0x3: {  	s22 =	rddreg [dreg:$0x2]  }
0x4: {  	s1 =	rddreg [dreg:$0x3]  }
0x5: {  	s2 =	rddreg [dreg:$0x4]  }
0x6: {  	s10 =	rddreg [dreg:$0x5]  }
0x7: {  	s4 =	rddreg [dreg:$0x6];
	s5 =	srdreg.scid  }
0x8: {  	s25 =	stileid.u32;
	s14 =	simm.s32 $0x1;
	s13 =	simm.s32 $0xF  }
0x9: {  	s28 =	simm.s32 $0x200;
	s29 =	simm.s32 $0x6800;
	s30 =	simm.s32 $0x190  }
0xa: {  	s31 =	simm.s32 $0x0;
	s23 =	sand.u32 $0x1, s5;
	s18 =	smul.u32 $0xC400, s25  }
0xb: {  	s5 =	simm.s32 $0x0;
	s9 =	sshll.u32 s25, $0x6;
	s17 =	smul.u32 $0x15E0, s25  }
0xc: {  	s12 =	smin.u32 s25, $0x9;
	p0 =	sne.s32 s25, $0x0;
	s26 =	smul.u32 $0x1900, s25  }
0xd: {  	p1 =	seq.s32 s25, $0x0;
	p2 =	sgt.u32 s25, $0x8;
	s6 =	smul.u32 $0x19000, s23  }
0xe: {  	[smem:$0x7FF] =	sst s5;
	s7 =	ssub.s32 $0x2, s23;
	s9 =	sor.u32 $0x1C01, s9  }
0xf: {  	s12 =	sadd.s32 s25, s12;
	s14 =	simm.s32 @!p0 $0x0;
	s13 =	simm.s32 @!p1 $0xE  }
0x10: {  	p1 =	sne.s32 s23, $0x0;
	s25 =	simm.s32 $0x5980;
	_ =	strace $0x80000047  }
0x11: {  	s15 =	sshrl.u32 s18, $0x3;
	s21 =	sshrl.u32 s7, $0x1;
	s10 =	sadd.s32 s18, s10  }
0x12: {  	s11 =	sadd.s32 s18, s4;
	s16 =	smul.u32 $0x32, s12;
	s24 =	sadd.s32 $0x24C000, s18  }
0x13: {  	s19 =	smul.u32 $0x190, s14;
	s14 =	simm.s32 $0x1;
	s20 =	sadd.s32 s6, s0  }
0x14: {  	s8 =	sadd.s32 s15, s0;
	s6 =	sadd.s32 $0x66800, s0;
	s0 =	ssub.s32 s7, s21  }
0x15: {  	s7 =	sadd.s32 s18, s2;
	[dreg:$0x8] =	wrdreg s24;
	s8 =	sadd.s32 $0x1BC800, s8  }
0x16: {  	s15 =	sadd.s32 s6, s15;
	s16 =	sadd.s32 s3, s16;
	s21 =	sadd.s32 s19, s17  }
.Ltmp0:
0x17: {  	s19 =	sadd.s32 $0xC4000, s18;
	s24 =	sadd.s32 s26, s20;
	(pc) =	sbr.rel .LBB2_1-.Ltmp0, $4  }
0x18: {  	s18 =	smov.u32 s7;
	s23 =	sshrl.u32 s7, $0x3;
	s17 =	sadd.s32 $0x31000, s15  }
0x19: {  	[dreg:$0xa] =	wrdreg s19;
	s19 =	smax.u32 s0, $0x1;
	s20 =	sadd.s32 $0x32, s16  }
0x1a: {  	s26 =	sshrl.u32 s21, $0x3;
	s21 =	sadd.s32 $0x34800, s24;
	s24 =	simm.s32 $0x4980  }
0x1b: {  	[dreg:$0x9] =	wrdreg s17;
	s3 =	sadd.s32 s26, s22;
	s26 =	simm.s32 $0x6600  }
.LBB2_9:
0x1c: {  	[bflag:$0x0] =	sbarrier.arrive $0xFFFF  }
0x1d: {  	s22 =	smov.u32 s18;
	s0 =	rddreg [dreg:$0x8]  }
.LBB2_7:
0x1e: {  	s31 =	sadd.s32 $0x1, s31  }
0x1f: {  	s0 =	sshrl.u32 s0, $0x3;
	p3 =	sne.s32 s31, s19  }
.Ltmp1:
0x20: {  	s7 =	sshrl.u32 s22, $0x3;
	s0 =	sadd.s32 s6, s0;
	(pc) =	sbr.rel @!p3 .LBB2_8-.Ltmp1, $4  }
0x21: {  	[hbm:s0], [sflag:s9] =	dma.local [spmem:s7], $0x1880  }
0x22: {  	_ =	swait.ge [sflag:s14], $0x1880  }
0x23: {  	[sflag:s14] =	ssyncset.done $0x0  }
0x24: {  	[sflag:s14] =	ssyncadd.s32 $0xFFFFE780  }
.LBB2_1:
0x25: {  	[spmem:s23], [sflag:s9] =	dma.local [hbm:s8], $0x1880  }
0x26: {  	_ =	swait.ge [sflag:s14], $0x1880  }
0x27: {  	[sflag:s14] =	ssyncset.done $0x0  }
0x28: {  	[sflag:s14] =	ssyncadd.s32 $0xFFFFE780  }
0x29: {  	[tilespmem:s24], [sflag:$0x1] =	stream.linear.gather [hbm4b:s1+s5], $0x1000, $0x38;
	[tilespmem:$0x6990] =	vst v63  }
0x2a: {  	_ =	swait.ge [sflag:s14], $0x1000  }
0x2b: {  	[sflag:s14] =	ssyncset.done $0x0  }
0x2c: {  	[sflag:s14] =	ssyncadd.s32 $0xFFFFF000  }
0x2d: {  	[tilespmem:s25], [sflag:$0x1] =	stream.linear.gather [hbm4b:s1+s5], $0xC80, $0x38;
	[tilespmem:$0x6990] =	vst v63  }
0x2e: {  	_ =	swait.ge [sflag:s14], $0xC80  }
0x2f: {  	[sflag:s14] =	ssyncset.done $0x0  }
0x30: {  	s0 =	sshrl.u32 @!p1 s10, $0x3;
	[sflag:s14] =	ssyncadd.s32 $0xFFFFF380  }
0x31: {  	[spmem:s0], [sflag:s9] =	dma.local @!p1 [hbm:s8], $0x1880  }
0x32: {  	s0 =	simm.s32 @!p1 $0x1  }
0x33: {  	_ =	swait.ge @!p1 [sflag:s0], $0x1880  }
0x34: {  	[sflag:s0] =	ssyncset.done @!p1 $0x0  }
0x35: {  	s22 =	sshrl.u32 @!p1 s11, $0x3;
	[sflag:s0] =	ssyncadd.s32 @!p1 $0xFFFFE780  }
0x36: {  	[spmem:s22], [sflag:s9] =	dma.local @!p1 [hbm:s8], $0x1880  }
0x37: {  	_ =	swait.ge @!p1 [sflag:s0], $0x1880  }
0x38: {  	[sflag:s0] =	ssyncset.done @!p1 $0x0  }
0x39: {  	[sflag:s0] =	ssyncadd.s32 @!p1 $0xFFFFE780  }
0x3a: {  	s22 =	sadd.s32 $0x0, s21;
	[bflag:$0x0] =	sbarrier.arrive $0xFFFF  }
0x3b: {  	[tilespmem:s26], [sflag:$0x1] =	stream.linear.gather [hbm4b:s22+s5], $0x200, $0x38;
	[tilespmem:$0x6990] =	vst v63  }
0x3c: {  	_ =	swait.ge [sflag:s14], $0x200  }
0x3d: {  	[sflag:s14] =	ssyncset.done $0x0  }
0x3e: {  	[sflag:s14] =	ssyncadd.s32 $0xFFFFFE00  }
0x3f: {  	[spmem:s2] =	stream.indirect.scatter.add.f32 [tilespmem:s24], [sflag:$0x1], $0x1, s26, s28, $0xb8;
	[tilespmem:$0x6990] =	vst v63  }
0x40: {  	_ =	swait.ge [sflag:s14], $0x200  }
0x41: {  	s0 =	simm.s32 $0x40;
	s22 =	simm.s32 $0x80;
	[sflag:s14] =	ssyncset.done $0x0  }
.LBB2_2:
0x42: {  	s12 =	sadd.s32 s0, s21  }
0x43: {  	[sflag:s14] =	ssyncadd.s32 $0xFFFFFE00;
	s0 =	smov.u32 s22;
	s7 =	sadd.s32 $0x40, s22  }
0x44: {  	[tilespmem:s26], [sflag:$0x1] =	stream.linear.gather [hbm4b:s12+s5], $0x200, $0x38;
	[tilespmem:$0x6990] =	vst v63  }
0x45: {  	p3 =	sne.s32 s22, $0x18C0;
	_ =	swait.ge [sflag:s14], $0x200  }
.Ltmp2:
0x46: {  	[sflag:s14] =	ssyncset.done $0x0;
	(pc) =	sbr.rel @p3 .LBB2_2-.Ltmp2, $4  }
0x47: {  	[sflag:s14] =	ssyncadd.s32 $0xFFFFFE00  }
0x48: {  	[spmem:s2] =	stream.indirect.scatter.add.f32 [tilespmem:s24], [sflag:$0x1], $0x1, s26, s28, $0xb8;
	[tilespmem:$0x6990] =	vst v63  }
0x49: {  	_ =	swait.ge [sflag:s14], $0x200  }
0x4a: {  	s22 =	smov.u32 s7;
	[sflag:s14] =	ssyncset.done $0x0  }
0x4b: {  	s0 =	sadd.s32 s0, s21;
	[sflag:s14] =	ssyncadd.s32 $0xFFFFFE00  }
0x4c: {  	[tilespmem:s26], [sflag:$0x1] =	stream.linear.gather [hbm4b:s0+s5], $0x200, $0x38;
	[tilespmem:$0x6990] =	vst v63  }
0x4d: {  	_ =	swait.ge [sflag:s14], $0x200  }
0x4e: {  	[sflag:s14] =	ssyncset.done $0x0  }
.Ltmp3:
0x4f: {  	[sflag:s14] =	ssyncadd.s32 $0xFFFFFE00;
	(pc) =	sbr.rel @p1 .LBB2_9-.Ltmp3, $4  }
0x50: {  	[spmem:s2] =	stream.indirect.scatter.add.f32 [tilespmem:s24], [sflag:$0x1], $0x1, s26, s28, $0xb8;
	[tilespmem:$0x6990] =	vst v63  }
0x51: {  	_ =	swait.ge [sflag:s14], $0x200  }
0x52: {  	[sflag:s14] =	ssyncset.done $0x0  }
0x53: {  	[sflag:s14] =	ssyncadd.s32 $0xFFFFFE00  }
0x54: {  	[tilespmem:s29], [sflag:$0x1] =	stream.linear.gather [hbm4b:s16+s5], $0x190, $0x38;
	[tilespmem:$0x6990] =	vst v63  }
0x55: {  	_ =	swait.ge [sflag:s14], $0x190  }
0x56: {  	[sflag:s14] =	ssyncset.done $0x0  }
0x57: {  	[sflag:s14] =	ssyncadd.s32 $0xFFFFFE70  }
0x58: {  	s17 =	rddreg [dreg:$0x5]  }
0x59: {  	[spmem:s17] =	stream.indirect.scatter.add.f32 [tilespmem:s25], [sflag:$0x1], $0x1, s29, s30, $0xb8;
	[tilespmem:$0x6990] =	vst v63  }
0x5a: {  	_ =	swait.ge [sflag:s14], $0x190  }
0x5b: {  	[sflag:s14] =	ssyncset.done $0x0  }
0x5c: {  	s0 =	simm.s32 @!p2 $0x0;
	s7 =	simm.s32 @!p2 $0x6800;
	[sflag:s14] =	ssyncadd.s32 $0xFFFFFE70  }
0x5d: {  	[tilespmem:s7], [sflag:$0x1] =	stream.linear.gather @!p2 [hbm4b:s20+s0], $0x190, $0x38;
	[tilespmem:$0x6990] =	vst v63  }
0x5e: {  	s0 =	simm.s32 @!p2 $0x1  }
0x5f: {  	_ =	swait.ge @!p2 [sflag:s0], $0x190  }
0x60: {  	[sflag:s0] =	ssyncset.done @!p2 $0x0  }
0x61: {  	s12 =	simm.s32 @!p2 $0x190;
	s22 =	simm.s32 @!p2 $0x5980;
	[sflag:s0] =	ssyncadd.s32 @!p2 $0xFFFFFE70  }
0x62: {  	[spmem:s17] =	stream.indirect.scatter.add.f32 @!p2 [tilespmem:s22], [sflag:$0x1], $0x1, s7, s12, $0xb8;
	[tilespmem:$0x6990] =	vst v63  }
0x63: {  	_ =	swait.ge @!p2 [sflag:s0], $0x190  }
0x64: {  	[sflag:s0] =	ssyncset.done @!p2 $0x0  }
0x65: {  	[sflag:s0] =	ssyncadd.s32 @!p2 $0xFFFFFE70  }
0x66: {  	[tilespmem:s29], [sflag:$0x1] =	stream.linear.gather [hbm4b:s3+s5], $0x190, $0x38;
	[tilespmem:$0x6990] =	vst v63  }
0x67: {  	p3 =	seq.s32 s13, $0x1;
	_ =	swait.ge [sflag:s14], $0x190  }
.Ltmp4:
0x68: {  	[sflag:s14] =	ssyncset.done $0x0;
	(pc) =	sbr.rel @p3 .LBB2_6-.Ltmp4, $4  }
0x69: {  	[sflag:s14] =	ssyncadd.s32 $0xFFFFFE70  }
0x6a: {  	[spmem:s4] =	stream.indirect.scatter.add.f32 [tilespmem:s25], [sflag:$0x1], $0x1, s29, s30, $0xb8;
	[tilespmem:$0x6990] =	vst v63  }
0x6b: {  	_ =	swait.ge [sflag:s14], $0x190  }
0x6c: {  	s22 =	smov.u32 s3;
	s0 =	sadd.s32 $0xFFFFFFFF, s13;
	[sflag:s14] =	ssyncset.done $0x0  }
.LBB2_5:
0x6d: {  	p3 =	seq.s32 s0, $0x1;
	[sflag:s14] =	ssyncadd.s32 $0xFFFFFE70;
	s22 =	sadd.s32 $0x32, s22  }
0x6e: {  	[tilespmem:s29], [sflag:$0x1] =	stream.linear.gather [hbm4b:s22+s5], $0x190, $0x38;
	[tilespmem:$0x6990] =	vst v63  }
0x6f: {  	s0 =	sadd.s32 $0xFFFFFFFF, s0;
	_ =	swait.ge [sflag:s14], $0x190  }
.Ltmp5:
0x70: {  	[sflag:s14] =	ssyncset.done $0x0;
	(pc) =	sbr.rel @!p3 .LBB2_5-.Ltmp5, $4  }
0x71: {  	[sflag:s14] =	ssyncadd.s32 $0xFFFFFE70  }
0x72: {  	[spmem:s4] =	stream.indirect.scatter.add.f32 [tilespmem:s25], [sflag:$0x1], $0x1, s29, s30, $0xb8;
	[tilespmem:$0x6990] =	vst v63  }
0x73: {  	_ =	swait.ge [sflag:s14], $0x190  }
0x74: {  	[sflag:s14] =	ssyncset.done $0x0  }
.LBB2_6:
0x75: {  	[sflag:s14] =	ssyncadd.s32 $0xFFFFFE70  }
0x76: {  	[bflag:$0x0] =	sbarrier.arrive $0xFFFF  }
0x77: {  	s0 =	rddreg [dreg:$0x9]  }
0x78: {  	[hbm:s0], [sflag:s9] =	dma.local [spmem:s23], $0x1880  }
0x79: {  	_ =	swait.ge [sflag:s14], $0x1880  }
0x7a: {  	[sflag:s14] =	ssyncset.done $0x0  }
.Ltmp6:
0x7b: {  	s22 =	sshrl.u32 s10, $0x3;
	[sflag:s14] =	ssyncadd.s32 $0xFFFFE780;
	(pc) =	sbr.rel .LBB2_7-.Ltmp6, $4  }
0x7c: {  	[hbm:s15], [sflag:s9] =	dma.local [spmem:s22], $0x1880  }
0x7d: {  	_ =	swait.ge [sflag:s14], $0x1880  }
0x7e: {  	[sflag:s14] =	ssyncset.done $0x0  }
0x7f: {  	s22 =	smov.u32 s11;
	s0 =	rddreg [dreg:$0xa];
	[sflag:s14] =	ssyncadd.s32 $0xFFFFE780  }
.LBB2_8:
0x80: {  	_ =	sfence.sel $0x180000  }
0x81: {  	[bflag:$0x0] =	sbarrier.arrive $0xFFFF  }
0x82: {  	_ =	strace $0x90000047  }
0x83: {  	[bflag:$0x2] =	sbarrier.arrive $0xFFFF  }
0x84: {  	s0 =	rddreg [dreg:$0x7]  }
0x85: {  	s0 =	sadd.s32 @!p0 $0x100000, s0  }
0x86: {  	[sflag:s0] =	ssyncadd.tile.s32 @!p0 $0x1;
	_ =	shalt  }
.Lfunc_end2:
_tile_overlayer_lowered:
.L_overlay_start_2:
0x87: {  	(tag) =	ssettag $0x2  }
0x88: {  	s0 =	rddreg [dreg:$0x0];
	s2 =	stileid.u32  }
0x89: {  	s1 =	rddreg [dreg:$0x1];
	p0 =	sne.s32 s2, $0x0  }
0x8a: {  	s3 =	rddreg [dreg:$0x2];
	[bflag:$0x3] =	sbarrier.arrive $0xFFFF;
	s2 =	simm.s32 @!p0 $0x1C01  }
0x8b: {  	[timem:s3], [sflag:s2] =	dma.local @!p0 [hbm:s0], s1  }
0x8c: {  	s0 =	simm.s32 @!p0 $0x1  }
0x8d: {  	_ =	swait.ge @!p0 [sflag:s0], s1  }
0x8e: {  	s1 =	ssub.s32 @!p0 $0x0, s1;
	[sflag:s0] =	ssyncset.done @!p0 $0x0  }
0x8f: {  	[sflag:s0] =	ssyncadd.s32 @!p0 s1  }
0x90: {  	[bflag:$0x3] =	sbarrier.arrive $0xFFFF  }
0x91: {  	_ =	shalt  }

// kernel: kernel.13.cloned.1.call-start
scs
__scs_entry_jumppad:
0x0: {  	(pc) =	sbr.rel $0x88, $3  }
0x1: {  	(tag) =	ssettag $0x0;
	lr =	simm.s32 $0x1  }
0x2: {  	[smem:$0x3F8F] =	sst lr;
	_ =	strace $0xD0000000  }
0x3: {  	_ = 	snop  }
0x4: {  	_ = 	snop  }
0x5: {  	_ = 	snop  }
0x6: {  	_ = 	snop  }
0x7: {  	_ = 	snop  }
__scs_overlays_trampoline_lowered:
0x8: {  	[smem:$0x3F9E] =	sst s0  }
0x9: {  	[smem:$0x3F9F] =	sst s1  }
0xa: {  	[smem:$0x3FA0] =	sst s2  }
0xb: {  	[smem:$0x3FA1] =	sst s3  }
0xc: {  	[smem:$0x3FA2] =	sst s4  }
0xd: {  	[smem:$0x3FA3] =	sst s5  }
0xe: {  	[smem:$0x3FA4] =	sst s6  }
0xf: {  	[smem:$0x3FA5] =	sst s7  }
0x10: {  	[smem:$0x3FA6] =	sst s8  }
0x11: {  	[smem:$0x3FA7] =	sst s9;
	s0 =	simm.s32 @!p0 $0x0  }
0x12: {  	s1 =	sld [smem:$0x3F8D];
	s0 =	simm.s32 @p0 $0x1  }
0x13: {  	[smem:$0x3FA8] =	sst s0;
	s0 =	simm.s32 @!p1 $0x0  }
0x14: {  	s2 =	sld [smem:$0x3F8C];
	s0 =	simm.s32 @p1 $0x1  }
0x15: {  	[smem:$0x3FA9] =	sst s0;
	s0 =	simm.s32 @!p2 $0x0  }
0x16: {  	s3 =	sld [smem:$0x3FDB];
	s0 =	simm.s32 @p2 $0x1  }
0x17: {  	s4 =	simm.s32 $0x1BF5;
	[smem:$0x3FAB] =	sst s0  }
0x18: {  	s0 =	sld [smem:$0x3F8E];
	_ =	swait.ge [sflag:s4], $0x0  }
0x19: {  	s7 =	sld [smem:$0x3F8F]  }
0x1a: {  	s8 =	sadd.s32 $0xFFFFE003, lr  }
0x1b: {  	s9 =	sadd.s32 $0xFFFFFEF7, lr;
	s5 =	simm.s32 $0xFFFFFFFF;
	p2 =	slt.u32 s8, $0xFFFFF086  }
0x1c: {  	p1 =	slt.u32 s9, $0xF7A;
	s5 =	simm.s32 @!p2 $0x0  }
0x1d: {  	s5 =	simm.s32 @p1 $0x1;
	p0 =	seq.s32 s7, s2  }
0x1e: {  	s7 =	smul.u32 @!p0 $0xF7A, s2;
	p2 =	seq.s32 @!p0 s5, $0x0  }
0x1f: {  	s9 =	smul.u32 $0xF7A, s1;
	s8 =	simm.s32 @!p0 $0x1BF5;
	p2 =	por !p2, p0  }
0x20: {  	[sflag:s8] =	ssyncset.s32 @!p0 $0xFFFFF086;
	s6 =	sadd.s32 @!p0 s3, s7;
	s7 =	simm.s32 @!p0 $0x108  }
0x21: {  	s3 =	sadd.s32 s3, s9;
	s6 =	sadd.s32 @!p0 $0x88, s6;
	s7 =	simm.s32 @p2 $0x1082  }
0x22: {  	[simem:s7], [sflag:s8] =	dma.local @!p0 [hbm:s6], $0xF7A  }
0x23: {  	s9 =	sor.u32 $0xD0000000, s2;
	s6 =	simm.s32 $0x108;
	_ =	swait.ge @!p0 [sflag:s8], $0x0  }
0x24: {  	s3 =	sadd.s32 $0x88, s3;
	s6 =	simm.s32 @!p1 $0x1082;
	[sflag:s4] =	ssyncset.s32 $0xFFFFF086  }
0x25: {  	[simem:s6], [sflag:s4] =	dma.local [hbm:s3], $0xF7A  }
0x26: {  	[smem:$0x3F8F] =	sst s1;
	(tag) =	ssettag s2;
	_ =	strace s9  }
0x27: {  	s1 =	sld [smem:$0x3F9F]  }
0x28: {  	s2 =	sld [smem:$0x3FA0]  }
0x29: {  	s4 =	sld [smem:$0x3FA2]  }
0x2a: {  	p0 =	seq.s32 s5, $0x0;
	s5 =	sld [smem:$0x3FA3]  }
0x2b: {  	s6 =	sld [smem:$0x3FA4]  }
0x2c: {  	s7 =	sld [smem:$0x3FA5]  }
0x2d: {  	s3 =	simm.s32 $0x108;
	s8 =	sld [smem:$0x3FA6]  }
0x2e: {  	s3 =	simm.s32 @!p0 $0x1082;
	s9 =	sld [smem:$0x3FA7]  }
0x2f: {  	lr =	sadd.s32 s0, s3;
	s0 =	sld [smem:$0x3F9E]  }
0x30: {  	s3 =	sld [smem:$0x3FA1]  }
0x31: {  	[smem:$0x3FAA] =	sst s10  }
0x32: {  	s10 =	sld [smem:$0x3FA8];
	_ =	sdelay $0x3  }
0x33: {  	p0 =	seq.s32 s10, $0x1;
	s10 =	sld [smem:$0x3FAA];
	_ =	sdelay $0x3  }
0x34: {  	[smem:$0x3FAA] =	sst s10  }
0x35: {  	s10 =	sld [smem:$0x3FA9];
	_ =	sdelay $0x3  }
0x36: {  	p1 =	seq.s32 s10, $0x1;
	s10 =	sld [smem:$0x3FAA];
	_ =	sdelay $0x3  }
0x37: {  	[smem:$0x3FAA] =	sst s10  }
0x38: {  	s10 =	sld [smem:$0x3FAB]  }
0x39: {  	_ = 	snop;
	(pc) =	sbr.ind lr, $3  }
0x3a: {  	_ = 	snop  }
0x3b: {  	_ = 	snop  }
0x3c: {  	p2 =	seq.s32 s10, $0x1;
	s10 =	sld [smem:$0x3FAA]  }
0x3d: {  	_ =	shalt  }
0x3e: {  	_ =	shalt  }
0x3f: {  	_ =	shalt  }
0x40: {  	_ =	shalt  }
0x41: {  	_ =	shalt  }
0x42: {  	_ =	shalt  }
0x43: {  	_ =	shalt  }
0x44: {  	_ =	shalt  }
0x45: {  	_ =	shalt  }
0x46: {  	_ =	shalt  }
0x47: {  	_ =	shalt  }
0x48: {  	_ =	shalt  }
0x49: {  	_ =	shalt  }
0x4a: {  	_ =	shalt  }
0x4b: {  	_ =	shalt  }
0x4c: {  	_ =	shalt  }
0x4d: {  	_ =	shalt  }
0x4e: {  	_ =	shalt  }
0x4f: {  	_ =	shalt  }
0x50: {  	_ =	shalt  }
0x51: {  	_ =	shalt  }
0x52: {  	_ =	shalt  }
0x53: {  	_ =	shalt  }
0x54: {  	_ =	shalt  }
0x55: {  	_ =	shalt  }
0x56: {  	_ =	shalt  }
0x57: {  	_ =	shalt  }
0x58: {  	_ =	shalt  }
0x59: {  	_ =	shalt  }
0x5a: {  	_ =	shalt  }
0x5b: {  	_ =	shalt  }
0x5c: {  	_ =	shalt  }
0x5d: {  	_ =	shalt  }
0x5e: {  	_ =	shalt  }
0x5f: {  	_ =	shalt  }
0x60: {  	_ =	shalt  }
0x61: {  	_ =	shalt  }
0x62: {  	_ =	shalt  }
0x63: {  	_ =	shalt  }
0x64: {  	_ =	shalt  }
0x65: {  	_ =	shalt  }
0x66: {  	_ =	shalt  }
0x67: {  	_ =	shalt  }
0x68: {  	_ =	shalt  }
0x69: {  	_ =	shalt  }
0x6a: {  	_ =	shalt  }
0x6b: {  	_ =	shalt  }
0x6c: {  	_ =	shalt  }
0x6d: {  	_ =	shalt  }
0x6e: {  	_ =	shalt  }
0x6f: {  	_ =	shalt  }
0x70: {  	_ =	shalt  }
0x71: {  	_ =	shalt  }
0x72: {  	_ =	shalt  }
0x73: {  	_ =	shalt  }
0x74: {  	_ =	shalt  }
0x75: {  	_ =	shalt  }
0x76: {  	_ =	shalt  }
0x77: {  	_ =	shalt  }
0x78: {  	_ =	shalt  }
0x79: {  	_ =	shalt  }
0x7a: {  	_ =	shalt  }
0x7b: {  	_ =	shalt  }
0x7c: {  	_ =	shalt  }
0x7d: {  	_ =	shalt  }
0x7e: {  	_ =	shalt  }
0x7f: {  	_ =	shalt  }
0x80: {  	_ =	shalt  }
0x81: {  	_ =	shalt  }
0x82: {  	_ =	shalt  }
0x83: {  	_ =	shalt  }
0x84: {  	_ =	shalt  }
0x85: {  	_ =	shalt  }
0x86: {  	_ =	shalt  }
0x87: {  	_ =	shalt  }
.Lfunc_end0:
.L_simem_size_0:
called_computation.1_lowered:
.L_overlay_start_0:
0x88: {  	s2 =	sld [smem:$0x3FD9]  }
0x89: {  	s3 =	sld [smem:$0x3FFE];
	_ =	sdelay $0x1  }
0x8a: {  	s1 =	srdreg.scid  }
0x8b: {  	s0 =	sand.u32 $0x1, s1  }
0x8c: {  	s16 =	sshll.u32 s0, $0xA;
	s2 =	sadd.s32 s3, s2  }
0x8d: {  	s2 =	sadd.s32 s2, s16  }
0x8e: {  	[smem:$0x3FB6] =	sst s2  }
0x8f: {  	_ = 	snop  }
0x90: {  	(tm) =	ssettm $0x1  }
0x91: {  	s17 =	sld [smem:$0x3FFB];
	_ =	sdelay $0x3  }
0x92: {  	_ =	strace s17  }
0x93: {  	s2 =	sld [smem:$0x3FFC];
	_ =	sdelay $0x3  }
0x94: {  	_ =	strace s2  }
0x95: {  	s2 =	sld [smem:$0x3FFD];
	_ =	sdelay $0x3  }
0x96: {  	_ =	strace s2  }
0x97: {  	_ =	strace $0x8FFFFFFF  }
0x98: {  	s18 =	sld [smem:$0x3FDB];
	_ =	sdelay $0x1  }
0x99: {  	s19 =	simm.s32 $_scs_section_size  }
0x9a: {  	s4 =	simm.s32 $_size__tile_overlayer_lowered;
	s5 =	simm.s32 $_tile_overlayer_lowered  }
0x9b: {  	s22 =	simm.s32 $0x1BFF;
	s21 =	sshll.u32 s5, $0x1;
	s2 =	sadd.s32 s19, s18  }
0x9c: {  	s6 =	simm.s32 $0x0;
	s20 =	sshll.u32 s4, $0x1;
	s4 =	sadd.s32 s21, s2  }
0x9d: {  	[timem:s6], [sflag:s22] =	dma.local [hbm:s4], s20  }
0x9e: {  	_ =	swait.ge [sflag:s22], s20  }
0x9f: {  	s3 =	ssub.s32 $0x0, s20;
	[sflag:s22] =	ssyncset.done $0x0  }
0xa0: {  	[sflag:s22] =	ssyncadd.s32 s3;
	_ =	sdelay $0x1  }
0xa1: {  	s23 =	simm.s32 $0x1B8B  }
0xa2: {  	_ =	swait.ge [sflag:s23], $0x1  }
0xa3: {  	[sflag:s23] =	ssyncset.done $0x0  }
0xa4: {  	s25 =	simm.s32 $0x1B8E;
	s24 =	sld [smem:$0x3FFE];
	[sflag:s23] =	ssyncadd.s32 $0xFFFFFFFF  }
0xa5: {  	s26 =	simm.s32 $execute0_lowered;
	[smem:$0x3FD2] =	sst s25  }
0xa6: {  	s4 =	sshll.u32 s26, $0x1;
	_ =	strace $0x80000049;
	[dreg:$0x1] =	wrdreg $0xFFFFFFFF  }
0xa7: {  	s28 =	simm.s32 $_size_execute0_lowered;
	s2 =	sadd.s32 s2, s4;
	[dreg:$0x0] =	wrdreg $0x0  }
0xa8: {  	s4 =	sshll.u32 s28, $0x1;
	[dreg:$0x2] =	wrdreg s2  }
0xa9: {  	[dreg:$0x3] =	wrdreg s4  }
0xaa: {  	[dreg:$0x4] =	wrdreg $0xC0  }
0xab: {  	_ =	task [dreg:s6], $0x5FFFF  }
0xac: {  	[dreg:$0x1] =	wrdreg $0xFFFFFFFF  }
0xad: {  	[dreg:$0x0] =	wrdreg $0x60  }
0xae: {  	[dreg:$0x2] =	wrdreg s24  }
0xaf: {  	[dreg:$0x3] =	wrdreg $0x0  }
0xb0: {  	[dreg:$0x4] =	wrdreg $0x9  }
0xb1: {  	_ =	task.clear_ibuf [dreg:s6], $0x5FFFF;
	_ =	strace $0x90000049  }
0xb2: {  	s29 =	simm.s32 $0x9;
	_ =	strace $0x8000004B  }
0xb3: {  	_ =	swait.ge [sflag:s29], $0x1  }
0xb4: {  	[sflag:s29] =	ssyncadd.s32 $0xFFFFFFFF  }
0xb5: {  	_ =	strace $0x9000004B  }
0xb6: {  	_ =	sfence  }
0xb7: {  	s30 =	sld [smem:$0x0];
	_ =	sdelay $0x2  }
0xb8: {  	s31 =	sshll.u32 s1, $0xD;
	s1 =	sshrl.u32 s1, $0x2  }
0xb9: {  	s3 =	sand.u32 $0x4000, s31;
	s1 =	sadd.s32 s1, s30  }
0xba: {  	s0 =	sor.u32 s3, s0;
	s1 =	sshll.u32 s1, $0x11  }
0xbb: {  	s0 =	sor.u32 s1, s0  }
0xbc: {  	s0 =	sadd.s32 $0x8F2B, s0  }
0xbd: {  	[sflag:s0] =	ssyncadd.remote.s32 $0x1  }
0xbe: {  	_ =	sfence.sel $0xFFFF  }
0xbf: {  	[dreg:$0x0] =	wrdreg $0xFFFFFFFF;
	(pc) =	sbr.abs _section_cstart, $3  }
0xc0: {  	[dreg:$0x1] =	wrdreg $0xFFFFFFFF  }
0xc1: {  	_ =	task.clear_ibuf [dreg:s6], $0x2FFFF;
	_ =	strace $0x9FFFFFFF  }
0xc2: {  	(tm) =	ssettm $0x7FFFFFFF  }
0xc3: {  	_ =	shalt  }
tec
execute0_lowered:
.L_overlay_start_1:
0x0: {  	(tag) =	ssettag $0x1  }
0x1: {  	s5 =	rddreg [dreg:$0x0]  }
0x2: {  	s0 =	srdreg.scid;
	s2 =	rddreg [dreg:$0x1]  }
0x3: {  	s3 =	simm.s32 $0x0;
	s13 =	simm.s32 $0x18800;
	s14 =	simm.s32 $0x19000  }
0x4: {  	s15 =	simm.s32 $0x200;
	s16 =	simm.s32 $0x19800;
	s17 =	simm.s32 $0x18A00  }
0x5: {  	s18 =	simm.s32 $0x1B800;
	s19 =	simm.s32 $0x1;
	s20 =	simm.s32 $0x18C00  }
0x6: {  	s21 =	simm.s32 $0x2;
	s22 =	simm.s32 $0x19200;
	s6 =	sand.u32 $0x1, s0  }
0x7: {  	s23 =	simm.s32 $0x18E00;
	s0 =	stileid.u32;
	s4 =	smul.u32 $0xC8000, s6  }
0x8: {  	s24 =	simm.s32 $0x19400;
	s25 =	simm.s32 $0x19600;
	s7 =	smul.u32 $0xC800, s0  }
0x9: {  	s26 =	simm.s32 $0x0;
	[smem:$0x7FF] =	sst s3;
	s30 =	smul.u32 $0x18800, s0  }
0xa: {  	s8 =	smul.u32 $0x188000, s6;
	_ =	strace $0x8000004A;
	s6 =	ssub.s32 $0x2, s6  }
0xb: {  	s31 =	sshll.u32 s0, $0x6;
	s11 =	sshrl.u32 s6, $0x1;
	s4 =	sadd.s32 s7, s4  }
0xc: {  	s8 =	sadd.s32 s30, s8;
	s9 =	sshrl.u32 s30, $0x3;
	s11 =	ssub.s32 s6, s11  }
0xd: {  	s12 =	sadd.s32 s30, s2;
	s6 =	sor.u32 $0x1C03, s31;
	s4 =	sshrl.u32 s4, $0x3  }
0xe: {  	s8 =	sshrl.u32 s8, $0x3;
	s9 =	sadd.s32 s9, s5;
	s10 =	sadd.s32 s4, s5  }
0xf: {  	s4 =	sadd.s32 $0x66800, s5;
	s8 =	sadd.s32 s8, s5;
	s5 =	sadd.s32 $0x97600, s9  }
0x10: {  	s7 =	sadd.s32 $0x12C800, s8;
	s8 =	smax.u32 s11, $0x1;
	s9 =	sadd.s32 $0x34800, s10  }
0x11: {  	s10 =	sadd.s32 $0xFA800, s10;
	s11 =	sshrl.u32 s12, $0x3;
	s12 =	simm.s32 $0x3  }
.LBB2_1:
0x12: {  	[spmem:s11], [sflag:s6] =	dma.local [hbm:s5], $0x3100  }
0x13: {  	_ =	swait.ge [sflag:s12], $0x3100  }
0x14: {  	[sflag:s12] =	ssyncset.done $0x0  }
0x15: {  	[sflag:s12] =	ssyncadd.s32 $0xFFFFCF00  }
0x16: {  	s28 =	sadd.s32 $0x0, s10;
	[bflag:$0x0] =	sbarrier.arrive $0xFFFF  }
0x17: {  	[tilespmem:s13], [sflag:$0x3] =	stream.linear.gather [hbm4b:s28+s3], $0x800, $0x38;
	[tilespmem:$0x1D800] =	vst v63  }
0x18: {  	_ =	swait.ge [sflag:s12], $0x800  }
0x19: {  	[sflag:s12] =	ssyncset.done $0x0  }
0x1a: {  	s28 =	sadd.s32 $0x0, s9;
	[sflag:s12] =	ssyncadd.s32 $0xFFFFF800  }
0x1b: {  	[tilespmem:s14], [sflag:$0x3] =	stream.linear.gather [hbm4b:s28+s3], $0x800, $0x38;
	[tilespmem:$0x1D800] =	vst v63  }
0x1c: {  	_ =	swait.ge [sflag:s12], $0x800  }
0x1d: {  	[sflag:s12] =	ssyncset.done $0x0  }
0x1e: {  	[sflag:s12] =	ssyncadd.s32 $0xFFFFF800  }
0x1f: {  	[tilespmem:s16], [sflag:$0x1] =	stream.indirect.gather [hbm4b:s4+s15], $0x10, s13, s15, $0xb8;
	[tilespmem:$0x1D800] =	vst v63  }
0x20: {  	_ = 	snop  }
0x21: {  	[tilespmem:s18], [sflag:$0x2] =	stream.indirect.gather [hbm4b:s4+s15], $0x10, s17, s15, $0xb8;
	[tilespmem:$0x1D800] =	vst v63  }
0x22: {  	_ =	swait.ge [sflag:s19], $0x2000  }
0x23: {  	[sflag:s19] =	ssyncset.done $0x0  }
0x24: {  	[sflag:s19] =	ssyncadd.s32 $0xFFFFE000  }
0x25: {  	[spmem:s2] =	stream.indirect.scatter.add.f32 [tilespmem:s16], [sflag:$0x3], $0x10, s14, s15, $0xb8;
	[tilespmem:$0x1D800] =	vst v63  }
0x26: {  	_ =	swait.ge [sflag:s12], $0x2000  }
0x27: {  	[sflag:s12] =	ssyncset.done $0x0  }
0x28: {  	[sflag:s12] =	ssyncadd.s32 $0xFFFFE000  }
0x29: {  	[tilespmem:s16], [sflag:$0x1] =	stream.indirect.gather [hbm4b:s4+s15], $0x10, s20, s15, $0xb8;
	[tilespmem:$0x1D800] =	vst v63  }
0x2a: {  	_ =	swait.ge [sflag:s21], $0x2000  }
0x2b: {  	[sflag:s21] =	ssyncset.done $0x0  }
0x2c: {  	[sflag:s21] =	ssyncadd.s32 $0xFFFFE000  }
0x2d: {  	[spmem:s2] =	stream.indirect.scatter.add.f32 [tilespmem:s18], [sflag:$0x3], $0x10, s22, s15, $0xb8;
	[tilespmem:$0x1D800] =	vst v63  }
0x2e: {  	_ =	swait.ge [sflag:s12], $0x2000  }
0x2f: {  	[sflag:s12] =	ssyncset.done $0x0  }
0x30: {  	[sflag:s12] =	ssyncadd.s32 $0xFFFFE000  }
0x31: {  	[tilespmem:s18], [sflag:$0x2] =	stream.indirect.gather [hbm4b:s4+s15], $0x10, s23, s15, $0xb8;
	[tilespmem:$0x1D800] =	vst v63  }
0x32: {  	_ =	swait.ge [sflag:s19], $0x2000  }
0x33: {  	[sflag:s19] =	ssyncset.done $0x0  }
0x34: {  	[sflag:s19] =	ssyncadd.s32 $0xFFFFE000  }
0x35: {  	[spmem:s2] =	stream.indirect.scatter.add.f32 [tilespmem:s16], [sflag:$0x3], $0x10, s24, s15, $0xb8;
	[tilespmem:$0x1D800] =	vst v63  }
0x36: {  	_ =	swait.ge [sflag:s12], $0x2000  }
0x37: {  	[sflag:s12] =	ssyncset.done $0x0  }
0x38: {  	[sflag:s12] =	ssyncadd.s32 $0xFFFFE000  }
0x39: {  	_ =	swait.ge [sflag:s21], $0x2000  }
0x3a: {  	[sflag:s21] =	ssyncset.done $0x0  }
0x3b: {  	[sflag:s21] =	ssyncadd.s32 $0xFFFFE000  }
0x3c: {  	[spmem:s2] =	stream.indirect.scatter.add.f32 [tilespmem:s18], [sflag:$0x3], $0x10, s25, s15, $0xb8;
	[tilespmem:$0x1D800] =	vst v63  }
0x3d: {  	_ =	swait.ge [sflag:s12], $0x2000  }
0x3e: {  	s30 =	simm.s32 $0x200;
	s28 =	simm.s32 $0x100;
	[sflag:s12] =	ssyncset.done $0x0  }
.LBB2_2:
0x3f: {  	s31 =	sadd.s32 s28, s10  }
0x40: {  	[sflag:s12] =	ssyncadd.s32 $0xFFFFE000;
	s1 =	smov.u32 s30;
	s29 =	sadd.s32 $0x100, s30  }
0x41: {  	[tilespmem:s13], [sflag:$0x3] =	stream.linear.gather [hbm4b:s31+s3], $0x800, $0x38;
	[tilespmem:$0x1D800] =	vst v63  }
0x42: {  	p0 =	sne.s32 s30, $0x1800;
	_ =	swait.ge [sflag:s12], $0x800  }
0x43: {  	[sflag:s12] =	ssyncset.done $0x0  }
0x44: {  	s30 =	sadd.s32 s28, s9;
	s28 =	smov.u32 s1;
	[sflag:s12] =	ssyncadd.s32 $0xFFFFF800  }
0x45: {  	[tilespmem:s14], [sflag:$0x3] =	stream.linear.gather [hbm4b:s30+s3], $0x800, $0x38;
	[tilespmem:$0x1D800] =	vst v63  }
0x46: {  	_ =	swait.ge [sflag:s12], $0x800  }
0x47: {  	[sflag:s12] =	ssyncset.done $0x0  }
0x48: {  	[sflag:s12] =	ssyncadd.s32 $0xFFFFF800  }
0x49: {  	[tilespmem:s16], [sflag:$0x1] =	stream.indirect.gather [hbm4b:s4+s15], $0x10, s13, s15, $0xb8;
	[tilespmem:$0x1D800] =	vst v63  }
0x4a: {  	_ = 	snop  }
0x4b: {  	[tilespmem:s18], [sflag:$0x2] =	stream.indirect.gather [hbm4b:s4+s15], $0x10, s17, s15, $0xb8;
	[tilespmem:$0x1D800] =	vst v63  }
0x4c: {  	_ =	swait.ge [sflag:s19], $0x2000  }
0x4d: {  	[sflag:s19] =	ssyncset.done $0x0  }
0x4e: {  	[sflag:s19] =	ssyncadd.s32 $0xFFFFE000  }
0x4f: {  	[spmem:s2] =	stream.indirect.scatter.add.f32 [tilespmem:s16], [sflag:$0x3], $0x10, s14, s15, $0xb8;
	[tilespmem:$0x1D800] =	vst v63  }
0x50: {  	_ =	swait.ge [sflag:s12], $0x2000  }
0x51: {  	[sflag:s12] =	ssyncset.done $0x0  }
0x52: {  	[sflag:s12] =	ssyncadd.s32 $0xFFFFE000  }
0x53: {  	[tilespmem:s16], [sflag:$0x1] =	stream.indirect.gather [hbm4b:s4+s15], $0x10, s20, s15, $0xb8;
	[tilespmem:$0x1D800] =	vst v63  }
0x54: {  	_ =	swait.ge [sflag:s21], $0x2000  }
0x55: {  	[sflag:s21] =	ssyncset.done $0x0  }
0x56: {  	[sflag:s21] =	ssyncadd.s32 $0xFFFFE000  }
0x57: {  	[spmem:s2] =	stream.indirect.scatter.add.f32 [tilespmem:s18], [sflag:$0x3], $0x10, s22, s15, $0xb8;
	[tilespmem:$0x1D800] =	vst v63  }
0x58: {  	_ =	swait.ge [sflag:s12], $0x2000  }
0x59: {  	[sflag:s12] =	ssyncset.done $0x0  }
0x5a: {  	[sflag:s12] =	ssyncadd.s32 $0xFFFFE000  }
0x5b: {  	[tilespmem:s18], [sflag:$0x2] =	stream.indirect.gather [hbm4b:s4+s15], $0x10, s23, s15, $0xb8;
	[tilespmem:$0x1D800] =	vst v63  }
0x5c: {  	_ =	swait.ge [sflag:s19], $0x2000  }
0x5d: {  	[sflag:s19] =	ssyncset.done $0x0  }
0x5e: {  	[sflag:s19] =	ssyncadd.s32 $0xFFFFE000  }
0x5f: {  	[spmem:s2] =	stream.indirect.scatter.add.f32 [tilespmem:s16], [sflag:$0x3], $0x10, s24, s15, $0xb8;
	[tilespmem:$0x1D800] =	vst v63  }
0x60: {  	_ =	swait.ge [sflag:s12], $0x2000  }
0x61: {  	[sflag:s12] =	ssyncset.done $0x0  }
0x62: {  	[sflag:s12] =	ssyncadd.s32 $0xFFFFE000  }
0x63: {  	_ =	swait.ge [sflag:s21], $0x2000  }
.Ltmp0:
0x64: {  	[sflag:s21] =	ssyncset.done $0x0;
	(pc) =	sbr.rel @p0 .LBB2_2-.Ltmp0, $4  }
0x65: {  	[sflag:s21] =	ssyncadd.s32 $0xFFFFE000  }
0x66: {  	[spmem:s2] =	stream.indirect.scatter.add.f32 [tilespmem:s18], [sflag:$0x3], $0x10, s25, s15, $0xb8;
	[tilespmem:$0x1D800] =	vst v63  }
0x67: {  	_ =	swait.ge [sflag:s12], $0x2000  }
0x68: {  	s30 =	smov.u32 s29;
	[sflag:s12] =	ssyncset.done $0x0  }
0x69: {  	s1 =	sadd.s32 s28, s10;
	[sflag:s12] =	ssyncadd.s32 $0xFFFFE000  }
0x6a: {  	[tilespmem:s13], [sflag:$0x3] =	stream.linear.gather [hbm4b:s1+s3], $0x800, $0x38;
	[tilespmem:$0x1D800] =	vst v63  }
0x6b: {  	_ =	swait.ge [sflag:s12], $0x800  }
0x6c: {  	[sflag:s12] =	ssyncset.done $0x0  }
0x6d: {  	s31 =	sadd.s32 s28, s9;
	[sflag:s12] =	ssyncadd.s32 $0xFFFFF800  }
0x6e: {  	[tilespmem:s14], [sflag:$0x3] =	stream.linear.gather [hbm4b:s31+s3], $0x800, $0x38;
	[tilespmem:$0x1D800] =	vst v63  }
0x6f: {  	_ =	swait.ge [sflag:s12], $0x800  }
0x70: {  	[sflag:s12] =	ssyncset.done $0x0  }
0x71: {  	[sflag:s12] =	ssyncadd.s32 $0xFFFFF800  }
0x72: {  	[tilespmem:s16], [sflag:$0x1] =	stream.indirect.gather [hbm4b:s4+s15], $0x10, s13, s15, $0xb8;
	[tilespmem:$0x1D800] =	vst v63  }
0x73: {  	_ = 	snop  }
0x74: {  	[tilespmem:s18], [sflag:$0x2] =	stream.indirect.gather [hbm4b:s4+s15], $0x10, s17, s15, $0xb8;
	[tilespmem:$0x1D800] =	vst v63  }
0x75: {  	_ =	swait.ge [sflag:s19], $0x2000  }
0x76: {  	[sflag:s19] =	ssyncset.done $0x0  }
0x77: {  	[sflag:s19] =	ssyncadd.s32 $0xFFFFE000  }
0x78: {  	[spmem:s2] =	stream.indirect.scatter.add.f32 [tilespmem:s16], [sflag:$0x3], $0x10, s14, s15, $0xb8;
	[tilespmem:$0x1D800] =	vst v63  }
0x79: {  	_ =	swait.ge [sflag:s12], $0x2000  }
0x7a: {  	[sflag:s12] =	ssyncset.done $0x0  }
0x7b: {  	[sflag:s12] =	ssyncadd.s32 $0xFFFFE000  }
0x7c: {  	[tilespmem:s16], [sflag:$0x1] =	stream.indirect.gather [hbm4b:s4+s15], $0x10, s20, s15, $0xb8;
	[tilespmem:$0x1D800] =	vst v63  }
0x7d: {  	_ =	swait.ge [sflag:s21], $0x2000  }
0x7e: {  	[sflag:s21] =	ssyncset.done $0x0  }
0x7f: {  	[sflag:s21] =	ssyncadd.s32 $0xFFFFE000  }
0x80: {  	[spmem:s2] =	stream.indirect.scatter.add.f32 [tilespmem:s18], [sflag:$0x3], $0x10, s22, s15, $0xb8;
	[tilespmem:$0x1D800] =	vst v63  }
0x81: {  	_ =	swait.ge [sflag:s12], $0x2000  }
0x82: {  	[sflag:s12] =	ssyncset.done $0x0  }
0x83: {  	[sflag:s12] =	ssyncadd.s32 $0xFFFFE000  }
0x84: {  	[tilespmem:s18], [sflag:$0x2] =	stream.indirect.gather [hbm4b:s4+s15], $0x10, s23, s15, $0xb8;
	[tilespmem:$0x1D800] =	vst v63  }
0x85: {  	_ =	swait.ge [sflag:s19], $0x2000  }
0x86: {  	[sflag:s19] =	ssyncset.done $0x0  }
0x87: {  	[sflag:s19] =	ssyncadd.s32 $0xFFFFE000  }
0x88: {  	[spmem:s2] =	stream.indirect.scatter.add.f32 [tilespmem:s16], [sflag:$0x3], $0x10, s24, s15, $0xb8;
	[tilespmem:$0x1D800] =	vst v63  }
0x89: {  	_ =	swait.ge [sflag:s12], $0x2000  }
0x8a: {  	[sflag:s12] =	ssyncset.done $0x0  }
0x8b: {  	[sflag:s12] =	ssyncadd.s32 $0xFFFFE000  }
0x8c: {  	_ =	swait.ge [sflag:s21], $0x2000  }
0x8d: {  	[sflag:s21] =	ssyncset.done $0x0  }
0x8e: {  	[sflag:s21] =	ssyncadd.s32 $0xFFFFE000  }
0x8f: {  	[spmem:s2] =	stream.indirect.scatter.add.f32 [tilespmem:s18], [sflag:$0x3], $0x10, s25, s15, $0xb8;
	[tilespmem:$0x1D800] =	vst v63  }
0x90: {  	_ =	swait.ge [sflag:s12], $0x2000  }
0x91: {  	s26 =	sadd.s32 $0x1, s26;
	[sflag:s12] =	ssyncset.done $0x0  }
0x92: {  	p0 =	sne.s32 s26, s8;
	[sflag:s12] =	ssyncadd.s32 $0xFFFFE000  }
.Ltmp1:
0x93: {  	[bflag:$0x0] =	sbarrier.arrive $0xFFFF;
	(pc) =	sbr.rel @p0 .LBB2_1-.Ltmp1, $4  }
0x94: {  	[hbm:s7], [sflag:s6] =	dma.local [spmem:s11], $0x3100  }
0x95: {  	_ =	swait.ge [sflag:s12], $0x3100  }
0x96: {  	[sflag:s12] =	ssyncset.done $0x0  }
0x97: {  	[sflag:s12] =	ssyncadd.s32 $0xFFFFCF00  }
0x98: {  	_ =	sfence.sel $0x180000  }
0x99: {  	[bflag:$0x0] =	sbarrier.arrive $0xFFFF  }
0x9a: {  	_ =	strace $0x9000004A  }
0x9b: {  	[bflag:$0x2] =	sbarrier.arrive $0xFFFF  }
0x9c: {  	p0 =	sne.s32 s0, $0x0;
	s0 =	rddreg [dreg:$0x2]  }
0x9d: {  	s0 =	sadd.s32 @!p0 $0x100000, s0  }
0x9e: {  	[sflag:s0] =	ssyncadd.tile.s32 @!p0 $0x1;
	_ =	shalt  }
.Lfunc_end2:
_tile_overlayer_lowered:
.L_overlay_start_2:
0x9f: {  	(tag) =	ssettag $0x2  }
0xa0: {  	s0 =	rddreg [dreg:$0x0];
	s2 =	stileid.u32  }
0xa1: {  	s1 =	rddreg [dreg:$0x1];
	p0 =	sne.s32 s2, $0x0  }
0xa2: {  	s3 =	rddreg [dreg:$0x2];
	[bflag:$0x3] =	sbarrier.arrive $0xFFFF;
	s2 =	simm.s32 @!p0 $0x1C03  }
0xa3: {  	[timem:s3], [sflag:s2] =	dma.local @!p0 [hbm:s0], s1  }
0xa4: {  	s0 =	simm.s32 @!p0 $0x3  }
0xa5: {  	_ =	swait.ge @!p0 [sflag:s0], s1  }
0xa6: {  	s1 =	ssub.s32 @!p0 $0x0, s1;
	[sflag:s0] =	ssyncset.done @!p0 $0x0  }
0xa7: {  	[sflag:s0] =	ssyncadd.s32 @!p0 s1  }
0xa8: {  	[bflag:$0x3] =	sbarrier.arrive $0xFFFF  }
0xa9: {  	_ =	shalt  }

// kernel: kernel.16.cloned.1.call-start
scs
__scs_entry_jumppad:
0x0: {  	(pc) =	sbr.rel $0x88, $3  }
0x1: {  	(tag) =	ssettag $0x0;
	lr =	simm.s32 $0x1  }
0x2: {  	[smem:$0x3F8F] =	sst lr;
	_ =	strace $0xD0000000  }
0x3: {  	_ = 	snop  }
0x4: {  	_ = 	snop  }
0x5: {  	_ = 	snop  }
0x6: {  	_ = 	snop  }
0x7: {  	_ = 	snop  }
__scs_overlays_trampoline_lowered:
0x8: {  	[smem:$0x3F9E] =	sst s0  }
0x9: {  	[smem:$0x3F9F] =	sst s1  }
0xa: {  	[smem:$0x3FA0] =	sst s2  }
0xb: {  	[smem:$0x3FA1] =	sst s3  }
0xc: {  	[smem:$0x3FA2] =	sst s4  }
0xd: {  	[smem:$0x3FA3] =	sst s5  }
0xe: {  	[smem:$0x3FA4] =	sst s6  }
0xf: {  	[smem:$0x3FA5] =	sst s7  }
0x10: {  	[smem:$0x3FA6] =	sst s8  }
0x11: {  	[smem:$0x3FA7] =	sst s9;
	s0 =	simm.s32 @!p0 $0x0  }
0x12: {  	s1 =	sld [smem:$0x3F8D];
	s0 =	simm.s32 @p0 $0x1  }
0x13: {  	[smem:$0x3FA8] =	sst s0;
	s0 =	simm.s32 @!p1 $0x0  }
0x14: {  	s2 =	sld [smem:$0x3F8C];
	s0 =	simm.s32 @p1 $0x1  }
0x15: {  	[smem:$0x3FA9] =	sst s0;
	s0 =	simm.s32 @!p2 $0x0  }
0x16: {  	s3 =	sld [smem:$0x3FDB];
	s0 =	simm.s32 @p2 $0x1  }
0x17: {  	s4 =	simm.s32 $0x1BF5;
	[smem:$0x3FAB] =	sst s0  }
0x18: {  	s0 =	sld [smem:$0x3F8E];
	_ =	swait.ge [sflag:s4], $0x0  }
0x19: {  	s7 =	sld [smem:$0x3F8F]  }
0x1a: {  	s8 =	sadd.s32 $0xFFFFE003, lr  }
0x1b: {  	s9 =	sadd.s32 $0xFFFFFEF7, lr;
	s5 =	simm.s32 $0xFFFFFFFF;
	p2 =	slt.u32 s8, $0xFFFFF086  }
0x1c: {  	p1 =	slt.u32 s9, $0xF7A;
	s5 =	simm.s32 @!p2 $0x0  }
0x1d: {  	s5 =	simm.s32 @p1 $0x1;
	p0 =	seq.s32 s7, s2  }
0x1e: {  	s7 =	smul.u32 @!p0 $0xF7A, s2;
	p2 =	seq.s32 @!p0 s5, $0x0  }
0x1f: {  	s9 =	smul.u32 $0xF7A, s1;
	s8 =	simm.s32 @!p0 $0x1BF5;
	p2 =	por !p2, p0  }
0x20: {  	[sflag:s8] =	ssyncset.s32 @!p0 $0xFFFFF086;
	s6 =	sadd.s32 @!p0 s3, s7;
	s7 =	simm.s32 @!p0 $0x108  }
0x21: {  	s3 =	sadd.s32 s3, s9;
	s6 =	sadd.s32 @!p0 $0x88, s6;
	s7 =	simm.s32 @p2 $0x1082  }
0x22: {  	[simem:s7], [sflag:s8] =	dma.local @!p0 [hbm:s6], $0xF7A  }
0x23: {  	s9 =	sor.u32 $0xD0000000, s2;
	s6 =	simm.s32 $0x108;
	_ =	swait.ge @!p0 [sflag:s8], $0x0  }
0x24: {  	s3 =	sadd.s32 $0x88, s3;
	s6 =	simm.s32 @!p1 $0x1082;
	[sflag:s4] =	ssyncset.s32 $0xFFFFF086  }
0x25: {  	[simem:s6], [sflag:s4] =	dma.local [hbm:s3], $0xF7A  }
0x26: {  	[smem:$0x3F8F] =	sst s1;
	(tag) =	ssettag s2;
	_ =	strace s9  }
0x27: {  	s1 =	sld [smem:$0x3F9F]  }
0x28: {  	s2 =	sld [smem:$0x3FA0]  }
0x29: {  	s4 =	sld [smem:$0x3FA2]  }
0x2a: {  	p0 =	seq.s32 s5, $0x0;
	s5 =	sld [smem:$0x3FA3]  }
0x2b: {  	s6 =	sld [smem:$0x3FA4]  }
0x2c: {  	s7 =	sld [smem:$0x3FA5]  }
0x2d: {  	s3 =	simm.s32 $0x108;
	s8 =	sld [smem:$0x3FA6]  }
0x2e: {  	s3 =	simm.s32 @!p0 $0x1082;
	s9 =	sld [smem:$0x3FA7]  }
0x2f: {  	lr =	sadd.s32 s0, s3;
	s0 =	sld [smem:$0x3F9E]  }
0x30: {  	s3 =	sld [smem:$0x3FA1]  }
0x31: {  	[smem:$0x3FAA] =	sst s10  }
0x32: {  	s10 =	sld [smem:$0x3FA8];
	_ =	sdelay $0x3  }
0x33: {  	p0 =	seq.s32 s10, $0x1;
	s10 =	sld [smem:$0x3FAA];
	_ =	sdelay $0x3  }
0x34: {  	[smem:$0x3FAA] =	sst s10  }
0x35: {  	s10 =	sld [smem:$0x3FA9];
	_ =	sdelay $0x3  }
0x36: {  	p1 =	seq.s32 s10, $0x1;
	s10 =	sld [smem:$0x3FAA];
	_ =	sdelay $0x3  }
0x37: {  	[smem:$0x3FAA] =	sst s10  }
0x38: {  	s10 =	sld [smem:$0x3FAB]  }
0x39: {  	_ = 	snop;
	(pc) =	sbr.ind lr, $3  }
0x3a: {  	_ = 	snop  }
0x3b: {  	_ = 	snop  }
0x3c: {  	p2 =	seq.s32 s10, $0x1;
	s10 =	sld [smem:$0x3FAA]  }
0x3d: {  	_ =	shalt  }
0x3e: {  	_ =	shalt  }
0x3f: {  	_ =	shalt  }
0x40: {  	_ =	shalt  }
0x41: {  	_ =	shalt  }
0x42: {  	_ =	shalt  }
0x43: {  	_ =	shalt  }
0x44: {  	_ =	shalt  }
0x45: {  	_ =	shalt  }
0x46: {  	_ =	shalt  }
0x47: {  	_ =	shalt  }
0x48: {  	_ =	shalt  }
0x49: {  	_ =	shalt  }
0x4a: {  	_ =	shalt  }
0x4b: {  	_ =	shalt  }
0x4c: {  	_ =	shalt  }
0x4d: {  	_ =	shalt  }
0x4e: {  	_ =	shalt  }
0x4f: {  	_ =	shalt  }
0x50: {  	_ =	shalt  }
0x51: {  	_ =	shalt  }
0x52: {  	_ =	shalt  }
0x53: {  	_ =	shalt  }
0x54: {  	_ =	shalt  }
0x55: {  	_ =	shalt  }
0x56: {  	_ =	shalt  }
0x57: {  	_ =	shalt  }
0x58: {  	_ =	shalt  }
0x59: {  	_ =	shalt  }
0x5a: {  	_ =	shalt  }
0x5b: {  	_ =	shalt  }
0x5c: {  	_ =	shalt  }
0x5d: {  	_ =	shalt  }
0x5e: {  	_ =	shalt  }
0x5f: {  	_ =	shalt  }
0x60: {  	_ =	shalt  }
0x61: {  	_ =	shalt  }
0x62: {  	_ =	shalt  }
0x63: {  	_ =	shalt  }
0x64: {  	_ =	shalt  }
0x65: {  	_ =	shalt  }
0x66: {  	_ =	shalt  }
0x67: {  	_ =	shalt  }
0x68: {  	_ =	shalt  }
0x69: {  	_ =	shalt  }
0x6a: {  	_ =	shalt  }
0x6b: {  	_ =	shalt  }
0x6c: {  	_ =	shalt  }
0x6d: {  	_ =	shalt  }
0x6e: {  	_ =	shalt  }
0x6f: {  	_ =	shalt  }
0x70: {  	_ =	shalt  }
0x71: {  	_ =	shalt  }
0x72: {  	_ =	shalt  }
0x73: {  	_ =	shalt  }
0x74: {  	_ =	shalt  }
0x75: {  	_ =	shalt  }
0x76: {  	_ =	shalt  }
0x77: {  	_ =	shalt  }
0x78: {  	_ =	shalt  }
0x79: {  	_ =	shalt  }
0x7a: {  	_ =	shalt  }
0x7b: {  	_ =	shalt  }
0x7c: {  	_ =	shalt  }
0x7d: {  	_ =	shalt  }
0x7e: {  	_ =	shalt  }
0x7f: {  	_ =	shalt  }
0x80: {  	_ =	shalt  }
0x81: {  	_ =	shalt  }
0x82: {  	_ =	shalt  }
0x83: {  	_ =	shalt  }
0x84: {  	_ =	shalt  }
0x85: {  	_ =	shalt  }
0x86: {  	_ =	shalt  }
0x87: {  	_ =	shalt  }
.Lfunc_end0:
.L_simem_size_0:
called_computation.2_lowered:
.L_overlay_start_0:
0x88: {  	s2 =	sld [smem:$0x3FD9]  }
0x89: {  	s3 =	sld [smem:$0x3FFE];
	_ =	sdelay $0x1  }
0x8a: {  	s1 =	srdreg.scid  }
0x8b: {  	s0 =	sand.u32 $0x1, s1  }
0x8c: {  	s16 =	sshll.u32 s0, $0xA;
	s2 =	sadd.s32 s3, s2  }
0x8d: {  	s2 =	sadd.s32 s2, s16  }
0x8e: {  	[smem:$0x3FB6] =	sst s2  }
0x8f: {  	_ = 	snop  }
0x90: {  	(tm) =	ssettm $0x1  }
0x91: {  	s17 =	sld [smem:$0x3FFB];
	_ =	sdelay $0x3  }
0x92: {  	_ =	strace s17  }
0x93: {  	s2 =	sld [smem:$0x3FFC];
	_ =	sdelay $0x3  }
0x94: {  	_ =	strace s2  }
0x95: {  	s2 =	sld [smem:$0x3FFD];
	_ =	sdelay $0x3  }
0x96: {  	_ =	strace s2  }
0x97: {  	_ =	strace $0x8FFFFFFF  }
0x98: {  	s18 =	sld [smem:$0x3FDB];
	_ =	sdelay $0x1  }
0x99: {  	s19 =	simm.s32 $_scs_section_size  }
0x9a: {  	s4 =	simm.s32 $_size__tile_overlayer_lowered;
	s5 =	simm.s32 $_tile_overlayer_lowered  }
0x9b: {  	s22 =	simm.s32 $0x1BFF;
	s21 =	sshll.u32 s5, $0x1;
	s2 =	sadd.s32 s19, s18  }
0x9c: {  	s6 =	simm.s32 $0x0;
	s20 =	sshll.u32 s4, $0x1;
	s4 =	sadd.s32 s21, s2  }
0x9d: {  	[timem:s6], [sflag:s22] =	dma.local [hbm:s4], s20  }
0x9e: {  	_ =	swait.ge [sflag:s22], s20  }
0x9f: {  	s3 =	ssub.s32 $0x0, s20;
	[sflag:s22] =	ssyncset.done $0x0  }
0xa0: {  	[sflag:s22] =	ssyncadd.s32 s3;
	_ =	sdelay $0x1  }
0xa1: {  	s23 =	simm.s32 $0x1B8B  }
0xa2: {  	_ =	swait.ge [sflag:s23], $0x1  }
0xa3: {  	[sflag:s23] =	ssyncset.done $0x0  }
0xa4: {  	s25 =	simm.s32 $0x1B8E;
	s24 =	sld [smem:$0x3FFE];
	[sflag:s23] =	ssyncadd.s32 $0xFFFFFFFF  }
0xa5: {  	s26 =	simm.s32 $execute0_lowered;
	[smem:$0x3FD2] =	sst s25  }
0xa6: {  	s4 =	sshll.u32 s26, $0x1;
	_ =	strace $0x8000004C;
	[dreg:$0x1] =	wrdreg $0xFFFFFFFF  }
0xa7: {  	s28 =	simm.s32 $_size_execute0_lowered;
	s2 =	sadd.s32 s2, s4;
	[dreg:$0x0] =	wrdreg $0x0  }
0xa8: {  	s4 =	sshll.u32 s28, $0x1;
	[dreg:$0x2] =	wrdreg s2  }
0xa9: {  	[dreg:$0x3] =	wrdreg s4  }
0xaa: {  	[dreg:$0x4] =	wrdreg $0xC0  }
0xab: {  	_ =	task [dreg:s6], $0x5FFFF  }
0xac: {  	[dreg:$0x1] =	wrdreg $0xFFFFFFFF  }
0xad: {  	[dreg:$0x0] =	wrdreg $0x60  }
0xae: {  	[dreg:$0x2] =	wrdreg s24  }
0xaf: {  	[dreg:$0x3] =	wrdreg $0x0  }
0xb0: {  	[dreg:$0x4] =	wrdreg $0x9  }
0xb1: {  	_ =	task.clear_ibuf [dreg:s6], $0x5FFFF;
	_ =	strace $0x9000004C  }
0xb2: {  	s29 =	simm.s32 $0x9;
	_ =	strace $0x8000004E  }
0xb3: {  	_ =	swait.ge [sflag:s29], $0x1  }
0xb4: {  	[sflag:s29] =	ssyncadd.s32 $0xFFFFFFFF  }
0xb5: {  	_ =	strace $0x9000004E  }
0xb6: {  	_ =	sfence  }
0xb7: {  	s30 =	sld [smem:$0x0];
	_ =	sdelay $0x2  }
0xb8: {  	s31 =	sshll.u32 s1, $0xD;
	s1 =	sshrl.u32 s1, $0x2  }
0xb9: {  	s3 =	sand.u32 $0x4000, s31;
	s1 =	sadd.s32 s1, s30  }
0xba: {  	s0 =	sor.u32 s3, s0;
	s1 =	sshll.u32 s1, $0x11  }
0xbb: {  	s0 =	sor.u32 s1, s0  }
0xbc: {  	s0 =	sadd.s32 $0x8F2B, s0  }
0xbd: {  	[sflag:s0] =	ssyncadd.remote.s32 $0x1  }
0xbe: {  	_ =	sfence.sel $0xFFFF  }
0xbf: {  	[dreg:$0x0] =	wrdreg $0xFFFFFFFF;
	(pc) =	sbr.abs _section_cstart, $3  }
0xc0: {  	[dreg:$0x1] =	wrdreg $0xFFFFFFFF  }
0xc1: {  	_ =	task.clear_ibuf [dreg:s6], $0x2FFFF;
	_ =	strace $0x9FFFFFFF  }
0xc2: {  	(tm) =	ssettm $0x7FFFFFFF  }
0xc3: {  	_ =	shalt  }
tec
execute0_lowered:
.L_overlay_start_1:
0x0: {  	(tag) =	ssettag $0x1  }
0x1: {  	s5 =	rddreg [dreg:$0x0]  }
0x2: {  	s2 =	rddreg [dreg:$0x1]  }
0x3: {  	s1 =	stileid.u32;
	s6 =	srdreg.scid;
	s3 =	simm.s32 $0x0  }
0x4: {  	s15 =	simm.s32 $0x200;
	s16 =	simm.s32 $0x19800;
	s17 =	simm.s32 $0x18A00  }
0x5: {  	s18 =	simm.s32 $0x1B800;
	s19 =	simm.s32 $0x1;
	s20 =	simm.s32 $0x18C00  }
0x6: {  	s21 =	simm.s32 $0x2;
	s22 =	simm.s32 $0x19200;
	s23 =	simm.s32 $0x18E00  }
0x7: {  	s24 =	simm.s32 $0x19400;
	s25 =	simm.s32 $0x19600;
	s4 =	smul.u32 $0x3200, s1  }
0x8: {  	s26 =	simm.s32 $0x0;
	s7 =	smul.u32 $0x18800, s1;
	s6 =	sand.u32 $0x1, s6  }
0x9: {  	[smem:$0x7FF] =	sst s3;
	s12 =	sshll.u32 s1, $0x6;
	s8 =	smul.u32 $0x188000, s6  }
0xa: {  	_ =	strace $0x8000004D;
	s11 =	ssub.s32 $0x2, s6;
	s13 =	smul.u32 $0x32000, s6  }
0xb: {  	s6 =	sor.u32 $0x1C03, s12;
	s12 =	simm.s32 $0x3;
	s9 =	sadd.s32 s4, s5  }
0xc: {  	s4 =	sadd.s32 $0x12C800, s5;
	s10 =	sshrl.u32 s7, $0x3;
	s30 =	sshrl.u32 s11, $0x1  }
0xd: {  	s14 =	sadd.s32 s7, s2;
	s8 =	sadd.s32 s7, s8;
	s10 =	sadd.s32 s10, s5  }
0xe: {  	s11 =	ssub.s32 s11, s30;
	s31 =	sadd.s32 s13, s9;
	s8 =	sshrl.u32 s8, $0x3  }
0xf: {  	s9 =	sadd.s32 $0x34800, s9;
	s13 =	simm.s32 $0x18800;
	s8 =	sadd.s32 s8, s5  }
0x10: {  	s5 =	sadd.s32 $0x97600, s10;
	s10 =	sadd.s32 $0x1D5000, s31;
	s7 =	sadd.s32 $0x856400, s8  }
0x11: {  	s8 =	smax.u32 s11, $0x1;
	s11 =	sshrl.u32 s14, $0x3;
	s14 =	simm.s32 $0x19000  }
.LBB2_1:
0x12: {  	[spmem:s11], [sflag:s6] =	dma.local [hbm:s5], $0x3100  }
0x13: {  	_ =	swait.ge [sflag:s12], $0x3100  }
0x14: {  	[sflag:s12] =	ssyncset.done $0x0  }
0x15: {  	[sflag:s12] =	ssyncadd.s32 $0xFFFFCF00  }
0x16: {  	s28 =	sadd.s32 $0x0, s10;
	[bflag:$0x0] =	sbarrier.arrive $0xFFFF  }
0x17: {  	[tilespmem:s13], [sflag:$0x3] =	stream.linear.gather [hbm4b:s28+s3], $0x800, $0x38;
	[tilespmem:$0x1D800] =	vst v63  }
0x18: {  	_ =	swait.ge [sflag:s12], $0x800  }
0x19: {  	[sflag:s12] =	ssyncset.done $0x0  }
0x1a: {  	s28 =	sadd.s32 $0x0, s9;
	[sflag:s12] =	ssyncadd.s32 $0xFFFFF800  }
0x1b: {  	[tilespmem:s14], [sflag:$0x3] =	stream.linear.gather [hbm4b:s28+s3], $0x800, $0x38;
	[tilespmem:$0x1D800] =	vst v63  }
0x1c: {  	_ =	swait.ge [sflag:s12], $0x800  }
0x1d: {  	[sflag:s12] =	ssyncset.done $0x0  }
0x1e: {  	[sflag:s12] =	ssyncadd.s32 $0xFFFFF800  }
0x1f: {  	[tilespmem:s16], [sflag:$0x1] =	stream.indirect.gather [hbm4b:s4+s15], $0x10, s13, s15, $0xb8;
	[tilespmem:$0x1D800] =	vst v63  }
0x20: {  	_ = 	snop  }
0x21: {  	[tilespmem:s18], [sflag:$0x2] =	stream.indirect.gather [hbm4b:s4+s15], $0x10, s17, s15, $0xb8;
	[tilespmem:$0x1D800] =	vst v63  }
0x22: {  	_ =	swait.ge [sflag:s19], $0x2000  }
0x23: {  	[sflag:s19] =	ssyncset.done $0x0  }
0x24: {  	[sflag:s19] =	ssyncadd.s32 $0xFFFFE000  }
0x25: {  	[spmem:s2] =	stream.indirect.scatter.add.f32 [tilespmem:s16], [sflag:$0x3], $0x10, s14, s15, $0xb8;
	[tilespmem:$0x1D800] =	vst v63  }
0x26: {  	_ =	swait.ge [sflag:s12], $0x2000  }
0x27: {  	[sflag:s12] =	ssyncset.done $0x0  }
0x28: {  	[sflag:s12] =	ssyncadd.s32 $0xFFFFE000  }
0x29: {  	[tilespmem:s16], [sflag:$0x1] =	stream.indirect.gather [hbm4b:s4+s15], $0x10, s20, s15, $0xb8;
	[tilespmem:$0x1D800] =	vst v63  }
0x2a: {  	_ =	swait.ge [sflag:s21], $0x2000  }
0x2b: {  	[sflag:s21] =	ssyncset.done $0x0  }
0x2c: {  	[sflag:s21] =	ssyncadd.s32 $0xFFFFE000  }
0x2d: {  	[spmem:s2] =	stream.indirect.scatter.add.f32 [tilespmem:s18], [sflag:$0x3], $0x10, s22, s15, $0xb8;
	[tilespmem:$0x1D800] =	vst v63  }
0x2e: {  	_ =	swait.ge [sflag:s12], $0x2000  }
0x2f: {  	[sflag:s12] =	ssyncset.done $0x0  }
0x30: {  	[sflag:s12] =	ssyncadd.s32 $0xFFFFE000  }
0x31: {  	[tilespmem:s18], [sflag:$0x2] =	stream.indirect.gather [hbm4b:s4+s15], $0x10, s23, s15, $0xb8;
	[tilespmem:$0x1D800] =	vst v63  }
0x32: {  	_ =	swait.ge [sflag:s19], $0x2000  }
0x33: {  	[sflag:s19] =	ssyncset.done $0x0  }
0x34: {  	[sflag:s19] =	ssyncadd.s32 $0xFFFFE000  }
0x35: {  	[spmem:s2] =	stream.indirect.scatter.add.f32 [tilespmem:s16], [sflag:$0x3], $0x10, s24, s15, $0xb8;
	[tilespmem:$0x1D800] =	vst v63  }
0x36: {  	_ =	swait.ge [sflag:s12], $0x2000  }
0x37: {  	[sflag:s12] =	ssyncset.done $0x0  }
0x38: {  	[sflag:s12] =	ssyncadd.s32 $0xFFFFE000  }
0x39: {  	_ =	swait.ge [sflag:s21], $0x2000  }
0x3a: {  	[sflag:s21] =	ssyncset.done $0x0  }
0x3b: {  	[sflag:s21] =	ssyncadd.s32 $0xFFFFE000  }
0x3c: {  	[spmem:s2] =	stream.indirect.scatter.add.f32 [tilespmem:s18], [sflag:$0x3], $0x10, s25, s15, $0xb8;
	[tilespmem:$0x1D800] =	vst v63  }
0x3d: {  	_ =	swait.ge [sflag:s12], $0x2000  }
0x3e: {  	s30 =	simm.s32 $0x200;
	s28 =	simm.s32 $0x100;
	[sflag:s12] =	ssyncset.done $0x0  }
.LBB2_2:
0x3f: {  	s31 =	sadd.s32 s28, s10  }
0x40: {  	[sflag:s12] =	ssyncadd.s32 $0xFFFFE000;
	s0 =	smov.u32 s30;
	s29 =	sadd.s32 $0x100, s30  }
0x41: {  	[tilespmem:s13], [sflag:$0x3] =	stream.linear.gather [hbm4b:s31+s3], $0x800, $0x38;
	[tilespmem:$0x1D800] =	vst v63  }
0x42: {  	p0 =	sne.s32 s30, $0x3100;
	_ =	swait.ge [sflag:s12], $0x800  }
0x43: {  	[sflag:s12] =	ssyncset.done $0x0  }
0x44: {  	s30 =	sadd.s32 s28, s9;
	s28 =	smov.u32 s0;
	[sflag:s12] =	ssyncadd.s32 $0xFFFFF800  }
0x45: {  	[tilespmem:s14], [sflag:$0x3] =	stream.linear.gather [hbm4b:s30+s3], $0x800, $0x38;
	[tilespmem:$0x1D800] =	vst v63  }
0x46: {  	_ =	swait.ge [sflag:s12], $0x800  }
0x47: {  	[sflag:s12] =	ssyncset.done $0x0  }
0x48: {  	[sflag:s12] =	ssyncadd.s32 $0xFFFFF800  }
0x49: {  	[tilespmem:s16], [sflag:$0x1] =	stream.indirect.gather [hbm4b:s4+s15], $0x10, s13, s15, $0xb8;
	[tilespmem:$0x1D800] =	vst v63  }
0x4a: {  	_ = 	snop  }
0x4b: {  	[tilespmem:s18], [sflag:$0x2] =	stream.indirect.gather [hbm4b:s4+s15], $0x10, s17, s15, $0xb8;
	[tilespmem:$0x1D800] =	vst v63  }
0x4c: {  	_ =	swait.ge [sflag:s19], $0x2000  }
0x4d: {  	[sflag:s19] =	ssyncset.done $0x0  }
0x4e: {  	[sflag:s19] =	ssyncadd.s32 $0xFFFFE000  }
0x4f: {  	[spmem:s2] =	stream.indirect.scatter.add.f32 [tilespmem:s16], [sflag:$0x3], $0x10, s14, s15, $0xb8;
	[tilespmem:$0x1D800] =	vst v63  }
0x50: {  	_ =	swait.ge [sflag:s12], $0x2000  }
0x51: {  	[sflag:s12] =	ssyncset.done $0x0  }
0x52: {  	[sflag:s12] =	ssyncadd.s32 $0xFFFFE000  }
0x53: {  	[tilespmem:s16], [sflag:$0x1] =	stream.indirect.gather [hbm4b:s4+s15], $0x10, s20, s15, $0xb8;
	[tilespmem:$0x1D800] =	vst v63  }
0x54: {  	_ =	swait.ge [sflag:s21], $0x2000  }
0x55: {  	[sflag:s21] =	ssyncset.done $0x0  }
0x56: {  	[sflag:s21] =	ssyncadd.s32 $0xFFFFE000  }
0x57: {  	[spmem:s2] =	stream.indirect.scatter.add.f32 [tilespmem:s18], [sflag:$0x3], $0x10, s22, s15, $0xb8;
	[tilespmem:$0x1D800] =	vst v63  }
0x58: {  	_ =	swait.ge [sflag:s12], $0x2000  }
0x59: {  	[sflag:s12] =	ssyncset.done $0x0  }
0x5a: {  	[sflag:s12] =	ssyncadd.s32 $0xFFFFE000  }
0x5b: {  	[tilespmem:s18], [sflag:$0x2] =	stream.indirect.gather [hbm4b:s4+s15], $0x10, s23, s15, $0xb8;
	[tilespmem:$0x1D800] =	vst v63  }
0x5c: {  	_ =	swait.ge [sflag:s19], $0x2000  }
0x5d: {  	[sflag:s19] =	ssyncset.done $0x0  }
0x5e: {  	[sflag:s19] =	ssyncadd.s32 $0xFFFFE000  }
0x5f: {  	[spmem:s2] =	stream.indirect.scatter.add.f32 [tilespmem:s16], [sflag:$0x3], $0x10, s24, s15, $0xb8;
	[tilespmem:$0x1D800] =	vst v63  }
0x60: {  	_ =	swait.ge [sflag:s12], $0x2000  }
0x61: {  	[sflag:s12] =	ssyncset.done $0x0  }
0x62: {  	[sflag:s12] =	ssyncadd.s32 $0xFFFFE000  }
0x63: {  	_ =	swait.ge [sflag:s21], $0x2000  }
.Ltmp0:
0x64: {  	[sflag:s21] =	ssyncset.done $0x0;
	(pc) =	sbr.rel @p0 .LBB2_2-.Ltmp0, $4  }
0x65: {  	[sflag:s21] =	ssyncadd.s32 $0xFFFFE000  }
0x66: {  	[spmem:s2] =	stream.indirect.scatter.add.f32 [tilespmem:s18], [sflag:$0x3], $0x10, s25, s15, $0xb8;
	[tilespmem:$0x1D800] =	vst v63  }
0x67: {  	_ =	swait.ge [sflag:s12], $0x2000  }
0x68: {  	s30 =	smov.u32 s29;
	[sflag:s12] =	ssyncset.done $0x0  }
0x69: {  	s0 =	sadd.s32 s28, s10;
	[sflag:s12] =	ssyncadd.s32 $0xFFFFE000  }
0x6a: {  	[tilespmem:s13], [sflag:$0x3] =	stream.linear.gather [hbm4b:s0+s3], $0x800, $0x38;
	[tilespmem:$0x1D800] =	vst v63  }
0x6b: {  	_ =	swait.ge [sflag:s12], $0x800  }
0x6c: {  	[sflag:s12] =	ssyncset.done $0x0  }
0x6d: {  	s31 =	sadd.s32 s28, s9;
	[sflag:s12] =	ssyncadd.s32 $0xFFFFF800  }
0x6e: {  	[tilespmem:s14], [sflag:$0x3] =	stream.linear.gather [hbm4b:s31+s3], $0x800, $0x38;
	[tilespmem:$0x1D800] =	vst v63  }
0x6f: {  	_ =	swait.ge [sflag:s12], $0x800  }
0x70: {  	[sflag:s12] =	ssyncset.done $0x0  }
0x71: {  	[sflag:s12] =	ssyncadd.s32 $0xFFFFF800  }
0x72: {  	[tilespmem:s16], [sflag:$0x1] =	stream.indirect.gather [hbm4b:s4+s15], $0x10, s13, s15, $0xb8;
	[tilespmem:$0x1D800] =	vst v63  }
0x73: {  	_ = 	snop  }
0x74: {  	[tilespmem:s18], [sflag:$0x2] =	stream.indirect.gather [hbm4b:s4+s15], $0x10, s17, s15, $0xb8;
	[tilespmem:$0x1D800] =	vst v63  }
0x75: {  	_ =	swait.ge [sflag:s19], $0x2000  }
0x76: {  	[sflag:s19] =	ssyncset.done $0x0  }
0x77: {  	[sflag:s19] =	ssyncadd.s32 $0xFFFFE000  }
0x78: {  	[spmem:s2] =	stream.indirect.scatter.add.f32 [tilespmem:s16], [sflag:$0x3], $0x10, s14, s15, $0xb8;
	[tilespmem:$0x1D800] =	vst v63  }
0x79: {  	_ =	swait.ge [sflag:s12], $0x2000  }
0x7a: {  	[sflag:s12] =	ssyncset.done $0x0  }
0x7b: {  	[sflag:s12] =	ssyncadd.s32 $0xFFFFE000  }
0x7c: {  	[tilespmem:s16], [sflag:$0x1] =	stream.indirect.gather [hbm4b:s4+s15], $0x10, s20, s15, $0xb8;
	[tilespmem:$0x1D800] =	vst v63  }
0x7d: {  	_ =	swait.ge [sflag:s21], $0x2000  }
0x7e: {  	[sflag:s21] =	ssyncset.done $0x0  }
0x7f: {  	[sflag:s21] =	ssyncadd.s32 $0xFFFFE000  }
0x80: {  	[spmem:s2] =	stream.indirect.scatter.add.f32 [tilespmem:s18], [sflag:$0x3], $0x10, s22, s15, $0xb8;
	[tilespmem:$0x1D800] =	vst v63  }
0x81: {  	_ =	swait.ge [sflag:s12], $0x2000  }
0x82: {  	[sflag:s12] =	ssyncset.done $0x0  }
0x83: {  	[sflag:s12] =	ssyncadd.s32 $0xFFFFE000  }
0x84: {  	[tilespmem:s18], [sflag:$0x2] =	stream.indirect.gather [hbm4b:s4+s15], $0x10, s23, s15, $0xb8;
	[tilespmem:$0x1D800] =	vst v63  }
0x85: {  	_ =	swait.ge [sflag:s19], $0x2000  }
0x86: {  	[sflag:s19] =	ssyncset.done $0x0  }
0x87: {  	[sflag:s19] =	ssyncadd.s32 $0xFFFFE000  }
0x88: {  	[spmem:s2] =	stream.indirect.scatter.add.f32 [tilespmem:s16], [sflag:$0x3], $0x10, s24, s15, $0xb8;
	[tilespmem:$0x1D800] =	vst v63  }
0x89: {  	_ =	swait.ge [sflag:s12], $0x2000  }
0x8a: {  	[sflag:s12] =	ssyncset.done $0x0  }
0x8b: {  	[sflag:s12] =	ssyncadd.s32 $0xFFFFE000  }
0x8c: {  	_ =	swait.ge [sflag:s21], $0x2000  }
0x8d: {  	[sflag:s21] =	ssyncset.done $0x0  }
0x8e: {  	[sflag:s21] =	ssyncadd.s32 $0xFFFFE000  }
0x8f: {  	[spmem:s2] =	stream.indirect.scatter.add.f32 [tilespmem:s18], [sflag:$0x3], $0x10, s25, s15, $0xb8;
	[tilespmem:$0x1D800] =	vst v63  }
0x90: {  	_ =	swait.ge [sflag:s12], $0x2000  }
0x91: {  	s26 =	sadd.s32 $0x1, s26;
	[sflag:s12] =	ssyncset.done $0x0  }
0x92: {  	p0 =	sne.s32 s26, s8;
	[sflag:s12] =	ssyncadd.s32 $0xFFFFE000  }
.Ltmp1:
0x93: {  	[bflag:$0x0] =	sbarrier.arrive $0xFFFF;
	(pc) =	sbr.rel @p0 .LBB2_1-.Ltmp1, $4  }
0x94: {  	[hbm:s7], [sflag:s6] =	dma.local [spmem:s11], $0x3100  }
0x95: {  	_ =	swait.ge [sflag:s12], $0x3100  }
0x96: {  	[sflag:s12] =	ssyncset.done $0x0  }
0x97: {  	[sflag:s12] =	ssyncadd.s32 $0xFFFFCF00  }
0x98: {  	_ =	sfence.sel $0x180000  }
0x99: {  	[bflag:$0x0] =	sbarrier.arrive $0xFFFF  }
0x9a: {  	_ =	strace $0x9000004D  }
0x9b: {  	[bflag:$0x2] =	sbarrier.arrive $0xFFFF  }
0x9c: {  	p0 =	sne.s32 s1, $0x0;
	s0 =	rddreg [dreg:$0x2]  }
0x9d: {  	s0 =	sadd.s32 @!p0 $0x100000, s0  }
0x9e: {  	[sflag:s0] =	ssyncadd.tile.s32 @!p0 $0x1;
	_ =	shalt  }
.Lfunc_end2:
_tile_overlayer_lowered:
.L_overlay_start_2:
0x9f: {  	(tag) =	ssettag $0x2  }
0xa0: {  	s0 =	rddreg [dreg:$0x0];
	s2 =	stileid.u32  }
0xa1: {  	s1 =	rddreg [dreg:$0x1];
	p0 =	sne.s32 s2, $0x0  }
0xa2: {  	s3 =	rddreg [dreg:$0x2];
	[bflag:$0x3] =	sbarrier.arrive $0xFFFF;
	s2 =	simm.s32 @!p0 $0x1C03  }
0xa3: {  	[timem:s3], [sflag:s2] =	dma.local @!p0 [hbm:s0], s1  }
0xa4: {  	s0 =	simm.s32 @!p0 $0x3  }
0xa5: {  	_ =	swait.ge @!p0 [sflag:s0], s1  }
0xa6: {  	s1 =	ssub.s32 @!p0 $0x0, s1;
	[sflag:s0] =	ssyncset.done @!p0 $0x0  }
0xa7: {  	[sflag:s0] =	ssyncadd.s32 @!p0 s1  }
0xa8: {  	[bflag:$0x3] =	sbarrier.arrive $0xFFFF  }
0xa9: {  	_ =	shalt  }

// kernel: kernel.19.cloned.1.call-start
scs
__scs_entry_jumppad:
0x0: {  	(pc) =	sbr.rel $0x88, $3  }
0x1: {  	(tag) =	ssettag $0x0;
	lr =	simm.s32 $0x1  }
0x2: {  	[smem:$0x3F8F] =	sst lr;
	_ =	strace $0xD0000000  }
0x3: {  	_ = 	snop  }
0x4: {  	_ = 	snop  }
0x5: {  	_ = 	snop  }
0x6: {  	_ = 	snop  }
0x7: {  	_ = 	snop  }
__scs_overlays_trampoline_lowered:
0x8: {  	[smem:$0x3F9E] =	sst s0  }
0x9: {  	[smem:$0x3F9F] =	sst s1  }
0xa: {  	[smem:$0x3FA0] =	sst s2  }
0xb: {  	[smem:$0x3FA1] =	sst s3  }
0xc: {  	[smem:$0x3FA2] =	sst s4  }
0xd: {  	[smem:$0x3FA3] =	sst s5  }
0xe: {  	[smem:$0x3FA4] =	sst s6  }
0xf: {  	[smem:$0x3FA5] =	sst s7  }
0x10: {  	[smem:$0x3FA6] =	sst s8  }
0x11: {  	[smem:$0x3FA7] =	sst s9;
	s0 =	simm.s32 @!p0 $0x0  }
0x12: {  	s1 =	sld [smem:$0x3F8D];
	s0 =	simm.s32 @p0 $0x1  }
0x13: {  	[smem:$0x3FA8] =	sst s0;
	s0 =	simm.s32 @!p1 $0x0  }
0x14: {  	s2 =	sld [smem:$0x3F8C];
	s0 =	simm.s32 @p1 $0x1  }
0x15: {  	[smem:$0x3FA9] =	sst s0;
	s0 =	simm.s32 @!p2 $0x0  }
0x16: {  	s3 =	sld [smem:$0x3FDB];
	s0 =	simm.s32 @p2 $0x1  }
0x17: {  	s4 =	simm.s32 $0x1BF5;
	[smem:$0x3FAB] =	sst s0  }
0x18: {  	s0 =	sld [smem:$0x3F8E];
	_ =	swait.ge [sflag:s4], $0x0  }
0x19: {  	s7 =	sld [smem:$0x3F8F]  }
0x1a: {  	s8 =	sadd.s32 $0xFFFFE003, lr  }
0x1b: {  	s9 =	sadd.s32 $0xFFFFFEF7, lr;
	s5 =	simm.s32 $0xFFFFFFFF;
	p2 =	slt.u32 s8, $0xFFFFF086  }
0x1c: {  	p1 =	slt.u32 s9, $0xF7A;
	s5 =	simm.s32 @!p2 $0x0  }
0x1d: {  	s5 =	simm.s32 @p1 $0x1;
	p0 =	seq.s32 s7, s2  }
0x1e: {  	s7 =	smul.u32 @!p0 $0xF7A, s2;
	p2 =	seq.s32 @!p0 s5, $0x0  }
0x1f: {  	s9 =	smul.u32 $0xF7A, s1;
	s8 =	simm.s32 @!p0 $0x1BF5;
	p2 =	por !p2, p0  }
0x20: {  	[sflag:s8] =	ssyncset.s32 @!p0 $0xFFFFF086;
	s6 =	sadd.s32 @!p0 s3, s7;
	s7 =	simm.s32 @!p0 $0x108  }
0x21: {  	s3 =	sadd.s32 s3, s9;
	s6 =	sadd.s32 @!p0 $0x88, s6;
	s7 =	simm.s32 @p2 $0x1082  }
0x22: {  	[simem:s7], [sflag:s8] =	dma.local @!p0 [hbm:s6], $0xF7A  }
0x23: {  	s9 =	sor.u32 $0xD0000000, s2;
	s6 =	simm.s32 $0x108;
	_ =	swait.ge @!p0 [sflag:s8], $0x0  }
0x24: {  	s3 =	sadd.s32 $0x88, s3;
	s6 =	simm.s32 @!p1 $0x1082;
	[sflag:s4] =	ssyncset.s32 $0xFFFFF086  }
0x25: {  	[simem:s6], [sflag:s4] =	dma.local [hbm:s3], $0xF7A  }
0x26: {  	[smem:$0x3F8F] =	sst s1;
	(tag) =	ssettag s2;
	_ =	strace s9  }
0x27: {  	s1 =	sld [smem:$0x3F9F]  }
0x28: {  	s2 =	sld [smem:$0x3FA0]  }
0x29: {  	s4 =	sld [smem:$0x3FA2]  }
0x2a: {  	p0 =	seq.s32 s5, $0x0;
	s5 =	sld [smem:$0x3FA3]  }
0x2b: {  	s6 =	sld [smem:$0x3FA4]  }
0x2c: {  	s7 =	sld [smem:$0x3FA5]  }
0x2d: {  	s3 =	simm.s32 $0x108;
	s8 =	sld [smem:$0x3FA6]  }
0x2e: {  	s3 =	simm.s32 @!p0 $0x1082;
	s9 =	sld [smem:$0x3FA7]  }
0x2f: {  	lr =	sadd.s32 s0, s3;
	s0 =	sld [smem:$0x3F9E]  }
0x30: {  	s3 =	sld [smem:$0x3FA1]  }
0x31: {  	[smem:$0x3FAA] =	sst s10  }
0x32: {  	s10 =	sld [smem:$0x3FA8];
	_ =	sdelay $0x3  }
0x33: {  	p0 =	seq.s32 s10, $0x1;
	s10 =	sld [smem:$0x3FAA];
	_ =	sdelay $0x3  }
0x34: {  	[smem:$0x3FAA] =	sst s10  }
0x35: {  	s10 =	sld [smem:$0x3FA9];
	_ =	sdelay $0x3  }
0x36: {  	p1 =	seq.s32 s10, $0x1;
	s10 =	sld [smem:$0x3FAA];
	_ =	sdelay $0x3  }
0x37: {  	[smem:$0x3FAA] =	sst s10  }
0x38: {  	s10 =	sld [smem:$0x3FAB]  }
0x39: {  	_ = 	snop;
	(pc) =	sbr.ind lr, $3  }
0x3a: {  	_ = 	snop  }
0x3b: {  	_ = 	snop  }
0x3c: {  	p2 =	seq.s32 s10, $0x1;
	s10 =	sld [smem:$0x3FAA]  }
0x3d: {  	_ =	shalt  }
0x3e: {  	_ =	shalt  }
0x3f: {  	_ =	shalt  }
0x40: {  	_ =	shalt  }
0x41: {  	_ =	shalt  }
0x42: {  	_ =	shalt  }
0x43: {  	_ =	shalt  }
0x44: {  	_ =	shalt  }
0x45: {  	_ =	shalt  }
0x46: {  	_ =	shalt  }
0x47: {  	_ =	shalt  }
0x48: {  	_ =	shalt  }
0x49: {  	_ =	shalt  }
0x4a: {  	_ =	shalt  }
0x4b: {  	_ =	shalt  }
0x4c: {  	_ =	shalt  }
0x4d: {  	_ =	shalt  }
0x4e: {  	_ =	shalt  }
0x4f: {  	_ =	shalt  }
0x50: {  	_ =	shalt  }
0x51: {  	_ =	shalt  }
0x52: {  	_ =	shalt  }
0x53: {  	_ =	shalt  }
0x54: {  	_ =	shalt  }
0x55: {  	_ =	shalt  }
0x56: {  	_ =	shalt  }
0x57: {  	_ =	shalt  }
0x58: {  	_ =	shalt  }
0x59: {  	_ =	shalt  }
0x5a: {  	_ =	shalt  }
0x5b: {  	_ =	shalt  }
0x5c: {  	_ =	shalt  }
0x5d: {  	_ =	shalt  }
0x5e: {  	_ =	shalt  }
0x5f: {  	_ =	shalt  }
0x60: {  	_ =	shalt  }
0x61: {  	_ =	shalt  }
0x62: {  	_ =	shalt  }
0x63: {  	_ =	shalt  }
0x64: {  	_ =	shalt  }
0x65: {  	_ =	shalt  }
0x66: {  	_ =	shalt  }
0x67: {  	_ =	shalt  }
0x68: {  	_ =	shalt  }
0x69: {  	_ =	shalt  }
0x6a: {  	_ =	shalt  }
0x6b: {  	_ =	shalt  }
0x6c: {  	_ =	shalt  }
0x6d: {  	_ =	shalt  }
0x6e: {  	_ =	shalt  }
0x6f: {  	_ =	shalt  }
0x70: {  	_ =	shalt  }
0x71: {  	_ =	shalt  }
0x72: {  	_ =	shalt  }
0x73: {  	_ =	shalt  }
0x74: {  	_ =	shalt  }
0x75: {  	_ =	shalt  }
0x76: {  	_ =	shalt  }
0x77: {  	_ =	shalt  }
0x78: {  	_ =	shalt  }
0x79: {  	_ =	shalt  }
0x7a: {  	_ =	shalt  }
0x7b: {  	_ =	shalt  }
0x7c: {  	_ =	shalt  }
0x7d: {  	_ =	shalt  }
0x7e: {  	_ =	shalt  }
0x7f: {  	_ =	shalt  }
0x80: {  	_ =	shalt  }
0x81: {  	_ =	shalt  }
0x82: {  	_ =	shalt  }
0x83: {  	_ =	shalt  }
0x84: {  	_ =	shalt  }
0x85: {  	_ =	shalt  }
0x86: {  	_ =	shalt  }
0x87: {  	_ =	shalt  }
.Lfunc_end0:
.L_simem_size_0:
called_computation.3_lowered:
.L_overlay_start_0:
0x88: {  	s2 =	sld [smem:$0x3FD9]  }
0x89: {  	s3 =	sld [smem:$0x3FFE];
	_ =	sdelay $0x1  }
0x8a: {  	s1 =	srdreg.scid  }
0x8b: {  	s0 =	sand.u32 $0x1, s1  }
0x8c: {  	s16 =	sshll.u32 s0, $0xA;
	s2 =	sadd.s32 s3, s2  }
0x8d: {  	s2 =	sadd.s32 s2, s16  }
0x8e: {  	[smem:$0x3FB6] =	sst s2  }
0x8f: {  	_ = 	snop  }
0x90: {  	(tm) =	ssettm $0x1  }
0x91: {  	s17 =	sld [smem:$0x3FFB];
	_ =	sdelay $0x3  }
0x92: {  	_ =	strace s17  }
0x93: {  	s2 =	sld [smem:$0x3FFC];
	_ =	sdelay $0x3  }
0x94: {  	_ =	strace s2  }
0x95: {  	s2 =	sld [smem:$0x3FFD];
	_ =	sdelay $0x3  }
0x96: {  	_ =	strace s2  }
0x97: {  	_ =	strace $0x8FFFFFFF  }
0x98: {  	s18 =	sld [smem:$0x3FDB];
	_ =	sdelay $0x1  }
0x99: {  	s19 =	simm.s32 $_scs_section_size  }
0x9a: {  	s4 =	simm.s32 $_size__tile_overlayer_lowered;
	s5 =	simm.s32 $_tile_overlayer_lowered  }
0x9b: {  	s22 =	simm.s32 $0x1BFF;
	s21 =	sshll.u32 s5, $0x1;
	s2 =	sadd.s32 s19, s18  }
0x9c: {  	s6 =	simm.s32 $0x0;
	s20 =	sshll.u32 s4, $0x1;
	s4 =	sadd.s32 s21, s2  }
0x9d: {  	[timem:s6], [sflag:s22] =	dma.local [hbm:s4], s20  }
0x9e: {  	_ =	swait.ge [sflag:s22], s20  }
0x9f: {  	s3 =	ssub.s32 $0x0, s20;
	[sflag:s22] =	ssyncset.done $0x0  }
0xa0: {  	[sflag:s22] =	ssyncadd.s32 s3;
	_ =	sdelay $0x1  }
0xa1: {  	s23 =	simm.s32 $0x1B8B  }
0xa2: {  	_ =	swait.ge [sflag:s23], $0x1  }
0xa3: {  	[sflag:s23] =	ssyncset.done $0x0  }
0xa4: {  	s25 =	simm.s32 $0x1B8E;
	s24 =	sld [smem:$0x3FFE];
	[sflag:s23] =	ssyncadd.s32 $0xFFFFFFFF  }
0xa5: {  	s26 =	simm.s32 $execute0_lowered;
	[smem:$0x3FD2] =	sst s25  }
0xa6: {  	s4 =	sshll.u32 s26, $0x1;
	_ =	strace $0x8000004F;
	[dreg:$0x1] =	wrdreg $0xFFFFFFFF  }
0xa7: {  	s28 =	simm.s32 $_size_execute0_lowered;
	s2 =	sadd.s32 s2, s4;
	[dreg:$0x0] =	wrdreg $0x0  }
0xa8: {  	s4 =	sshll.u32 s28, $0x1;
	[dreg:$0x2] =	wrdreg s2  }
0xa9: {  	[dreg:$0x3] =	wrdreg s4  }
0xaa: {  	[dreg:$0x4] =	wrdreg $0xC0  }
0xab: {  	_ =	task [dreg:s6], $0x5FFFF  }
0xac: {  	[dreg:$0x1] =	wrdreg $0xFFFFFFFF  }
0xad: {  	[dreg:$0x0] =	wrdreg $0x60  }
0xae: {  	[dreg:$0x2] =	wrdreg s24  }
0xaf: {  	[dreg:$0x3] =	wrdreg $0x0  }
0xb0: {  	[dreg:$0x4] =	wrdreg $0x9  }
0xb1: {  	_ =	task.clear_ibuf [dreg:s6], $0x5FFFF;
	_ =	strace $0x9000004F  }
0xb2: {  	s29 =	simm.s32 $0x9;
	_ =	strace $0x80000051  }
0xb3: {  	_ =	swait.ge [sflag:s29], $0x1  }
0xb4: {  	[sflag:s29] =	ssyncadd.s32 $0xFFFFFFFF  }
0xb5: {  	_ =	strace $0x90000051  }
0xb6: {  	_ =	sfence  }
0xb7: {  	s30 =	sld [smem:$0x0];
	_ =	sdelay $0x2  }
0xb8: {  	s31 =	sshll.u32 s1, $0xD;
	s1 =	sshrl.u32 s1, $0x2  }
0xb9: {  	s3 =	sand.u32 $0x4000, s31;
	s1 =	sadd.s32 s1, s30  }
0xba: {  	s0 =	sor.u32 s3, s0;
	s1 =	sshll.u32 s1, $0x11  }
0xbb: {  	s0 =	sor.u32 s1, s0  }
0xbc: {  	s0 =	sadd.s32 $0x8F2B, s0  }
0xbd: {  	[sflag:s0] =	ssyncadd.remote.s32 $0x1  }
0xbe: {  	_ =	sfence.sel $0xFFFF  }
0xbf: {  	[dreg:$0x0] =	wrdreg $0xFFFFFFFF;
	(pc) =	sbr.abs _section_cstart, $3  }
0xc0: {  	[dreg:$0x1] =	wrdreg $0xFFFFFFFF  }
0xc1: {  	_ =	task.clear_ibuf [dreg:s6], $0x2FFFF;
	_ =	strace $0x9FFFFFFF  }
0xc2: {  	(tm) =	ssettm $0x7FFFFFFF  }
0xc3: {  	_ =	shalt  }
tec
execute0_lowered:
.L_overlay_start_1:
0x0: {  	(tag) =	ssettag $0x1  }
0x1: {  	s5 =	rddreg [dreg:$0x0]  }
0x2: {  	s0 =	srdreg.scid;
	s2 =	rddreg [dreg:$0x1]  }
0x3: {  	s3 =	simm.s32 $0x0;
	s13 =	simm.s32 $0x1880;
	s14 =	simm.s32 $0x2080  }
0x4: {  	s15 =	simm.s32 $0x200;
	s16 =	simm.s32 $0x2880;
	s17 =	simm.s32 $0x1A80  }
0x5: {  	s18 =	simm.s32 $0x3880;
	s19 =	simm.s32 $0x1;
	s20 =	simm.s32 $0x1C80  }
0x6: {  	s21 =	simm.s32 $0x2;
	s22 =	simm.s32 $0x2280;
	s6 =	sand.u32 $0x1, s0  }
0x7: {  	s23 =	simm.s32 $0x1E80;
	s0 =	stileid.u32;
	s4 =	smul.u32 $0xC8000, s6  }
0x8: {  	s24 =	simm.s32 $0x2480;
	s25 =	simm.s32 $0x2680;
	s7 =	smul.u32 $0xC800, s0  }
0x9: {  	s26 =	simm.s32 $0x0;
	[smem:$0x7FF] =	sst s3;
	s30 =	smul.u32 $0xC400, s0  }
0xa: {  	s8 =	smul.u32 $0xC4000, s6;
	_ =	strace $0x80000050;
	s6 =	ssub.s32 $0x2, s6  }
0xb: {  	s31 =	sshll.u32 s0, $0x6;
	s11 =	sshrl.u32 s6, $0x1;
	s4 =	sadd.s32 s7, s4  }
0xc: {  	s8 =	sadd.s32 s30, s8;
	s9 =	sshrl.u32 s30, $0x3;
	s11 =	ssub.s32 s6, s11  }
0xd: {  	s12 =	sadd.s32 s30, s2;
	s6 =	sor.u32 $0x1C03, s31;
	s4 =	sshrl.u32 s4, $0x3  }
0xe: {  	s8 =	sshrl.u32 s8, $0x3;
	s9 =	sadd.s32 s9, s5;
	s10 =	sadd.s32 s4, s5  }
0xf: {  	s4 =	sadd.s32 $0x3A00, s5;
	s8 =	sadd.s32 s8, s5;
	s5 =	sadd.s32 $0x1BC800, s9  }
0x10: {  	s7 =	sadd.s32 $0x12C800, s8;
	s8 =	smax.u32 s11, $0x1;
	s9 =	sadd.s32 $0x34800, s10  }
0x11: {  	s10 =	sadd.s32 $0xFA800, s10;
	s11 =	sshrl.u32 s12, $0x3;
	s12 =	simm.s32 $0x3  }
.LBB2_1:
0x12: {  	[spmem:s11], [sflag:s6] =	dma.local [hbm:s5], $0x1880  }
0x13: {  	_ =	swait.ge [sflag:s12], $0x1880  }
0x14: {  	[sflag:s12] =	ssyncset.done $0x0  }
0x15: {  	[sflag:s12] =	ssyncadd.s32 $0xFFFFE780  }
0x16: {  	s28 =	sadd.s32 $0x0, s10;
	[bflag:$0x0] =	sbarrier.arrive $0xFFFF  }
0x17: {  	[tilespmem:s13], [sflag:$0x3] =	stream.linear.gather [hbm4b:s28+s3], $0x800, $0x38;
	[tilespmem:$0x4880] =	vst v63  }
0x18: {  	_ =	swait.ge [sflag:s12], $0x800  }
0x19: {  	[sflag:s12] =	ssyncset.done $0x0  }
0x1a: {  	s28 =	sadd.s32 $0x0, s9;
	[sflag:s12] =	ssyncadd.s32 $0xFFFFF800  }
0x1b: {  	[tilespmem:s14], [sflag:$0x3] =	stream.linear.gather [hbm4b:s28+s3], $0x800, $0x38;
	[tilespmem:$0x4880] =	vst v63  }
0x1c: {  	_ =	swait.ge [sflag:s12], $0x800  }
0x1d: {  	[sflag:s12] =	ssyncset.done $0x0  }
0x1e: {  	[sflag:s12] =	ssyncadd.s32 $0xFFFFF800  }
0x1f: {  	[tilespmem:s16], [sflag:$0x1] =	stream.indirect.gather [hbm4b:s4+s15], $0x1, s13, s15, $0xb8;
	[tilespmem:$0x4880] =	vst v63  }
0x20: {  	_ = 	snop  }
0x21: {  	[tilespmem:s18], [sflag:$0x2] =	stream.indirect.gather [hbm4b:s4+s15], $0x1, s17, s15, $0xb8;
	[tilespmem:$0x4880] =	vst v63  }
0x22: {  	_ =	swait.ge [sflag:s19], $0x200  }
0x23: {  	[sflag:s19] =	ssyncset.done $0x0  }
0x24: {  	[sflag:s19] =	ssyncadd.s32 $0xFFFFFE00  }
0x25: {  	[spmem:s2] =	stream.indirect.scatter.add.f32 [tilespmem:s16], [sflag:$0x3], $0x1, s14, s15, $0xb8;
	[tilespmem:$0x4880] =	vst v63  }
0x26: {  	_ =	swait.ge [sflag:s12], $0x200  }
0x27: {  	[sflag:s12] =	ssyncset.done $0x0  }
0x28: {  	[sflag:s12] =	ssyncadd.s32 $0xFFFFFE00  }
0x29: {  	[tilespmem:s16], [sflag:$0x1] =	stream.indirect.gather [hbm4b:s4+s15], $0x1, s20, s15, $0xb8;
	[tilespmem:$0x4880] =	vst v63  }
0x2a: {  	_ =	swait.ge [sflag:s21], $0x200  }
0x2b: {  	[sflag:s21] =	ssyncset.done $0x0  }
0x2c: {  	[sflag:s21] =	ssyncadd.s32 $0xFFFFFE00  }
0x2d: {  	[spmem:s2] =	stream.indirect.scatter.add.f32 [tilespmem:s18], [sflag:$0x3], $0x1, s22, s15, $0xb8;
	[tilespmem:$0x4880] =	vst v63  }
0x2e: {  	_ =	swait.ge [sflag:s12], $0x200  }
0x2f: {  	[sflag:s12] =	ssyncset.done $0x0  }
0x30: {  	[sflag:s12] =	ssyncadd.s32 $0xFFFFFE00  }
0x31: {  	[tilespmem:s18], [sflag:$0x2] =	stream.indirect.gather [hbm4b:s4+s15], $0x1, s23, s15, $0xb8;
	[tilespmem:$0x4880] =	vst v63  }
0x32: {  	_ =	swait.ge [sflag:s19], $0x200  }
0x33: {  	[sflag:s19] =	ssyncset.done $0x0  }
0x34: {  	[sflag:s19] =	ssyncadd.s32 $0xFFFFFE00  }
0x35: {  	[spmem:s2] =	stream.indirect.scatter.add.f32 [tilespmem:s16], [sflag:$0x3], $0x1, s24, s15, $0xb8;
	[tilespmem:$0x4880] =	vst v63  }
0x36: {  	_ =	swait.ge [sflag:s12], $0x200  }
0x37: {  	[sflag:s12] =	ssyncset.done $0x0  }
0x38: {  	[sflag:s12] =	ssyncadd.s32 $0xFFFFFE00  }
0x39: {  	_ =	swait.ge [sflag:s21], $0x200  }
0x3a: {  	[sflag:s21] =	ssyncset.done $0x0  }
0x3b: {  	[sflag:s21] =	ssyncadd.s32 $0xFFFFFE00  }
0x3c: {  	[spmem:s2] =	stream.indirect.scatter.add.f32 [tilespmem:s18], [sflag:$0x3], $0x1, s25, s15, $0xb8;
	[tilespmem:$0x4880] =	vst v63  }
0x3d: {  	_ =	swait.ge [sflag:s12], $0x200  }
0x3e: {  	s30 =	simm.s32 $0x200;
	s28 =	simm.s32 $0x100;
	[sflag:s12] =	ssyncset.done $0x0  }
.LBB2_2:
0x3f: {  	s31 =	sadd.s32 s28, s10  }
0x40: {  	[sflag:s12] =	ssyncadd.s32 $0xFFFFFE00;
	s1 =	smov.u32 s30;
	s29 =	sadd.s32 $0x100, s30  }
0x41: {  	[tilespmem:s13], [sflag:$0x3] =	stream.linear.gather [hbm4b:s31+s3], $0x800, $0x38;
	[tilespmem:$0x4880] =	vst v63  }
0x42: {  	p0 =	sne.s32 s30, $0x1800;
	_ =	swait.ge [sflag:s12], $0x800  }
0x43: {  	[sflag:s12] =	ssyncset.done $0x0  }
0x44: {  	s30 =	sadd.s32 s28, s9;
	s28 =	smov.u32 s1;
	[sflag:s12] =	ssyncadd.s32 $0xFFFFF800  }
0x45: {  	[tilespmem:s14], [sflag:$0x3] =	stream.linear.gather [hbm4b:s30+s3], $0x800, $0x38;
	[tilespmem:$0x4880] =	vst v63  }
0x46: {  	_ =	swait.ge [sflag:s12], $0x800  }
0x47: {  	[sflag:s12] =	ssyncset.done $0x0  }
0x48: {  	[sflag:s12] =	ssyncadd.s32 $0xFFFFF800  }
0x49: {  	[tilespmem:s16], [sflag:$0x1] =	stream.indirect.gather [hbm4b:s4+s15], $0x1, s13, s15, $0xb8;
	[tilespmem:$0x4880] =	vst v63  }
0x4a: {  	_ = 	snop  }
0x4b: {  	[tilespmem:s18], [sflag:$0x2] =	stream.indirect.gather [hbm4b:s4+s15], $0x1, s17, s15, $0xb8;
	[tilespmem:$0x4880] =	vst v63  }
0x4c: {  	_ =	swait.ge [sflag:s19], $0x200  }
0x4d: {  	[sflag:s19] =	ssyncset.done $0x0  }
0x4e: {  	[sflag:s19] =	ssyncadd.s32 $0xFFFFFE00  }
0x4f: {  	[spmem:s2] =	stream.indirect.scatter.add.f32 [tilespmem:s16], [sflag:$0x3], $0x1, s14, s15, $0xb8;
	[tilespmem:$0x4880] =	vst v63  }
0x50: {  	_ =	swait.ge [sflag:s12], $0x200  }
0x51: {  	[sflag:s12] =	ssyncset.done $0x0  }
0x52: {  	[sflag:s12] =	ssyncadd.s32 $0xFFFFFE00  }
0x53: {  	[tilespmem:s16], [sflag:$0x1] =	stream.indirect.gather [hbm4b:s4+s15], $0x1, s20, s15, $0xb8;
	[tilespmem:$0x4880] =	vst v63  }
0x54: {  	_ =	swait.ge [sflag:s21], $0x200  }
0x55: {  	[sflag:s21] =	ssyncset.done $0x0  }
0x56: {  	[sflag:s21] =	ssyncadd.s32 $0xFFFFFE00  }
0x57: {  	[spmem:s2] =	stream.indirect.scatter.add.f32 [tilespmem:s18], [sflag:$0x3], $0x1, s22, s15, $0xb8;
	[tilespmem:$0x4880] =	vst v63  }
0x58: {  	_ =	swait.ge [sflag:s12], $0x200  }
0x59: {  	[sflag:s12] =	ssyncset.done $0x0  }
0x5a: {  	[sflag:s12] =	ssyncadd.s32 $0xFFFFFE00  }
0x5b: {  	[tilespmem:s18], [sflag:$0x2] =	stream.indirect.gather [hbm4b:s4+s15], $0x1, s23, s15, $0xb8;
	[tilespmem:$0x4880] =	vst v63  }
0x5c: {  	_ =	swait.ge [sflag:s19], $0x200  }
0x5d: {  	[sflag:s19] =	ssyncset.done $0x0  }
0x5e: {  	[sflag:s19] =	ssyncadd.s32 $0xFFFFFE00  }
0x5f: {  	[spmem:s2] =	stream.indirect.scatter.add.f32 [tilespmem:s16], [sflag:$0x3], $0x1, s24, s15, $0xb8;
	[tilespmem:$0x4880] =	vst v63  }
0x60: {  	_ =	swait.ge [sflag:s12], $0x200  }
0x61: {  	[sflag:s12] =	ssyncset.done $0x0  }
0x62: {  	[sflag:s12] =	ssyncadd.s32 $0xFFFFFE00  }
0x63: {  	_ =	swait.ge [sflag:s21], $0x200  }
.Ltmp0:
0x64: {  	[sflag:s21] =	ssyncset.done $0x0;
	(pc) =	sbr.rel @p0 .LBB2_2-.Ltmp0, $4  }
0x65: {  	[sflag:s21] =	ssyncadd.s32 $0xFFFFFE00  }
0x66: {  	[spmem:s2] =	stream.indirect.scatter.add.f32 [tilespmem:s18], [sflag:$0x3], $0x1, s25, s15, $0xb8;
	[tilespmem:$0x4880] =	vst v63  }
0x67: {  	_ =	swait.ge [sflag:s12], $0x200  }
0x68: {  	s30 =	smov.u32 s29;
	[sflag:s12] =	ssyncset.done $0x0  }
0x69: {  	s1 =	sadd.s32 s28, s10;
	[sflag:s12] =	ssyncadd.s32 $0xFFFFFE00  }
0x6a: {  	[tilespmem:s13], [sflag:$0x3] =	stream.linear.gather [hbm4b:s1+s3], $0x800, $0x38;
	[tilespmem:$0x4880] =	vst v63  }
0x6b: {  	_ =	swait.ge [sflag:s12], $0x800  }
0x6c: {  	[sflag:s12] =	ssyncset.done $0x0  }
0x6d: {  	s31 =	sadd.s32 s28, s9;
	[sflag:s12] =	ssyncadd.s32 $0xFFFFF800  }
0x6e: {  	[tilespmem:s14], [sflag:$0x3] =	stream.linear.gather [hbm4b:s31+s3], $0x800, $0x38;
	[tilespmem:$0x4880] =	vst v63  }
0x6f: {  	_ =	swait.ge [sflag:s12], $0x800  }
0x70: {  	[sflag:s12] =	ssyncset.done $0x0  }
0x71: {  	[sflag:s12] =	ssyncadd.s32 $0xFFFFF800  }
0x72: {  	[tilespmem:s16], [sflag:$0x1] =	stream.indirect.gather [hbm4b:s4+s15], $0x1, s13, s15, $0xb8;
	[tilespmem:$0x4880] =	vst v63  }
0x73: {  	_ = 	snop  }
0x74: {  	[tilespmem:s18], [sflag:$0x2] =	stream.indirect.gather [hbm4b:s4+s15], $0x1, s17, s15, $0xb8;
	[tilespmem:$0x4880] =	vst v63  }
0x75: {  	_ =	swait.ge [sflag:s19], $0x200  }
0x76: {  	[sflag:s19] =	ssyncset.done $0x0  }
0x77: {  	[sflag:s19] =	ssyncadd.s32 $0xFFFFFE00  }
0x78: {  	[spmem:s2] =	stream.indirect.scatter.add.f32 [tilespmem:s16], [sflag:$0x3], $0x1, s14, s15, $0xb8;
	[tilespmem:$0x4880] =	vst v63  }
0x79: {  	_ =	swait.ge [sflag:s12], $0x200  }
0x7a: {  	[sflag:s12] =	ssyncset.done $0x0  }
0x7b: {  	[sflag:s12] =	ssyncadd.s32 $0xFFFFFE00  }
0x7c: {  	[tilespmem:s16], [sflag:$0x1] =	stream.indirect.gather [hbm4b:s4+s15], $0x1, s20, s15, $0xb8;
	[tilespmem:$0x4880] =	vst v63  }
0x7d: {  	_ =	swait.ge [sflag:s21], $0x200  }
0x7e: {  	[sflag:s21] =	ssyncset.done $0x0  }
0x7f: {  	[sflag:s21] =	ssyncadd.s32 $0xFFFFFE00  }
0x80: {  	[spmem:s2] =	stream.indirect.scatter.add.f32 [tilespmem:s18], [sflag:$0x3], $0x1, s22, s15, $0xb8;
	[tilespmem:$0x4880] =	vst v63  }
0x81: {  	_ =	swait.ge [sflag:s12], $0x200  }
0x82: {  	[sflag:s12] =	ssyncset.done $0x0  }
0x83: {  	[sflag:s12] =	ssyncadd.s32 $0xFFFFFE00  }
0x84: {  	[tilespmem:s18], [sflag:$0x2] =	stream.indirect.gather [hbm4b:s4+s15], $0x1, s23, s15, $0xb8;
	[tilespmem:$0x4880] =	vst v63  }
0x85: {  	_ =	swait.ge [sflag:s19], $0x200  }
0x86: {  	[sflag:s19] =	ssyncset.done $0x0  }
0x87: {  	[sflag:s19] =	ssyncadd.s32 $0xFFFFFE00  }
0x88: {  	[spmem:s2] =	stream.indirect.scatter.add.f32 [tilespmem:s16], [sflag:$0x3], $0x1, s24, s15, $0xb8;
	[tilespmem:$0x4880] =	vst v63  }
0x89: {  	_ =	swait.ge [sflag:s12], $0x200  }
0x8a: {  	[sflag:s12] =	ssyncset.done $0x0  }
0x8b: {  	[sflag:s12] =	ssyncadd.s32 $0xFFFFFE00  }
0x8c: {  	_ =	swait.ge [sflag:s21], $0x200  }
0x8d: {  	[sflag:s21] =	ssyncset.done $0x0  }
0x8e: {  	[sflag:s21] =	ssyncadd.s32 $0xFFFFFE00  }
0x8f: {  	[spmem:s2] =	stream.indirect.scatter.add.f32 [tilespmem:s18], [sflag:$0x3], $0x1, s25, s15, $0xb8;
	[tilespmem:$0x4880] =	vst v63  }
0x90: {  	_ =	swait.ge [sflag:s12], $0x200  }
0x91: {  	s26 =	sadd.s32 $0x1, s26;
	[sflag:s12] =	ssyncset.done $0x0  }
0x92: {  	p0 =	sne.s32 s26, s8;
	[sflag:s12] =	ssyncadd.s32 $0xFFFFFE00  }
.Ltmp1:
0x93: {  	[bflag:$0x0] =	sbarrier.arrive $0xFFFF;
	(pc) =	sbr.rel @p0 .LBB2_1-.Ltmp1, $4  }
0x94: {  	[hbm:s7], [sflag:s6] =	dma.local [spmem:s11], $0x1880  }
0x95: {  	_ =	swait.ge [sflag:s12], $0x1880  }
0x96: {  	[sflag:s12] =	ssyncset.done $0x0  }
0x97: {  	[sflag:s12] =	ssyncadd.s32 $0xFFFFE780  }
0x98: {  	_ =	sfence.sel $0x180000  }
0x99: {  	[bflag:$0x0] =	sbarrier.arrive $0xFFFF  }
0x9a: {  	_ =	strace $0x90000050  }
0x9b: {  	[bflag:$0x2] =	sbarrier.arrive $0xFFFF  }
0x9c: {  	p0 =	sne.s32 s0, $0x0;
	s0 =	rddreg [dreg:$0x2]  }
0x9d: {  	s0 =	sadd.s32 @!p0 $0x100000, s0  }
0x9e: {  	[sflag:s0] =	ssyncadd.tile.s32 @!p0 $0x1;
	_ =	shalt  }
.Lfunc_end2:
_tile_overlayer_lowered:
.L_overlay_start_2:
0x9f: {  	(tag) =	ssettag $0x2  }
0xa0: {  	s0 =	rddreg [dreg:$0x0];
	s2 =	stileid.u32  }
0xa1: {  	s1 =	rddreg [dreg:$0x1];
	p0 =	sne.s32 s2, $0x0  }
0xa2: {  	s3 =	rddreg [dreg:$0x2];
	[bflag:$0x3] =	sbarrier.arrive $0xFFFF;
	s2 =	simm.s32 @!p0 $0x1C03  }
0xa3: {  	[timem:s3], [sflag:s2] =	dma.local @!p0 [hbm:s0], s1  }
0xa4: {  	s0 =	simm.s32 @!p0 $0x3  }
0xa5: {  	_ =	swait.ge @!p0 [sflag:s0], s1  }
0xa6: {  	s1 =	ssub.s32 @!p0 $0x0, s1;
	[sflag:s0] =	ssyncset.done @!p0 $0x0  }
0xa7: {  	[sflag:s0] =	ssyncadd.s32 @!p0 s1  }
0xa8: {  	[bflag:$0x3] =	sbarrier.arrive $0xFFFF  }
0xa9: {  	_ =	shalt  }

</sc_bundles>
